<compile_context>
chip_gen: v7x
topology: tpu7x:2x2x1
jax: 0.10.2.dev20260603
libtpu: 0.0.44.dev20260713+nightly
codegen_flags: <defaults>
</compile_context>

<pallas_src>
import functools

import jax
import jax.numpy as jnp
from jax import lax
from jax.experimental import pallas as pl
from jax.experimental.pallas import tpu as pltpu
from jax.experimental.pallas import tpu_sc as plsc

FEATURES = 64
B_TOK = 4096 * 50
LANE = 128
NC, NS = 2, 16
NW = NC * NS
B_PER_W = B_TOK // NW
NJ = 5
CHUNK = NJ * LANE
NCHUNK = B_PER_W // CHUNK


def _gather_body(idx_hbm, table_hbm, out_hbm, idx_v, rows0, rows1,
                 sg0, sg1, so0, so1):
    wid = lax.axis_index("s") * NC + lax.axis_index("c")
    base = wid * B_PER_W
    pltpu.sync_copy(idx_hbm.at[pl.ds(base, B_PER_W)], idx_v)

    rows = (rows0, rows1)
    sg = (sg0, sg1)
    so = (so0, so1)
    gather_h = {}
    write_h = {}

    def fire_gathers(c):
        b = c % 2
        hs = []
        for j in range(NJ):
            k = c * NJ + j
            hs.append(pltpu.async_copy(
                table_hbm.at[idx_v.at[pl.ds(k * LANE, LANE)]],
                rows[b].at[pl.ds(j * LANE, LANE)],
                sg[b]))
        gather_h[c] = hs

    fire_gathers(0)
    for c in range(NCHUNK):
        b = c % 2
        if c + 1 < NCHUNK:
            if c >= 1:
                write_h[c - 1].wait()
            fire_gathers(c + 1)
        for h in gather_h[c]:
            h.wait()
        write_h[c] = pltpu.async_copy(
            rows[b], out_hbm.at[pl.ds(base + c * CHUNK, CHUNK)], so[b])
    write_h[NCHUNK - 2].wait()
    write_h[NCHUNK - 1].wait()


@jax.jit
def _gather(idx1d, table):
    mesh = plsc.VectorSubcoreMesh(core_axis_name="c", subcore_axis_name="s")
    fn = functools.partial(
        pl.kernel,
        out_type=jax.ShapeDtypeStruct((B_TOK, FEATURES), jnp.float32),
        mesh=mesh,
        scratch_types=[
            pltpu.VMEM((B_PER_W,), jnp.int32),
            pltpu.VMEM((CHUNK, FEATURES), jnp.float32),
            pltpu.VMEM((CHUNK, FEATURES), jnp.float32),
            pltpu.SemaphoreType.DMA,
            pltpu.SemaphoreType.DMA,
            pltpu.SemaphoreType.DMA,
            pltpu.SemaphoreType.DMA,
        ],
        compiler_params=pltpu.CompilerParams(use_tc_tiling_on_sc=False),
    )(_gather_body)
    return fn(idx1d, table)


def kernel(inputs, embedding):
    idx1d = inputs.T.reshape(B_TOK).astype(jnp.int32)
    out = _gather(idx1d, embedding)
    return out.reshape(inputs.shape[1], inputs.shape[0],
                       embedding.shape[-1]).transpose(1, 0, 2)

# --- scband reference (transcript-rebuilt; emitter-appended) ---
"""Pipeline reference for scband-yat-embed-14156212207734 (READ-ONLY COPY).

The authoritative reference and input builder live on the scoring server;
editing this copy changes nothing except your own understanding.
"""

import jax, jax.numpy as jnp
import numpy as np

NUM_EMBEDDINGS = 1000000
FEATURES = 64

def setup_inputs(seed: int = 0) -> dict:
    key = jax.random.key(seed)
    k_idx, k_emb = jax.random.split(key)
    inputs = jax.random.randint(k_idx, (4096, 50), 0, NUM_EMBEDDINGS, dtype=jnp.int64 if jax.config.jax_enable_x64 else jnp.int32)
    # xavier_normal init for (num_embeddings, features): std = sqrt(2/(fan_in+fan_out))
    std = float(np.sqrt(2.0 / (NUM_EMBEDDINGS + FEATURES)))
    embedding = jax.random.normal(k_emb, (NUM_EMBEDDINGS, FEATURES), dtype=jnp.float32) * std
    return {"inputs": inputs, "embedding": embedding}

def reference(inputs, embedding):
    # YatEmbed.__call__: num_embeddings != 1, so plain gather along axis 0
    return jnp.take(embedding, inputs, axis=0)

if __name__ == "__main__":
    import jax
    _d = setup_inputs()
    print(jax.jit(kernel)(*tuple(_d.values())))

</pallas_src>

<mosaic_0001>
#map = affine_map<(d0, d1) -> (0)>
#map1 = affine_map<(d0, d1) -> (0, 0)>
module attributes {stable_mosaic.version = 14 : i64} {
  func.func @_gather_body(%arg0: i32, %arg1: i32, %arg2: memref<204800xi32, #tpu.memory_space<hbm>>, %arg3: memref<1000000x64xf32, #tpu.memory_space<hbm>>, %arg4: memref<204800x64xf32, #tpu.memory_space<hbm>>, %arg5: memref<6400xi32, #tpu.memory_space<vmem>>, %arg6: memref<640x64xf32, #tpu.memory_space<vmem>>, %arg7: memref<640x64xf32, #tpu.memory_space<vmem>>, %arg8: memref<!tpu.dma_semaphore, #tpu.memory_space<semaphore_mem>>, %arg9: memref<!tpu.dma_semaphore, #tpu.memory_space<semaphore_mem>>, %arg10: memref<!tpu.dma_semaphore, #tpu.memory_space<semaphore_mem>>, %arg11: memref<!tpu.dma_semaphore, #tpu.memory_space<semaphore_mem>>) attributes {dimension_semantics = [#tpu.dimension_semantics<core_parallel>, #tpu.dimension_semantics<subcore_parallel>], iteration_bounds = array<i64: 2, 16>, scalar_prefetch = 0 : i64, scratch_operands = 7 : i64, tpu.core_type = #tpu.core_type<sc_vector_subcore>, window_params = [{transform_indices = #map}, {transform_indices = #map1}, {transform_indices = #map1}]} {
    %mul3A = arith.constant 2 : i32
    %mul3A_0 = arith.muli %arg1, %mul3A : i32
    %add3A = arith.addi %mul3A_0, %arg0 : i32
    %mul3A_1 = arith.constant 6400 : i32
    %mul3A_2 = arith.muli %add3A, %mul3A_1 : i32
    "tpu.region"() ({
      %run_scoped3A = tpu.sem_alloc : memref<!tpu.dma_semaphore, #tpu.memory_space<semaphore_mem>>
      %dma_start3A_901 = tpu.memref_slice %arg2[%mul3A_2] : memref<204800xi32, #tpu.memory_space<hbm>> -> memref<6400xi32, #tpu.memory_space<hbm>>
      %dma_start3A_902 = tpu.memref_slice %arg2[%mul3A_2] : memref<204800xi32, #tpu.memory_space<hbm>> -> memref<6400xi32, #tpu.memory_space<hbm>>
      tpu.enqueue_dma source(%dma_start3A_902 : memref<6400xi32, #tpu.memory_space<hbm>>) target(%arg5 : memref<6400xi32, #tpu.memory_space<vmem>>) target_semaphore(%run_scoped3A : memref<!tpu.dma_semaphore, #tpu.memory_space<semaphore_mem>>)
      %dma_wait3A_903 = tpu.memref_slice %arg2[%mul3A_2] : memref<204800xi32, #tpu.memory_space<hbm>> -> memref<6400xi32, #tpu.memory_space<hbm>>
      %dma_wait3A_904 = tpu.memref_slice %arg2[%mul3A_2] : memref<204800xi32, #tpu.memory_space<hbm>> -> memref<6400xi32, #tpu.memory_space<hbm>>
      tpu.wait_dma2 semaphore(%run_scoped3A : memref<!tpu.dma_semaphore, #tpu.memory_space<semaphore_mem>>) src(%dma_wait3A_904 : memref<6400xi32, #tpu.memory_space<hbm>>) dst(%arg5 : memref<6400xi32, #tpu.memory_space<vmem>>)
      tpu.yield
    }) : () -> ()
    %dma_start3A = arith.constant 0 : i32
    %dma_start3A_3 = arith.constant 0 : i32
    %dma_start3A_4 = tpu.memref_slice %arg6[%dma_start3A, %dma_start3A_3] : memref<640x64xf32, #tpu.memory_space<vmem>> -> memref<128x64xf32, #tpu.memory_space<vmem>>
    %dma_start3A_5 = arith.constant 0 : i32
    %dma_start3A_6 = tpu.memref_slice %arg5[%dma_start3A_5] : memref<6400xi32, #tpu.memory_space<vmem>> -> memref<128xi32, #tpu.memory_space<vmem>>
    %dma_start3A_7 = arith.constant 0 : i32
    %dma_start3A_8 = arith.constant 0 : i32
    %dma_start3A_9 = tpu.memref_slice %arg3[%dma_start3A_7, %dma_start3A_8] : memref<1000000x64xf32, #tpu.memory_space<hbm>> -> memref<1000000x64xf32, #tpu.memory_space<hbm>>
    tpu.enqueue_indirect_dma source(%dma_start3A_9 : memref<1000000x64xf32, #tpu.memory_space<hbm>>) target(%dma_start3A_4 : memref<128x64xf32, #tpu.memory_space<vmem>>) offsets(%dma_start3A_6 : memref<128xi32, #tpu.memory_space<vmem>>) semaphore(%arg8 : memref<!tpu.dma_semaphore, #tpu.memory_space<semaphore_mem>>)
    %dma_start3A_10 = arith.constant 128 : i32
    %dma_start3A_11 = arith.constant 0 : i32
    %dma_start3A_12 = tpu.memref_slice %arg6[%dma_start3A_10, %dma_start3A_11] : memref<640x64xf32, #tpu.memory_space<vmem>> -> memref<128x64xf32, #tpu.memory_space<vmem>>
    %dma_start3A_13 = arith.constant 128 : i32
    %dma_start3A_14 = tpu.memref_slice %arg5[%dma_start3A_13] : memref<6400xi32, #tpu.memory_space<vmem>> -> memref<128xi32, #tpu.memory_space<vmem>>
    %dma_start3A_15 = arith.constant 0 : i32
    %dma_start3A_16 = arith.constant 0 : i32
    %dma_start3A_17 = tpu.memref_slice %arg3[%dma_start3A_15, %dma_start3A_16] : memref<1000000x64xf32, #tpu.memory_space<hbm>> -> memref<1000000x64xf32, #tpu.memory_space<hbm>>
    tpu.enqueue_indirect_dma source(%dma_start3A_17 : memref<1000000x64xf32, #tpu.memory_space<hbm>>) target(%dma_start3A_12 : memref<128x64xf32, #tpu.memory_space<vmem>>) offsets(%dma_start3A_14 : memref<128xi32, #tpu.memory_space<vmem>>) semaphore(%arg8 : memref<!tpu.dma_semaphore, #tpu.memory_space<semaphore_mem>>)
    %dma_start3A_18 = arith.constant 256 : i32
    %dma_start3A_19 = arith.constant 0 : i32
    %dma_start3A_20 = tpu.memref_slice %arg6[%dma_start3A_18, %dma_start3A_19] : memref<640x64xf32, #tpu.memory_space<vmem>> -> memref<128x64xf32, #tpu.memory_space<vmem>>
    %dma_start3A_21 = arith.constant 256 : i32
    %dma_start3A_22 = tpu.memref_slice %arg5[%dma_start3A_21] : memref<6400xi32, #tpu.memory_space<vmem>> -> memref<128xi32, #tpu.memory_space<vmem>>
    %dma_start3A_23 = arith.constant 0 : i32
    %dma_start3A_24 = arith.constant 0 : i32
    %dma_start3A_25 = tpu.memref_slice %arg3[%dma_start3A_23, %dma_start3A_24] : memref<1000000x64xf32, #tpu.memory_space<hbm>> -> memref<1000000x64xf32, #tpu.memory_space<hbm>>
    tpu.enqueue_indirect_dma source(%dma_start3A_25 : memref<1000000x64xf32, #tpu.memory_space<hbm>>) target(%dma_start3A_20 : memref<128x64xf32, #tpu.memory_space<vmem>>) offsets(%dma_start3A_22 : memref<128xi32, #tpu.memory_space<vmem>>) semaphore(%arg8 : memref<!tpu.dma_semaphore, #tpu.memory_space<semaphore_mem>>)
    %dma_start3A_26 = arith.constant 384 : i32
    %dma_start3A_27 = arith.constant 0 : i32
    %dma_start3A_28 = tpu.memref_slice %arg6[%dma_start3A_26, %dma_start3A_27] : memref<640x64xf32, #tpu.memory_space<vmem>> -> memref<128x64xf32, #tpu.memory_space<vmem>>
    %dma_start3A_29 = arith.constant 384 : i32
    %dma_start3A_30 = tpu.memref_slice %arg5[%dma_start3A_29] : memref<6400xi32, #tpu.memory_space<vmem>> -> memref<128xi32, #tpu.memory_space<vmem>>
    %dma_start3A_31 = arith.constant 0 : i32
    %dma_start3A_32 = arith.constant 0 : i32
    %dma_start3A_33 = tpu.memref_slice %arg3[%dma_start3A_31, %dma_start3A_32] : memref<1000000x64xf32, #tpu.memory_space<hbm>> -> memref<1000000x64xf32, #tpu.memory_space<hbm>>
    tpu.enqueue_indirect_dma source(%dma_start3A_33 : memref<1000000x64xf32, #tpu.memory_space<hbm>>) target(%dma_start3A_28 : memref<128x64xf32, #tpu.memory_space<vmem>>) offsets(%dma_start3A_30 : memref<128xi32, #tpu.memory_space<vmem>>) semaphore(%arg8 : memref<!tpu.dma_semaphore, #tpu.memory_space<semaphore_mem>>)
    %dma_start3A_34 = arith.constant 512 : i32
    %dma_start3A_35 = arith.constant 0 : i32
    %dma_start3A_36 = tpu.memref_slice %arg6[%dma_start3A_34, %dma_start3A_35] : memref<640x64xf32, #tpu.memory_space<vmem>> -> memref<128x64xf32, #tpu.memory_space<vmem>>
    %dma_start3A_37 = arith.constant 512 : i32
    %dma_start3A_38 = tpu.memref_slice %arg5[%dma_start3A_37] : memref<6400xi32, #tpu.memory_space<vmem>> -> memref<128xi32, #tpu.memory_space<vmem>>
    %dma_start3A_39 = arith.constant 0 : i32
    %dma_start3A_40 = arith.constant 0 : i32
    %dma_start3A_41 = tpu.memref_slice %arg3[%dma_start3A_39, %dma_start3A_40] : memref<1000000x64xf32, #tpu.memory_space<hbm>> -> memref<1000000x64xf32, #tpu.memory_space<hbm>>
    tpu.enqueue_indirect_dma source(%dma_start3A_41 : memref<1000000x64xf32, #tpu.memory_space<hbm>>) target(%dma_start3A_36 : memref<128x64xf32, #tpu.memory_space<vmem>>) offsets(%dma_start3A_38 : memref<128xi32, #tpu.memory_space<vmem>>) semaphore(%arg8 : memref<!tpu.dma_semaphore, #tpu.memory_space<semaphore_mem>>)
    %dma_start3A_42 = arith.constant 0 : i32
    %dma_start3A_43 = arith.constant 0 : i32
    %dma_start3A_44 = tpu.memref_slice %arg7[%dma_start3A_42, %dma_start3A_43] : memref<640x64xf32, #tpu.memory_space<vmem>> -> memref<128x64xf32, #tpu.memory_space<vmem>>
    %dma_start3A_45 = arith.constant 640 : i32
    %dma_start3A_46 = tpu.memref_slice %arg5[%dma_start3A_45] : memref<6400xi32, #tpu.memory_space<vmem>> -> memref<128xi32, #tpu.memory_space<vmem>>
    %dma_start3A_47 = arith.constant 0 : i32
    %dma_start3A_48 = arith.constant 0 : i32
    %dma_start3A_49 = tpu.memref_slice %arg3[%dma_start3A_47, %dma_start3A_48] : memref<1000000x64xf32, #tpu.memory_space<hbm>> -> memref<1000000x64xf32, #tpu.memory_space<hbm>>
    tpu.enqueue_indirect_dma source(%dma_start3A_49 : memref<1000000x64xf32, #tpu.memory_space<hbm>>) target(%dma_start3A_44 : memref<128x64xf32, #tpu.memory_space<vmem>>) offsets(%dma_start3A_46 : memref<128xi32, #tpu.memory_space<vmem>>) semaphore(%arg9 : memref<!tpu.dma_semaphore, #tpu.memory_space<semaphore_mem>>)
    %dma_start3A_50 = arith.constant 128 : i32
    %dma_start3A_51 = arith.constant 0 : i32
    %dma_start3A_52 = tpu.memref_slice %arg7[%dma_start3A_50, %dma_start3A_51] : memref<640x64xf32, #tpu.memory_space<vmem>> -> memref<128x64xf32, #tpu.memory_space<vmem>>
    %dma_start3A_53 = arith.constant 768 : i32
    %dma_start3A_54 = tpu.memref_slice %arg5[%dma_start3A_53] : memref<6400xi32, #tpu.memory_space<vmem>> -> memref<128xi32, #tpu.memory_space<vmem>>
    %dma_start3A_55 = arith.constant 0 : i32
    %dma_start3A_56 = arith.constant 0 : i32
    %dma_start3A_57 = tpu.memref_slice %arg3[%dma_start3A_55, %dma_start3A_56] : memref<1000000x64xf32, #tpu.memory_space<hbm>> -> memref<1000000x64xf32, #tpu.memory_space<hbm>>
    tpu.enqueue_indirect_dma source(%dma_start3A_57 : memref<1000000x64xf32, #tpu.memory_space<hbm>>) target(%dma_start3A_52 : memref<128x64xf32, #tpu.memory_space<vmem>>) offsets(%dma_start3A_54 : memref<128xi32, #tpu.memory_space<vmem>>) semaphore(%arg9 : memref<!tpu.dma_semaphore, #tpu.memory_space<semaphore_mem>>)
    %dma_start3A_58 = arith.constant 256 : i32
    %dma_start3A_59 = arith.constant 0 : i32
    %dma_start3A_60 = tpu.memref_slice %arg7[%dma_start3A_58, %dma_start3A_59] : memref<640x64xf32, #tpu.memory_space<vmem>> -> memref<128x64xf32, #tpu.memory_space<vmem>>
    %dma_start3A_61 = arith.constant 896 : i32
    %dma_start3A_62 = tpu.memref_slice %arg5[%dma_start3A_61] : memref<6400xi32, #tpu.memory_space<vmem>> -> memref<128xi32, #tpu.memory_space<vmem>>
    %dma_start3A_63 = arith.constant 0 : i32
    %dma_start3A_64 = arith.constant 0 : i32
    %dma_start3A_65 = tpu.memref_slice %arg3[%dma_start3A_63, %dma_start3A_64] : memref<1000000x64xf32, #tpu.memory_space<hbm>> -> memref<1000000x64xf32, #tpu.memory_space<hbm>>
    tpu.enqueue_indirect_dma source(%dma_start3A_65 : memref<1000000x64xf32, #tpu.memory_space<hbm>>) target(%dma_start3A_60 : memref<128x64xf32, #tpu.memory_space<vmem>>) offsets(%dma_start3A_62 : memref<128xi32, #tpu.memory_space<vmem>>) semaphore(%arg9 : memref<!tpu.dma_semaphore, #tpu.memory_space<semaphore_mem>>)
    %dma_start3A_66 = arith.constant 384 : i32
    %dma_start3A_67 = arith.constant 0 : i32
    %dma_start3A_68 = tpu.memref_slice %arg7[%dma_start3A_66, %dma_start3A_67] : memref<640x64xf32, #tpu.memory_space<vmem>> -> memref<128x64xf32, #tpu.memory_space<vmem>>
    %dma_start3A_69 = arith.constant 1024 : i32
    %dma_start3A_70 = tpu.memref_slice %arg5[%dma_start3A_69] : memref<6400xi32, #tpu.memory_space<vmem>> -> memref<128xi32, #tpu.memory_space<vmem>>
    %dma_start3A_71 = arith.constant 0 : i32
    %dma_start3A_72 = arith.constant 0 : i32
    %dma_start3A_73 = tpu.memref_slice %arg3[%dma_start3A_71, %dma_start3A_72] : memref<1000000x64xf32, #tpu.memory_space<hbm>> -> memref<1000000x64xf32, #tpu.memory_space<hbm>>
    tpu.enqueue_indirect_dma source(%dma_start3A_73 : memref<1000000x64xf32, #tpu.memory_space<hbm>>) target(%dma_start3A_68 : memref<128x64xf32, #tpu.memory_space<vmem>>) offsets(%dma_start3A_70 : memref<128xi32, #tpu.memory_space<vmem>>) semaphore(%arg9 : memref<!tpu.dma_semaphore, #tpu.memory_space<semaphore_mem>>)
    %dma_start3A_74 = arith.constant 512 : i32
    %dma_start3A_75 = arith.constant 0 : i32
    %dma_start3A_76 = tpu.memref_slice %arg7[%dma_start3A_74, %dma_start3A_75] : memref<640x64xf32, #tpu.memory_space<vmem>> -> memref<128x64xf32, #tpu.memory_space<vmem>>
    %dma_start3A_77 = arith.constant 1152 : i32
    %dma_start3A_78 = tpu.memref_slice %arg5[%dma_start3A_77] : memref<6400xi32, #tpu.memory_space<vmem>> -> memref<128xi32, #tpu.memory_space<vmem>>
    %dma_start3A_79 = arith.constant 0 : i32
    %dma_start3A_80 = arith.constant 0 : i32
    %dma_start3A_81 = tpu.memref_slice %arg3[%dma_start3A_79, %dma_start3A_80] : memref<1000000x64xf32, #tpu.memory_space<hbm>> -> memref<1000000x64xf32, #tpu.memory_space<hbm>>
    tpu.enqueue_indirect_dma source(%dma_start3A_81 : memref<1000000x64xf32, #tpu.memory_space<hbm>>) target(%dma_start3A_76 : memref<128x64xf32, #tpu.memory_space<vmem>>) offsets(%dma_start3A_78 : memref<128xi32, #tpu.memory_space<vmem>>) semaphore(%arg9 : memref<!tpu.dma_semaphore, #tpu.memory_space<semaphore_mem>>)
    %dma_wait3A = arith.constant 0 : i32
    %dma_wait3A_82 = arith.constant 0 : i32
    %dma_wait3A_83 = tpu.memref_slice %arg6[%dma_wait3A, %dma_wait3A_82] : memref<640x64xf32, #tpu.memory_space<vmem>> -> memref<128x64xf32, #tpu.memory_space<vmem>>
    %dma_wait3A_84 = arith.constant 0 : i32
    %dma_wait3A_85 = tpu.memref_slice %arg5[%dma_wait3A_84] : memref<6400xi32, #tpu.memory_space<vmem>> -> memref<128xi32, #tpu.memory_space<vmem>>
    %dma_wait3A_86 = arith.constant 0 : i32
    %dma_wait3A_87 = arith.constant 0 : i32
    %dma_wait3A_88 = tpu.memref_slice %arg3[%dma_wait3A_86, %dma_wait3A_87] : memref<1000000x64xf32, #tpu.memory_space<hbm>> -> memref<1000000x64xf32, #tpu.memory_space<hbm>>
    tpu.wait_indirect_dma semaphore(%arg8 : memref<!tpu.dma_semaphore, #tpu.memory_space<semaphore_mem>>) src(%dma_wait3A_88 : memref<1000000x64xf32, #tpu.memory_space<hbm>>) dst(%dma_wait3A_83 : memref<128x64xf32, #tpu.memory_space<vmem>>)
    %dma_wait3A_89 = arith.constant 128 : i32
    %dma_wait3A_90 = arith.constant 0 : i32
    %dma_wait3A_91 = tpu.memref_slice %arg6[%dma_wait3A_89, %dma_wait3A_90] : memref<640x64xf32, #tpu.memory_space<vmem>> -> memref<128x64xf32, #tpu.memory_space<vmem>>
    %dma_wait3A_92 = arith.constant 128 : i32
    %dma_wait3A_93 = tpu.memref_slice %arg5[%dma_wait3A_92] : memref<6400xi32, #tpu.memory_space<vmem>> -> memref<128xi32, #tpu.memory_space<vmem>>
    %dma_wait3A_94 = arith.constant 0 : i32
    %dma_wait3A_95 = arith.constant 0 : i32
    %dma_wait3A_96 = tpu.memref_slice %arg3[%dma_wait3A_94, %dma_wait3A_95] : memref<1000000x64xf32, #tpu.memory_space<hbm>> -> memref<1000000x64xf32, #tpu.memory_space<hbm>>
    tpu.wait_indirect_dma semaphore(%arg8 : memref<!tpu.dma_semaphore, #tpu.memory_space<semaphore_mem>>) src(%dma_wait3A_96 : memref<1000000x64xf32, #tpu.memory_space<hbm>>) dst(%dma_wait3A_91 : memref<128x64xf32, #tpu.memory_space<vmem>>)
    %dma_wait3A_97 = arith.constant 256 : i32
    %dma_wait3A_98 = arith.constant 0 : i32
    %dma_wait3A_99 = tpu.memref_slice %arg6[%dma_wait3A_97, %dma_wait3A_98] : memref<640x64xf32, #tpu.memory_space<vmem>> -> memref<128x64xf32, #tpu.memory_space<vmem>>
    %dma_wait3A_100 = arith.constant 256 : i32
    %dma_wait3A_101 = tpu.memref_slice %arg5[%dma_wait3A_100] : memref<6400xi32, #tpu.memory_space<vmem>> -> memref<128xi32, #tpu.memory_space<vmem>>
    %dma_wait3A_102 = arith.constant 0 : i32
    %dma_wait3A_103 = arith.constant 0 : i32
    %dma_wait3A_104 = tpu.memref_slice %arg3[%dma_wait3A_102, %dma_wait3A_103] : memref<1000000x64xf32, #tpu.memory_space<hbm>> -> memref<1000000x64xf32, #tpu.memory_space<hbm>>
    tpu.wait_indirect_dma semaphore(%arg8 : memref<!tpu.dma_semaphore, #tpu.memory_space<semaphore_mem>>) src(%dma_wait3A_104 : memref<1000000x64xf32, #tpu.memory_space<hbm>>) dst(%dma_wait3A_99 : memref<128x64xf32, #tpu.memory_space<vmem>>)
    %dma_wait3A_105 = arith.constant 384 : i32
    %dma_wait3A_106 = arith.constant 0 : i32
    %dma_wait3A_107 = tpu.memref_slice %arg6[%dma_wait3A_105, %dma_wait3A_106] : memref<640x64xf32, #tpu.memory_space<vmem>> -> memref<128x64xf32, #tpu.memory_space<vmem>>
    %dma_wait3A_108 = arith.constant 384 : i32
    %dma_wait3A_109 = tpu.memref_slice %arg5[%dma_wait3A_108] : memref<6400xi32, #tpu.memory_space<vmem>> -> memref<128xi32, #tpu.memory_space<vmem>>
    %dma_wait3A_110 = arith.constant 0 : i32
    %dma_wait3A_111 = arith.constant 0 : i32
    %dma_wait3A_112 = tpu.memref_slice %arg3[%dma_wait3A_110, %dma_wait3A_111] : memref<1000000x64xf32, #tpu.memory_space<hbm>> -> memref<1000000x64xf32, #tpu.memory_space<hbm>>
    tpu.wait_indirect_dma semaphore(%arg8 : memref<!tpu.dma_semaphore, #tpu.memory_space<semaphore_mem>>) src(%dma_wait3A_112 : memref<1000000x64xf32, #tpu.memory_space<hbm>>) dst(%dma_wait3A_107 : memref<128x64xf32, #tpu.memory_space<vmem>>)
    %dma_wait3A_113 = arith.constant 512 : i32
    %dma_wait3A_114 = arith.constant 0 : i32
    %dma_wait3A_115 = tpu.memref_slice %arg6[%dma_wait3A_113, %dma_wait3A_114] : memref<640x64xf32, #tpu.memory_space<vmem>> -> memref<128x64xf32, #tpu.memory_space<vmem>>
    %dma_wait3A_116 = arith.constant 512 : i32
    %dma_wait3A_117 = tpu.memref_slice %arg5[%dma_wait3A_116] : memref<6400xi32, #tpu.memory_space<vmem>> -> memref<128xi32, #tpu.memory_space<vmem>>
    %dma_wait3A_118 = arith.constant 0 : i32
    %dma_wait3A_119 = arith.constant 0 : i32
    %dma_wait3A_120 = tpu.memref_slice %arg3[%dma_wait3A_118, %dma_wait3A_119] : memref<1000000x64xf32, #tpu.memory_space<hbm>> -> memref<1000000x64xf32, #tpu.memory_space<hbm>>
    tpu.wait_indirect_dma semaphore(%arg8 : memref<!tpu.dma_semaphore, #tpu.memory_space<semaphore_mem>>) src(%dma_wait3A_120 : memref<1000000x64xf32, #tpu.memory_space<hbm>>) dst(%dma_wait3A_115 : memref<128x64xf32, #tpu.memory_space<vmem>>)
    %add3A_121 = arith.constant 0 : i32
    %add3A_122 = arith.addi %mul3A_2, %add3A_121 : i32
    %dma_start3A_123 = arith.constant 0 : i32
    %dma_start3A_124 = tpu.memref_slice %arg4[%add3A_122, %dma_start3A_123] : memref<204800x64xf32, #tpu.memory_space<hbm>> -> memref<640x64xf32, #tpu.memory_space<hbm>>
    %dma_start3A_125 = arith.constant 0 : i32
    %dma_start3A_126 = tpu.memref_slice %arg4[%add3A_122, %dma_start3A_125] : memref<204800x64xf32, #tpu.memory_space<hbm>> -> memref<640x64xf32, #tpu.memory_space<hbm>>
    tpu.enqueue_dma source(%arg6 : memref<640x64xf32, #tpu.memory_space<vmem>>) target(%dma_start3A_126 : memref<640x64xf32, #tpu.memory_space<hbm>>) target_semaphore(%arg10 : memref<!tpu.dma_semaphore, #tpu.memory_space<semaphore_mem>>)
    %dma_wait3A_127 = arith.constant 0 : i32
    %dma_wait3A_128 = tpu.memref_slice %arg4[%add3A_122, %dma_wait3A_127] : memref<204800x64xf32, #tpu.memory_space<hbm>> -> memref<640x64xf32, #tpu.memory_space<hbm>>
    %dma_wait3A_129 = arith.constant 0 : i32
    %dma_wait3A_130 = tpu.memref_slice %arg4[%add3A_122, %dma_wait3A_129] : memref<204800x64xf32, #tpu.memory_space<hbm>> -> memref<640x64xf32, #tpu.memory_space<hbm>>
    tpu.wait_dma2 semaphore(%arg10 : memref<!tpu.dma_semaphore, #tpu.memory_space<semaphore_mem>>) src(%arg6 : memref<640x64xf32, #tpu.memory_space<vmem>>) dst(%dma_wait3A_130 : memref<640x64xf32, #tpu.memory_space<hbm>>)
    %dma_start3A_131 = arith.constant 0 : i32
    %dma_start3A_132 = arith.constant 0 : i32
    %dma_start3A_133 = tpu.memref_slice %arg6[%dma_start3A_131, %dma_start3A_132] : memref<640x64xf32, #tpu.memory_space<vmem>> -> memref<128x64xf32, #tpu.memory_space<vmem>>
    %dma_start3A_134 = arith.constant 1280 : i32
    %dma_start3A_135 = tpu.memref_slice %arg5[%dma_start3A_134] : memref<6400xi32, #tpu.memory_space<vmem>> -> memref<128xi32, #tpu.memory_space<vmem>>
    %dma_start3A_136 = arith.constant 0 : i32
    %dma_start3A_137 = arith.constant 0 : i32
    %dma_start3A_138 = tpu.memref_slice %arg3[%dma_start3A_136, %dma_start3A_137] : memref<1000000x64xf32, #tpu.memory_space<hbm>> -> memref<1000000x64xf32, #tpu.memory_space<hbm>>
    tpu.enqueue_indirect_dma source(%dma_start3A_138 : memref<1000000x64xf32, #tpu.memory_space<hbm>>) target(%dma_start3A_133 : memref<128x64xf32, #tpu.memory_space<vmem>>) offsets(%dma_start3A_135 : memref<128xi32, #tpu.memory_space<vmem>>) semaphore(%arg8 : memref<!tpu.dma_semaphore, #tpu.memory_space<semaphore_mem>>)
    %dma_start3A_139 = arith.constant 128 : i32
    %dma_start3A_140 = arith.constant 0 : i32
    %dma_start3A_141 = tpu.memref_slice %arg6[%dma_start3A_139, %dma_start3A_140] : memref<640x64xf32, #tpu.memory_space<vmem>> -> memref<128x64xf32, #tpu.memory_space<vmem>>
    %dma_start3A_142 = arith.constant 1408 : i32
    %dma_start3A_143 = tpu.memref_slice %arg5[%dma_start3A_142] : memref<6400xi32, #tpu.memory_space<vmem>> -> memref<128xi32, #tpu.memory_space<vmem>>
    %dma_start3A_144 = arith.constant 0 : i32
    %dma_start3A_145 = arith.constant 0 : i32
    %dma_start3A_146 = tpu.memref_slice %arg3[%dma_start3A_144, %dma_start3A_145] : memref<1000000x64xf32, #tpu.memory_space<hbm>> -> memref<1000000x64xf32, #tpu.memory_space<hbm>>
    tpu.enqueue_indirect_dma source(%dma_start3A_146 : memref<1000000x64xf32, #tpu.memory_space<hbm>>) target(%dma_start3A_141 : memref<128x64xf32, #tpu.memory_space<vmem>>) offsets(%dma_start3A_143 : memref<128xi32, #tpu.memory_space<vmem>>) semaphore(%arg8 : memref<!tpu.dma_semaphore, #tpu.memory_space<semaphore_mem>>)
    %dma_start3A_147 = arith.constant 256 : i32
    %dma_start3A_148 = arith.constant 0 : i32
    %dma_start3A_149 = tpu.memref_slice %arg6[%dma_start3A_147, %dma_start3A_148] : memref<640x64xf32, #tpu.memory_space<vmem>> -> memref<128x64xf32, #tpu.memory_space<vmem>>
    %dma_start3A_150 = arith.constant 1536 : i32
    %dma_start3A_151 = tpu.memref_slice %arg5[%dma_start3A_150] : memref<6400xi32, #tpu.memory_space<vmem>> -> memref<128xi32, #tpu.memory_space<vmem>>
    %dma_start3A_152 = arith.constant 0 : i32
    %dma_start3A_153 = arith.constant 0 : i32
    %dma_start3A_154 = tpu.memref_slice %arg3[%dma_start3A_152, %dma_start3A_153] : memref<1000000x64xf32, #tpu.memory_space<hbm>> -> memref<1000000x64xf32, #tpu.memory_space<hbm>>
    tpu.enqueue_indirect_dma source(%dma_start3A_154 : memref<1000000x64xf32, #tpu.memory_space<hbm>>) target(%dma_start3A_149 : memref<128x64xf32, #tpu.memory_space<vmem>>) offsets(%dma_start3A_151 : memref<128xi32, #tpu.memory_space<vmem>>) semaphore(%arg8 : memref<!tpu.dma_semaphore, #tpu.memory_space<semaphore_mem>>)
    %dma_start3A_155 = arith.constant 384 : i32
    %dma_start3A_156 = arith.constant 0 : i32
    %dma_start3A_157 = tpu.memref_slice %arg6[%dma_start3A_155, %dma_start3A_156] : memref<640x64xf32, #tpu.memory_space<vmem>> -> memref<128x64xf32, #tpu.memory_space<vmem>>
    %dma_start3A_158 = arith.constant 1664 : i32
    %dma_start3A_159 = tpu.memref_slice %arg5[%dma_start3A_158] : memref<6400xi32, #tpu.memory_space<vmem>> -> memref<128xi32, #tpu.memory_space<vmem>>
    %dma_start3A_160 = arith.constant 0 : i32
    %dma_start3A_161 = arith.constant 0 : i32
    %dma_start3A_162 = tpu.memref_slice %arg3[%dma_start3A_160, %dma_start3A_161] : memref<1000000x64xf32, #tpu.memory_space<hbm>> -> memref<1000000x64xf32, #tpu.memory_space<hbm>>
    tpu.enqueue_indirect_dma source(%dma_start3A_162 : memref<1000000x64xf32, #tpu.memory_space<hbm>>) target(%dma_start3A_157 : memref<128x64xf32, #tpu.memory_space<vmem>>) offsets(%dma_start3A_159 : memref<128xi32, #tpu.memory_space<vmem>>) semaphore(%arg8 : memref<!tpu.dma_semaphore, #tpu.memory_space<semaphore_mem>>)
    %dma_start3A_163 = arith.constant 512 : i32
    %dma_start3A_164 = arith.constant 0 : i32
    %dma_start3A_165 = tpu.memref_slice %arg6[%dma_start3A_163, %dma_start3A_164] : memref<640x64xf32, #tpu.memory_space<vmem>> -> memref<128x64xf32, #tpu.memory_space<vmem>>
    %dma_start3A_166 = arith.constant 1792 : i32
    %dma_start3A_167 = tpu.memref_slice %arg5[%dma_start3A_166] : memref<6400xi32, #tpu.memory_space<vmem>> -> memref<128xi32, #tpu.memory_space<vmem>>
    %dma_start3A_168 = arith.constant 0 : i32
    %dma_start3A_169 = arith.constant 0 : i32
    %dma_start3A_170 = tpu.memref_slice %arg3[%dma_start3A_168, %dma_start3A_169] : memref<1000000x64xf32, #tpu.memory_space<hbm>> -> memref<1000000x64xf32, #tpu.memory_space<hbm>>
    tpu.enqueue_indirect_dma source(%dma_start3A_170 : memref<1000000x64xf32, #tpu.memory_space<hbm>>) target(%dma_start3A_165 : memref<128x64xf32, #tpu.memory_space<vmem>>) offsets(%dma_start3A_167 : memref<128xi32, #tpu.memory_space<vmem>>) semaphore(%arg8 : memref<!tpu.dma_semaphore, #tpu.memory_space<semaphore_mem>>)
    %dma_wait3A_171 = arith.constant 0 : i32
    %dma_wait3A_172 = arith.constant 0 : i32
    %dma_wait3A_173 = tpu.memref_slice %arg7[%dma_wait3A_171, %dma_wait3A_172] : memref<640x64xf32, #tpu.memory_space<vmem>> -> memref<128x64xf32, #tpu.memory_space<vmem>>
    %dma_wait3A_174 = arith.constant 640 : i32
    %dma_wait3A_175 = tpu.memref_slice %arg5[%dma_wait3A_174] : memref<6400xi32, #tpu.memory_space<vmem>> -> memref<128xi32, #tpu.memory_space<vmem>>
    %dma_wait3A_176 = arith.constant 0 : i32
    %dma_wait3A_177 = arith.constant 0 : i32
    %dma_wait3A_178 = tpu.memref_slice %arg3[%dma_wait3A_176, %dma_wait3A_177] : memref<1000000x64xf32, #tpu.memory_space<hbm>> -> memref<1000000x64xf32, #tpu.memory_space<hbm>>
    tpu.wait_indirect_dma semaphore(%arg9 : memref<!tpu.dma_semaphore, #tpu.memory_space<semaphore_mem>>) src(%dma_wait3A_178 : memref<1000000x64xf32, #tpu.memory_space<hbm>>) dst(%dma_wait3A_173 : memref<128x64xf32, #tpu.memory_space<vmem>>)
    %dma_wait3A_179 = arith.constant 128 : i32
    %dma_wait3A_180 = arith.constant 0 : i32
    %dma_wait3A_181 = tpu.memref_slice %arg7[%dma_wait3A_179, %dma_wait3A_180] : memref<640x64xf32, #tpu.memory_space<vmem>> -> memref<128x64xf32, #tpu.memory_space<vmem>>
    %dma_wait3A_182 = arith.constant 768 : i32
    %dma_wait3A_183 = tpu.memref_slice %arg5[%dma_wait3A_182] : memref<6400xi32, #tpu.memory_space<vmem>> -> memref<128xi32, #tpu.memory_space<vmem>>
    %dma_wait3A_184 = arith.constant 0 : i32
    %dma_wait3A_185 = arith.constant 0 : i32
    %dma_wait3A_186 = tpu.memref_slice %arg3[%dma_wait3A_184, %dma_wait3A_185] : memref<1000000x64xf32, #tpu.memory_space<hbm>> -> memref<1000000x64xf32, #tpu.memory_space<hbm>>
    tpu.wait_indirect_dma semaphore(%arg9 : memref<!tpu.dma_semaphore, #tpu.memory_space<semaphore_mem>>) src(%dma_wait3A_186 : memref<1000000x64xf32, #tpu.memory_space<hbm>>) dst(%dma_wait3A_181 : memref<128x64xf32, #tpu.memory_space<vmem>>)
    %dma_wait3A_187 = arith.constant 256 : i32
    %dma_wait3A_188 = arith.constant 0 : i32
    %dma_wait3A_189 = tpu.memref_slice %arg7[%dma_wait3A_187, %dma_wait3A_188] : memref<640x64xf32, #tpu.memory_space<vmem>> -> memref<128x64xf32, #tpu.memory_space<vmem>>
    %dma_wait3A_190 = arith.constant 896 : i32
    %dma_wait3A_191 = tpu.memref_slice %arg5[%dma_wait3A_190] : memref<6400xi32, #tpu.memory_space<vmem>> -> memref<128xi32, #tpu.memory_space<vmem>>
    %dma_wait3A_192 = arith.constant 0 : i32
    %dma_wait3A_193 = arith.constant 0 : i32
    %dma_wait3A_194 = tpu.memref_slice %arg3[%dma_wait3A_192, %dma_wait3A_193] : memref<1000000x64xf32, #tpu.memory_space<hbm>> -> memref<1000000x64xf32, #tpu.memory_space<hbm>>
    tpu.wait_indirect_dma semaphore(%arg9 : memref<!tpu.dma_semaphore, #tpu.memory_space<semaphore_mem>>) src(%dma_wait3A_194 : memref<1000000x64xf32, #tpu.memory_space<hbm>>) dst(%dma_wait3A_189 : memref<128x64xf32, #tpu.memory_space<vmem>>)
    %dma_wait3A_195 = arith.constant 384 : i32
    %dma_wait3A_196 = arith.constant 0 : i32
    %dma_wait3A_197 = tpu.memref_slice %arg7[%dma_wait3A_195, %dma_wait3A_196] : memref<640x64xf32, #tpu.memory_space<vmem>> -> memref<128x64xf32, #tpu.memory_space<vmem>>
    %dma_wait3A_198 = arith.constant 1024 : i32
    %dma_wait3A_199 = tpu.memref_slice %arg5[%dma_wait3A_198] : memref<6400xi32, #tpu.memory_space<vmem>> -> memref<128xi32, #tpu.memory_space<vmem>>
    %dma_wait3A_200 = arith.constant 0 : i32
    %dma_wait3A_201 = arith.constant 0 : i32
    %dma_wait3A_202 = tpu.memref_slice %arg3[%dma_wait3A_200, %dma_wait3A_201] : memref<1000000x64xf32, #tpu.memory_space<hbm>> -> memref<1000000x64xf32, #tpu.memory_space<hbm>>
    tpu.wait_indirect_dma semaphore(%arg9 : memref<!tpu.dma_semaphore, #tpu.memory_space<semaphore_mem>>) src(%dma_wait3A_202 : memref<1000000x64xf32, #tpu.memory_space<hbm>>) dst(%dma_wait3A_197 : memref<128x64xf32, #tpu.memory_space<vmem>>)
    %dma_wait3A_203 = arith.constant 512 : i32
    %dma_wait3A_204 = arith.constant 0 : i32
    %dma_wait3A_205 = tpu.memref_slice %arg7[%dma_wait3A_203, %dma_wait3A_204] : memref<640x64xf32, #tpu.memory_space<vmem>> -> memref<128x64xf32, #tpu.memory_space<vmem>>
    %dma_wait3A_206 = arith.constant 1152 : i32
    %dma_wait3A_207 = tpu.memref_slice %arg5[%dma_wait3A_206] : memref<6400xi32, #tpu.memory_space<vmem>> -> memref<128xi32, #tpu.memory_space<vmem>>
    %dma_wait3A_208 = arith.constant 0 : i32
    %dma_wait3A_209 = arith.constant 0 : i32
    %dma_wait3A_210 = tpu.memref_slice %arg3[%dma_wait3A_208, %dma_wait3A_209] : memref<1000000x64xf32, #tpu.memory_space<hbm>> -> memref<1000000x64xf32, #tpu.memory_space<hbm>>
    tpu.wait_indirect_dma semaphore(%arg9 : memref<!tpu.dma_semaphore, #tpu.memory_space<semaphore_mem>>) src(%dma_wait3A_210 : memref<1000000x64xf32, #tpu.memory_space<hbm>>) dst(%dma_wait3A_205 : memref<128x64xf32, #tpu.memory_space<vmem>>)
    %add3A_211 = arith.constant 640 : i32
    %add3A_212 = arith.addi %mul3A_2, %add3A_211 : i32
    %dma_start3A_213 = arith.constant 0 : i32
    %dma_start3A_214 = tpu.memref_slice %arg4[%add3A_212, %dma_start3A_213] : memref<204800x64xf32, #tpu.memory_space<hbm>> -> memref<640x64xf32, #tpu.memory_space<hbm>>
    %dma_start3A_215 = arith.constant 0 : i32
    %dma_start3A_216 = tpu.memref_slice %arg4[%add3A_212, %dma_start3A_215] : memref<204800x64xf32, #tpu.memory_space<hbm>> -> memref<640x64xf32, #tpu.memory_space<hbm>>
    tpu.enqueue_dma source(%arg7 : memref<640x64xf32, #tpu.memory_space<vmem>>) target(%dma_start3A_216 : memref<640x64xf32, #tpu.memory_space<hbm>>) target_semaphore(%arg11 : memref<!tpu.dma_semaphore, #tpu.memory_space<semaphore_mem>>)
    %dma_wait3A_217 = arith.constant 0 : i32
    %dma_wait3A_218 = tpu.memref_slice %arg4[%add3A_212, %dma_wait3A_217] : memref<204800x64xf32, #tpu.memory_space<hbm>> -> memref<640x64xf32, #tpu.memory_space<hbm>>
    %dma_wait3A_219 = arith.constant 0 : i32
    %dma_wait3A_220 = tpu.memref_slice %arg4[%add3A_212, %dma_wait3A_219] : memref<204800x64xf32, #tpu.memory_space<hbm>> -> memref<640x64xf32, #tpu.memory_space<hbm>>
    tpu.wait_dma2 semaphore(%arg11 : memref<!tpu.dma_semaphore, #tpu.memory_space<semaphore_mem>>) src(%arg7 : memref<640x64xf32, #tpu.memory_space<vmem>>) dst(%dma_wait3A_220 : memref<640x64xf32, #tpu.memory_space<hbm>>)
    %dma_start3A_221 = arith.constant 0 : i32
    %dma_start3A_222 = arith.constant 0 : i32
    %dma_start3A_223 = tpu.memref_slice %arg7[%dma_start3A_221, %dma_start3A_222] : memref<640x64xf32, #tpu.memory_space<vmem>> -> memref<128x64xf32, #tpu.memory_space<vmem>>
    %dma_start3A_224 = arith.constant 1920 : i32
    %dma_start3A_225 = tpu.memref_slice %arg5[%dma_start3A_224] : memref<6400xi32, #tpu.memory_space<vmem>> -> memref<128xi32, #tpu.memory_space<vmem>>
    %dma_start3A_226 = arith.constant 0 : i32
    %dma_start3A_227 = arith.constant 0 : i32
    %dma_start3A_228 = tpu.memref_slice %arg3[%dma_start3A_226, %dma_start3A_227] : memref<1000000x64xf32, #tpu.memory_space<hbm>> -> memref<1000000x64xf32, #tpu.memory_space<hbm>>
    tpu.enqueue_indirect_dma source(%dma_start3A_228 : memref<1000000x64xf32, #tpu.memory_space<hbm>>) target(%dma_start3A_223 : memref<128x64xf32, #tpu.memory_space<vmem>>) offsets(%dma_start3A_225 : memref<128xi32, #tpu.memory_space<vmem>>) semaphore(%arg9 : memref<!tpu.dma_semaphore, #tpu.memory_space<semaphore_mem>>)
    %dma_start3A_229 = arith.constant 128 : i32
    %dma_start3A_230 = arith.constant 0 : i32
    %dma_start3A_231 = tpu.memref_slice %arg7[%dma_start3A_229, %dma_start3A_230] : memref<640x64xf32, #tpu.memory_space<vmem>> -> memref<128x64xf32, #tpu.memory_space<vmem>>
    %dma_start3A_232 = arith.constant 2048 : i32
    %dma_start3A_233 = tpu.memref_slice %arg5[%dma_start3A_232] : memref<6400xi32, #tpu.memory_space<vmem>> -> memref<128xi32, #tpu.memory_space<vmem>>
    %dma_start3A_234 = arith.constant 0 : i32
    %dma_start3A_235 = arith.constant 0 : i32
    %dma_start3A_236 = tpu.memref_slice %arg3[%dma_start3A_234, %dma_start3A_235] : memref<1000000x64xf32, #tpu.memory_space<hbm>> -> memref<1000000x64xf32, #tpu.memory_space<hbm>>
    tpu.enqueue_indirect_dma source(%dma_start3A_236 : memref<1000000x64xf32, #tpu.memory_space<hbm>>) target(%dma_start3A_231 : memref<128x64xf32, #tpu.memory_space<vmem>>) offsets(%dma_start3A_233 : memref<128xi32, #tpu.memory_space<vmem>>) semaphore(%arg9 : memref<!tpu.dma_semaphore, #tpu.memory_space<semaphore_mem>>)
    %dma_start3A_237 = arith.constant 256 : i32
    %dma_start3A_238 = arith.constant 0 : i32
    %dma_start3A_239 = tpu.memref_slice %arg7[%dma_start3A_237, %dma_start3A_238] : memref<640x64xf32, #tpu.memory_space<vmem>> -> memref<128x64xf32, #tpu.memory_space<vmem>>
    %dma_start3A_240 = arith.constant 2176 : i32
    %dma_start3A_241 = tpu.memref_slice %arg5[%dma_start3A_240] : memref<6400xi32, #tpu.memory_space<vmem>> -> memref<128xi32, #tpu.memory_space<vmem>>
    %dma_start3A_242 = arith.constant 0 : i32
    %dma_start3A_243 = arith.constant 0 : i32
    %dma_start3A_244 = tpu.memref_slice %arg3[%dma_start3A_242, %dma_start3A_243] : memref<1000000x64xf32, #tpu.memory_space<hbm>> -> memref<1000000x64xf32, #tpu.memory_space<hbm>>
    tpu.enqueue_indirect_dma source(%dma_start3A_244 : memref<1000000x64xf32, #tpu.memory_space<hbm>>) target(%dma_start3A_239 : memref<128x64xf32, #tpu.memory_space<vmem>>) offsets(%dma_start3A_241 : memref<128xi32, #tpu.memory_space<vmem>>) semaphore(%arg9 : memref<!tpu.dma_semaphore, #tpu.memory_space<semaphore_mem>>)
    %dma_start3A_245 = arith.constant 384 : i32
    %dma_start3A_246 = arith.constant 0 : i32
    %dma_start3A_247 = tpu.memref_slice %arg7[%dma_start3A_245, %dma_start3A_246] : memref<640x64xf32, #tpu.memory_space<vmem>> -> memref<128x64xf32, #tpu.memory_space<vmem>>
    %dma_start3A_248 = arith.constant 2304 : i32
    %dma_start3A_249 = tpu.memref_slice %arg5[%dma_start3A_248] : memref<6400xi32, #tpu.memory_space<vmem>> -> memref<128xi32, #tpu.memory_space<vmem>>
    %dma_start3A_250 = arith.constant 0 : i32
    %dma_start3A_251 = arith.constant 0 : i32
    %dma_start3A_252 = tpu.memref_slice %arg3[%dma_start3A_250, %dma_start3A_251] : memref<1000000x64xf32, #tpu.memory_space<hbm>> -> memref<1000000x64xf32, #tpu.memory_space<hbm>>
    tpu.enqueue_indirect_dma source(%dma_start3A_252 : memref<1000000x64xf32, #tpu.memory_space<hbm>>) target(%dma_start3A_247 : memref<128x64xf32, #tpu.memory_space<vmem>>) offsets(%dma_start3A_249 : memref<128xi32, #tpu.memory_space<vmem>>) semaphore(%arg9 : memref<!tpu.dma_semaphore, #tpu.memory_space<semaphore_mem>>)
    %dma_start3A_253 = arith.constant 512 : i32
    %dma_start3A_254 = arith.constant 0 : i32
    %dma_start3A_255 = tpu.memref_slice %arg7[%dma_start3A_253, %dma_start3A_254] : memref<640x64xf32, #tpu.memory_space<vmem>> -> memref<128x64xf32, #tpu.memory_space<vmem>>
    %dma_start3A_256 = arith.constant 2432 : i32
    %dma_start3A_257 = tpu.memref_slice %arg5[%dma_start3A_256] : memref<6400xi32, #tpu.memory_space<vmem>> -> memref<128xi32, #tpu.memory_space<vmem>>
    %dma_start3A_258 = arith.constant 0 : i32
    %dma_start3A_259 = arith.constant 0 : i32
    %dma_start3A_260 = tpu.memref_slice %arg3[%dma_start3A_258, %dma_start3A_259] : memref<1000000x64xf32, #tpu.memory_space<hbm>> -> memref<1000000x64xf32, #tpu.memory_space<hbm>>
    tpu.enqueue_indirect_dma source(%dma_start3A_260 : memref<1000000x64xf32, #tpu.memory_space<hbm>>) target(%dma_start3A_255 : memref<128x64xf32, #tpu.memory_space<vmem>>) offsets(%dma_start3A_257 : memref<128xi32, #tpu.memory_space<vmem>>) semaphore(%arg9 : memref<!tpu.dma_semaphore, #tpu.memory_space<semaphore_mem>>)
    %dma_wait3A_261 = arith.constant 0 : i32
    %dma_wait3A_262 = arith.constant 0 : i32
    %dma_wait3A_263 = tpu.memref_slice %arg6[%dma_wait3A_261, %dma_wait3A_262] : memref<640x64xf32, #tpu.memory_space<vmem>> -> memref<128x64xf32, #tpu.memory_space<vmem>>
    %dma_wait3A_264 = arith.constant 1280 : i32
    %dma_wait3A_265 = tpu.memref_slice %arg5[%dma_wait3A_264] : memref<6400xi32, #tpu.memory_space<vmem>> -> memref<128xi32, #tpu.memory_space<vmem>>
    %dma_wait3A_266 = arith.constant 0 : i32
    %dma_wait3A_267 = arith.constant 0 : i32
    %dma_wait3A_268 = tpu.memref_slice %arg3[%dma_wait3A_266, %dma_wait3A_267] : memref<1000000x64xf32, #tpu.memory_space<hbm>> -> memref<1000000x64xf32, #tpu.memory_space<hbm>>
    tpu.wait_indirect_dma semaphore(%arg8 : memref<!tpu.dma_semaphore, #tpu.memory_space<semaphore_mem>>) src(%dma_wait3A_268 : memref<1000000x64xf32, #tpu.memory_space<hbm>>) dst(%dma_wait3A_263 : memref<128x64xf32, #tpu.memory_space<vmem>>)
    %dma_wait3A_269 = arith.constant 128 : i32
    %dma_wait3A_270 = arith.constant 0 : i32
    %dma_wait3A_271 = tpu.memref_slice %arg6[%dma_wait3A_269, %dma_wait3A_270] : memref<640x64xf32, #tpu.memory_space<vmem>> -> memref<128x64xf32, #tpu.memory_space<vmem>>
    %dma_wait3A_272 = arith.constant 1408 : i32
    %dma_wait3A_273 = tpu.memref_slice %arg5[%dma_wait3A_272] : memref<6400xi32, #tpu.memory_space<vmem>> -> memref<128xi32, #tpu.memory_space<vmem>>
    %dma_wait3A_274 = arith.constant 0 : i32
    %dma_wait3A_275 = arith.constant 0 : i32
    %dma_wait3A_276 = tpu.memref_slice %arg3[%dma_wait3A_274, %dma_wait3A_275] : memref<1000000x64xf32, #tpu.memory_space<hbm>> -> memref<1000000x64xf32, #tpu.memory_space<hbm>>
    tpu.wait_indirect_dma semaphore(%arg8 : memref<!tpu.dma_semaphore, #tpu.memory_space<semaphore_mem>>) src(%dma_wait3A_276 : memref<1000000x64xf32, #tpu.memory_space<hbm>>) dst(%dma_wait3A_271 : memref<128x64xf32, #tpu.memory_space<vmem>>)
    %dma_wait3A_277 = arith.constant 256 : i32
    %dma_wait3A_278 = arith.constant 0 : i32
    %dma_wait3A_279 = tpu.memref_slice %arg6[%dma_wait3A_277, %dma_wait3A_278] : memref<640x64xf32, #tpu.memory_space<vmem>> -> memref<128x64xf32, #tpu.memory_space<vmem>>
    %dma_wait3A_280 = arith.constant 1536 : i32
    %dma_wait3A_281 = tpu.memref_slice %arg5[%dma_wait3A_280] : memref<6400xi32, #tpu.memory_space<vmem>> -> memref<128xi32, #tpu.memory_space<vmem>>
    %dma_wait3A_282 = arith.constant 0 : i32
    %dma_wait3A_283 = arith.constant 0 : i32
    %dma_wait3A_284 = tpu.memref_slice %arg3[%dma_wait3A_282, %dma_wait3A_283] : memref<1000000x64xf32, #tpu.memory_space<hbm>> -> memref<1000000x64xf32, #tpu.memory_space<hbm>>
    tpu.wait_indirect_dma semaphore(%arg8 : memref<!tpu.dma_semaphore, #tpu.memory_space<semaphore_mem>>) src(%dma_wait3A_284 : memref<1000000x64xf32, #tpu.memory_space<hbm>>) dst(%dma_wait3A_279 : memref<128x64xf32, #tpu.memory_space<vmem>>)
    %dma_wait3A_285 = arith.constant 384 : i32
    %dma_wait3A_286 = arith.constant 0 : i32
    %dma_wait3A_287 = tpu.memref_slice %arg6[%dma_wait3A_285, %dma_wait3A_286] : memref<640x64xf32, #tpu.memory_space<vmem>> -> memref<128x64xf32, #tpu.memory_space<vmem>>
    %dma_wait3A_288 = arith.constant 1664 : i32
    %dma_wait3A_289 = tpu.memref_slice %arg5[%dma_wait3A_288] : memref<6400xi32, #tpu.memory_space<vmem>> -> memref<128xi32, #tpu.memory_space<vmem>>
    %dma_wait3A_290 = arith.constant 0 : i32
    %dma_wait3A_291 = arith.constant 0 : i32
    %dma_wait3A_292 = tpu.memref_slice %arg3[%dma_wait3A_290, %dma_wait3A_291] : memref<1000000x64xf32, #tpu.memory_space<hbm>> -> memref<1000000x64xf32, #tpu.memory_space<hbm>>
    tpu.wait_indirect_dma semaphore(%arg8 : memref<!tpu.dma_semaphore, #tpu.memory_space<semaphore_mem>>) src(%dma_wait3A_292 : memref<1000000x64xf32, #tpu.memory_space<hbm>>) dst(%dma_wait3A_287 : memref<128x64xf32, #tpu.memory_space<vmem>>)
    %dma_wait3A_293 = arith.constant 512 : i32
    %dma_wait3A_294 = arith.constant 0 : i32
    %dma_wait3A_295 = tpu.memref_slice %arg6[%dma_wait3A_293, %dma_wait3A_294] : memref<640x64xf32, #tpu.memory_space<vmem>> -> memref<128x64xf32, #tpu.memory_space<vmem>>
    %dma_wait3A_296 = arith.constant 1792 : i32
    %dma_wait3A_297 = tpu.memref_slice %arg5[%dma_wait3A_296] : memref<6400xi32, #tpu.memory_space<vmem>> -> memref<128xi32, #tpu.memory_space<vmem>>
    %dma_wait3A_298 = arith.constant 0 : i32
    %dma_wait3A_299 = arith.constant 0 : i32
    %dma_wait3A_300 = tpu.memref_slice %arg3[%dma_wait3A_298, %dma_wait3A_299] : memref<1000000x64xf32, #tpu.memory_space<hbm>> -> memref<1000000x64xf32, #tpu.memory_space<hbm>>
    tpu.wait_indirect_dma semaphore(%arg8 : memref<!tpu.dma_semaphore, #tpu.memory_space<semaphore_mem>>) src(%dma_wait3A_300 : memref<1000000x64xf32, #tpu.memory_space<hbm>>) dst(%dma_wait3A_295 : memref<128x64xf32, #tpu.memory_space<vmem>>)
    %add3A_301 = arith.constant 1280 : i32
    %add3A_302 = arith.addi %mul3A_2, %add3A_301 : i32
    %dma_start3A_303 = arith.constant 0 : i32
    %dma_start3A_304 = tpu.memref_slice %arg4[%add3A_302, %dma_start3A_303] : memref<204800x64xf32, #tpu.memory_space<hbm>> -> memref<640x64xf32, #tpu.memory_space<hbm>>
    %dma_start3A_305 = arith.constant 0 : i32
    %dma_start3A_306 = tpu.memref_slice %arg4[%add3A_302, %dma_start3A_305] : memref<204800x64xf32, #tpu.memory_space<hbm>> -> memref<640x64xf32, #tpu.memory_space<hbm>>
    tpu.enqueue_dma source(%arg6 : memref<640x64xf32, #tpu.memory_space<vmem>>) target(%dma_start3A_306 : memref<640x64xf32, #tpu.memory_space<hbm>>) target_semaphore(%arg10 : memref<!tpu.dma_semaphore, #tpu.memory_space<semaphore_mem>>)
    %dma_wait3A_307 = arith.constant 0 : i32
    %dma_wait3A_308 = tpu.memref_slice %arg4[%add3A_302, %dma_wait3A_307] : memref<204800x64xf32, #tpu.memory_space<hbm>> -> memref<640x64xf32, #tpu.memory_space<hbm>>
    %dma_wait3A_309 = arith.constant 0 : i32
    %dma_wait3A_310 = tpu.memref_slice %arg4[%add3A_302, %dma_wait3A_309] : memref<204800x64xf32, #tpu.memory_space<hbm>> -> memref<640x64xf32, #tpu.memory_space<hbm>>
    tpu.wait_dma2 semaphore(%arg10 : memref<!tpu.dma_semaphore, #tpu.memory_space<semaphore_mem>>) src(%arg6 : memref<640x64xf32, #tpu.memory_space<vmem>>) dst(%dma_wait3A_310 : memref<640x64xf32, #tpu.memory_space<hbm>>)
    %dma_start3A_311 = arith.constant 0 : i32
    %dma_start3A_312 = arith.constant 0 : i32
    %dma_start3A_313 = tpu.memref_slice %arg6[%dma_start3A_311, %dma_start3A_312] : memref<640x64xf32, #tpu.memory_space<vmem>> -> memref<128x64xf32, #tpu.memory_space<vmem>>
    %dma_start3A_314 = arith.constant 2560 : i32
    %dma_start3A_315 = tpu.memref_slice %arg5[%dma_start3A_314] : memref<6400xi32, #tpu.memory_space<vmem>> -> memref<128xi32, #tpu.memory_space<vmem>>
    %dma_start3A_316 = arith.constant 0 : i32
    %dma_start3A_317 = arith.constant 0 : i32
    %dma_start3A_318 = tpu.memref_slice %arg3[%dma_start3A_316, %dma_start3A_317] : memref<1000000x64xf32, #tpu.memory_space<hbm>> -> memref<1000000x64xf32, #tpu.memory_space<hbm>>
    tpu.enqueue_indirect_dma source(%dma_start3A_318 : memref<1000000x64xf32, #tpu.memory_space<hbm>>) target(%dma_start3A_313 : memref<128x64xf32, #tpu.memory_space<vmem>>) offsets(%dma_start3A_315 : memref<128xi32, #tpu.memory_space<vmem>>) semaphore(%arg8 : memref<!tpu.dma_semaphore, #tpu.memory_space<semaphore_mem>>)
    %dma_start3A_319 = arith.constant 128 : i32
    %dma_start3A_320 = arith.constant 0 : i32
    %dma_start3A_321 = tpu.memref_slice %arg6[%dma_start3A_319, %dma_start3A_320] : memref<640x64xf32, #tpu.memory_space<vmem>> -> memref<128x64xf32, #tpu.memory_space<vmem>>
    %dma_start3A_322 = arith.constant 2688 : i32
    %dma_start3A_323 = tpu.memref_slice %arg5[%dma_start3A_322] : memref<6400xi32, #tpu.memory_space<vmem>> -> memref<128xi32, #tpu.memory_space<vmem>>
    %dma_start3A_324 = arith.constant 0 : i32
    %dma_start3A_325 = arith.constant 0 : i32
    %dma_start3A_326 = tpu.memref_slice %arg3[%dma_start3A_324, %dma_start3A_325] : memref<1000000x64xf32, #tpu.memory_space<hbm>> -> memref<1000000x64xf32, #tpu.memory_space<hbm>>
    tpu.enqueue_indirect_dma source(%dma_start3A_326 : memref<1000000x64xf32, #tpu.memory_space<hbm>>) target(%dma_start3A_321 : memref<128x64xf32, #tpu.memory_space<vmem>>) offsets(%dma_start3A_323 : memref<128xi32, #tpu.memory_space<vmem>>) semaphore(%arg8 : memref<!tpu.dma_semaphore, #tpu.memory_space<semaphore_mem>>)
    %dma_start3A_327 = arith.constant 256 : i32
    %dma_start3A_328 = arith.constant 0 : i32
    %dma_start3A_329 = tpu.memref_slice %arg6[%dma_start3A_327, %dma_start3A_328] : memref<640x64xf32, #tpu.memory_space<vmem>> -> memref<128x64xf32, #tpu.memory_space<vmem>>
    %dma_start3A_330 = arith.constant 2816 : i32
    %dma_start3A_331 = tpu.memref_slice %arg5[%dma_start3A_330] : memref<6400xi32, #tpu.memory_space<vmem>> -> memref<128xi32, #tpu.memory_space<vmem>>
    %dma_start3A_332 = arith.constant 0 : i32
    %dma_start3A_333 = arith.constant 0 : i32
    %dma_start3A_334 = tpu.memref_slice %arg3[%dma_start3A_332, %dma_start3A_333] : memref<1000000x64xf32, #tpu.memory_space<hbm>> -> memref<1000000x64xf32, #tpu.memory_space<hbm>>
    tpu.enqueue_indirect_dma source(%dma_start3A_334 : memref<1000000x64xf32, #tpu.memory_space<hbm>>) target(%dma_start3A_329 : memref<128x64xf32, #tpu.memory_space<vmem>>) offsets(%dma_start3A_331 : memref<128xi32, #tpu.memory_space<vmem>>) semaphore(%arg8 : memref<!tpu.dma_semaphore, #tpu.memory_space<semaphore_mem>>)
    %dma_start3A_335 = arith.constant 384 : i32
    %dma_start3A_336 = arith.constant 0 : i32
    %dma_start3A_337 = tpu.memref_slice %arg6[%dma_start3A_335, %dma_start3A_336] : memref<640x64xf32, #tpu.memory_space<vmem>> -> memref<128x64xf32, #tpu.memory_space<vmem>>
    %dma_start3A_338 = arith.constant 2944 : i32
    %dma_start3A_339 = tpu.memref_slice %arg5[%dma_start3A_338] : memref<6400xi32, #tpu.memory_space<vmem>> -> memref<128xi32, #tpu.memory_space<vmem>>
    %dma_start3A_340 = arith.constant 0 : i32
    %dma_start3A_341 = arith.constant 0 : i32
    %dma_start3A_342 = tpu.memref_slice %arg3[%dma_start3A_340, %dma_start3A_341] : memref<1000000x64xf32, #tpu.memory_space<hbm>> -> memref<1000000x64xf32, #tpu.memory_space<hbm>>
    tpu.enqueue_indirect_dma source(%dma_start3A_342 : memref<1000000x64xf32, #tpu.memory_space<hbm>>) target(%dma_start3A_337 : memref<128x64xf32, #tpu.memory_space<vmem>>) offsets(%dma_start3A_339 : memref<128xi32, #tpu.memory_space<vmem>>) semaphore(%arg8 : memref<!tpu.dma_semaphore, #tpu.memory_space<semaphore_mem>>)
    %dma_start3A_343 = arith.constant 512 : i32
    %dma_start3A_344 = arith.constant 0 : i32
    %dma_start3A_345 = tpu.memref_slice %arg6[%dma_start3A_343, %dma_start3A_344] : memref<640x64xf32, #tpu.memory_space<vmem>> -> memref<128x64xf32, #tpu.memory_space<vmem>>
    %dma_start3A_346 = arith.constant 3072 : i32
    %dma_start3A_347 = tpu.memref_slice %arg5[%dma_start3A_346] : memref<6400xi32, #tpu.memory_space<vmem>> -> memref<128xi32, #tpu.memory_space<vmem>>
    %dma_start3A_348 = arith.constant 0 : i32
    %dma_start3A_349 = arith.constant 0 : i32
    %dma_start3A_350 = tpu.memref_slice %arg3[%dma_start3A_348, %dma_start3A_349] : memref<1000000x64xf32, #tpu.memory_space<hbm>> -> memref<1000000x64xf32, #tpu.memory_space<hbm>>
    tpu.enqueue_indirect_dma source(%dma_start3A_350 : memref<1000000x64xf32, #tpu.memory_space<hbm>>) target(%dma_start3A_345 : memref<128x64xf32, #tpu.memory_space<vmem>>) offsets(%dma_start3A_347 : memref<128xi32, #tpu.memory_space<vmem>>) semaphore(%arg8 : memref<!tpu.dma_semaphore, #tpu.memory_space<semaphore_mem>>)
    %dma_wait3A_351 = arith.constant 0 : i32
    %dma_wait3A_352 = arith.constant 0 : i32
    %dma_wait3A_353 = tpu.memref_slice %arg7[%dma_wait3A_351, %dma_wait3A_352] : memref<640x64xf32, #tpu.memory_space<vmem>> -> memref<128x64xf32, #tpu.memory_space<vmem>>
    %dma_wait3A_354 = arith.constant 1920 : i32
    %dma_wait3A_355 = tpu.memref_slice %arg5[%dma_wait3A_354] : memref<6400xi32, #tpu.memory_space<vmem>> -> memref<128xi32, #tpu.memory_space<vmem>>
    %dma_wait3A_356 = arith.constant 0 : i32
    %dma_wait3A_357 = arith.constant 0 : i32
    %dma_wait3A_358 = tpu.memref_slice %arg3[%dma_wait3A_356, %dma_wait3A_357] : memref<1000000x64xf32, #tpu.memory_space<hbm>> -> memref<1000000x64xf32, #tpu.memory_space<hbm>>
    tpu.wait_indirect_dma semaphore(%arg9 : memref<!tpu.dma_semaphore, #tpu.memory_space<semaphore_mem>>) src(%dma_wait3A_358 : memref<1000000x64xf32, #tpu.memory_space<hbm>>) dst(%dma_wait3A_353 : memref<128x64xf32, #tpu.memory_space<vmem>>)
    %dma_wait3A_359 = arith.constant 128 : i32
    %dma_wait3A_360 = arith.constant 0 : i32
    %dma_wait3A_361 = tpu.memref_slice %arg7[%dma_wait3A_359, %dma_wait3A_360] : memref<640x64xf32, #tpu.memory_space<vmem>> -> memref<128x64xf32, #tpu.memory_space<vmem>>
    %dma_wait3A_362 = arith.constant 2048 : i32
    %dma_wait3A_363 = tpu.memref_slice %arg5[%dma_wait3A_362] : memref<6400xi32, #tpu.memory_space<vmem>> -> memref<128xi32, #tpu.memory_space<vmem>>
    %dma_wait3A_364 = arith.constant 0 : i32
    %dma_wait3A_365 = arith.constant 0 : i32
    %dma_wait3A_366 = tpu.memref_slice %arg3[%dma_wait3A_364, %dma_wait3A_365] : memref<1000000x64xf32, #tpu.memory_space<hbm>> -> memref<1000000x64xf32, #tpu.memory_space<hbm>>
    tpu.wait_indirect_dma semaphore(%arg9 : memref<!tpu.dma_semaphore, #tpu.memory_space<semaphore_mem>>) src(%dma_wait3A_366 : memref<1000000x64xf32, #tpu.memory_space<hbm>>) dst(%dma_wait3A_361 : memref<128x64xf32, #tpu.memory_space<vmem>>)
    %dma_wait3A_367 = arith.constant 256 : i32
    %dma_wait3A_368 = arith.constant 0 : i32
    %dma_wait3A_369 = tpu.memref_slice %arg7[%dma_wait3A_367, %dma_wait3A_368] : memref<640x64xf32, #tpu.memory_space<vmem>> -> memref<128x64xf32, #tpu.memory_space<vmem>>
    %dma_wait3A_370 = arith.constant 2176 : i32
    %dma_wait3A_371 = tpu.memref_slice %arg5[%dma_wait3A_370] : memref<6400xi32, #tpu.memory_space<vmem>> -> memref<128xi32, #tpu.memory_space<vmem>>
    %dma_wait3A_372 = arith.constant 0 : i32
    %dma_wait3A_373 = arith.constant 0 : i32
    %dma_wait3A_374 = tpu.memref_slice %arg3[%dma_wait3A_372, %dma_wait3A_373] : memref<1000000x64xf32, #tpu.memory_space<hbm>> -> memref<1000000x64xf32, #tpu.memory_space<hbm>>
    tpu.wait_indirect_dma semaphore(%arg9 : memref<!tpu.dma_semaphore, #tpu.memory_space<semaphore_mem>>) src(%dma_wait3A_374 : memref<1000000x64xf32, #tpu.memory_space<hbm>>) dst(%dma_wait3A_369 : memref<128x64xf32, #tpu.memory_space<vmem>>)
    %dma_wait3A_375 = arith.constant 384 : i32
    %dma_wait3A_376 = arith.constant 0 : i32
    %dma_wait3A_377 = tpu.memref_slice %arg7[%dma_wait3A_375, %dma_wait3A_376] : memref<640x64xf32, #tpu.memory_space<vmem>> -> memref<128x64xf32, #tpu.memory_space<vmem>>
    %dma_wait3A_378 = arith.constant 2304 : i32
    %dma_wait3A_379 = tpu.memref_slice %arg5[%dma_wait3A_378] : memref<6400xi32, #tpu.memory_space<vmem>> -> memref<128xi32, #tpu.memory_space<vmem>>
    %dma_wait3A_380 = arith.constant 0 : i32
    %dma_wait3A_381 = arith.constant 0 : i32
    %dma_wait3A_382 = tpu.memref_slice %arg3[%dma_wait3A_380, %dma_wait3A_381] : memref<1000000x64xf32, #tpu.memory_space<hbm>> -> memref<1000000x64xf32, #tpu.memory_space<hbm>>
    tpu.wait_indirect_dma semaphore(%arg9 : memref<!tpu.dma_semaphore, #tpu.memory_space<semaphore_mem>>) src(%dma_wait3A_382 : memref<1000000x64xf32, #tpu.memory_space<hbm>>) dst(%dma_wait3A_377 : memref<128x64xf32, #tpu.memory_space<vmem>>)
    %dma_wait3A_383 = arith.constant 512 : i32
    %dma_wait3A_384 = arith.constant 0 : i32
    %dma_wait3A_385 = tpu.memref_slice %arg7[%dma_wait3A_383, %dma_wait3A_384] : memref<640x64xf32, #tpu.memory_space<vmem>> -> memref<128x64xf32, #tpu.memory_space<vmem>>
    %dma_wait3A_386 = arith.constant 2432 : i32
    %dma_wait3A_387 = tpu.memref_slice %arg5[%dma_wait3A_386] : memref<6400xi32, #tpu.memory_space<vmem>> -> memref<128xi32, #tpu.memory_space<vmem>>
    %dma_wait3A_388 = arith.constant 0 : i32
    %dma_wait3A_389 = arith.constant 0 : i32
    %dma_wait3A_390 = tpu.memref_slice %arg3[%dma_wait3A_388, %dma_wait3A_389] : memref<1000000x64xf32, #tpu.memory_space<hbm>> -> memref<1000000x64xf32, #tpu.memory_space<hbm>>
    tpu.wait_indirect_dma semaphore(%arg9 : memref<!tpu.dma_semaphore, #tpu.memory_space<semaphore_mem>>) src(%dma_wait3A_390 : memref<1000000x64xf32, #tpu.memory_space<hbm>>) dst(%dma_wait3A_385 : memref<128x64xf32, #tpu.memory_space<vmem>>)
    %add3A_391 = arith.constant 1920 : i32
    %add3A_392 = arith.addi %mul3A_2, %add3A_391 : i32
    %dma_start3A_393 = arith.constant 0 : i32
    %dma_start3A_394 = tpu.memref_slice %arg4[%add3A_392, %dma_start3A_393] : memref<204800x64xf32, #tpu.memory_space<hbm>> -> memref<640x64xf32, #tpu.memory_space<hbm>>
    %dma_start3A_395 = arith.constant 0 : i32
    %dma_start3A_396 = tpu.memref_slice %arg4[%add3A_392, %dma_start3A_395] : memref<204800x64xf32, #tpu.memory_space<hbm>> -> memref<640x64xf32, #tpu.memory_space<hbm>>
    tpu.enqueue_dma source(%arg7 : memref<640x64xf32, #tpu.memory_space<vmem>>) target(%dma_start3A_396 : memref<640x64xf32, #tpu.memory_space<hbm>>) target_semaphore(%arg11 : memref<!tpu.dma_semaphore, #tpu.memory_space<semaphore_mem>>)
    %dma_wait3A_397 = arith.constant 0 : i32
    %dma_wait3A_398 = tpu.memref_slice %arg4[%add3A_392, %dma_wait3A_397] : memref<204800x64xf32, #tpu.memory_space<hbm>> -> memref<640x64xf32, #tpu.memory_space<hbm>>
    %dma_wait3A_399 = arith.constant 0 : i32
    %dma_wait3A_400 = tpu.memref_slice %arg4[%add3A_392, %dma_wait3A_399] : memref<204800x64xf32, #tpu.memory_space<hbm>> -> memref<640x64xf32, #tpu.memory_space<hbm>>
    tpu.wait_dma2 semaphore(%arg11 : memref<!tpu.dma_semaphore, #tpu.memory_space<semaphore_mem>>) src(%arg7 : memref<640x64xf32, #tpu.memory_space<vmem>>) dst(%dma_wait3A_400 : memref<640x64xf32, #tpu.memory_space<hbm>>)
    %dma_start3A_401 = arith.constant 0 : i32
    %dma_start3A_402 = arith.constant 0 : i32
    %dma_start3A_403 = tpu.memref_slice %arg7[%dma_start3A_401, %dma_start3A_402] : memref<640x64xf32, #tpu.memory_space<vmem>> -> memref<128x64xf32, #tpu.memory_space<vmem>>
    %dma_start3A_404 = arith.constant 3200 : i32
    %dma_start3A_405 = tpu.memref_slice %arg5[%dma_start3A_404] : memref<6400xi32, #tpu.memory_space<vmem>> -> memref<128xi32, #tpu.memory_space<vmem>>
    %dma_start3A_406 = arith.constant 0 : i32
    %dma_start3A_407 = arith.constant 0 : i32
    %dma_start3A_408 = tpu.memref_slice %arg3[%dma_start3A_406, %dma_start3A_407] : memref<1000000x64xf32, #tpu.memory_space<hbm>> -> memref<1000000x64xf32, #tpu.memory_space<hbm>>
    tpu.enqueue_indirect_dma source(%dma_start3A_408 : memref<1000000x64xf32, #tpu.memory_space<hbm>>) target(%dma_start3A_403 : memref<128x64xf32, #tpu.memory_space<vmem>>) offsets(%dma_start3A_405 : memref<128xi32, #tpu.memory_space<vmem>>) semaphore(%arg9 : memref<!tpu.dma_semaphore, #tpu.memory_space<semaphore_mem>>)
    %dma_start3A_409 = arith.constant 128 : i32
    %dma_start3A_410 = arith.constant 0 : i32
    %dma_start3A_411 = tpu.memref_slice %arg7[%dma_start3A_409, %dma_start3A_410] : memref<640x64xf32, #tpu.memory_space<vmem>> -> memref<128x64xf32, #tpu.memory_space<vmem>>
    %dma_start3A_412 = arith.constant 3328 : i32
    %dma_start3A_413 = tpu.memref_slice %arg5[%dma_start3A_412] : memref<6400xi32, #tpu.memory_space<vmem>> -> memref<128xi32, #tpu.memory_space<vmem>>
    %dma_start3A_414 = arith.constant 0 : i32
    %dma_start3A_415 = arith.constant 0 : i32
    %dma_start3A_416 = tpu.memref_slice %arg3[%dma_start3A_414, %dma_start3A_415] : memref<1000000x64xf32, #tpu.memory_space<hbm>> -> memref<1000000x64xf32, #tpu.memory_space<hbm>>
    tpu.enqueue_indirect_dma source(%dma_start3A_416 : memref<1000000x64xf32, #tpu.memory_space<hbm>>) target(%dma_start3A_411 : memref<128x64xf32, #tpu.memory_space<vmem>>) offsets(%dma_start3A_413 : memref<128xi32, #tpu.memory_space<vmem>>) semaphore(%arg9 : memref<!tpu.dma_semaphore, #tpu.memory_space<semaphore_mem>>)
    %dma_start3A_417 = arith.constant 256 : i32
    %dma_start3A_418 = arith.constant 0 : i32
    %dma_start3A_419 = tpu.memref_slice %arg7[%dma_start3A_417, %dma_start3A_418] : memref<640x64xf32, #tpu.memory_space<vmem>> -> memref<128x64xf32, #tpu.memory_space<vmem>>
    %dma_start3A_420 = arith.constant 3456 : i32
    %dma_start3A_421 = tpu.memref_slice %arg5[%dma_start3A_420] : memref<6400xi32, #tpu.memory_space<vmem>> -> memref<128xi32, #tpu.memory_space<vmem>>
    %dma_start3A_422 = arith.constant 0 : i32
    %dma_start3A_423 = arith.constant 0 : i32
    %dma_start3A_424 = tpu.memref_slice %arg3[%dma_start3A_422, %dma_start3A_423] : memref<1000000x64xf32, #tpu.memory_space<hbm>> -> memref<1000000x64xf32, #tpu.memory_space<hbm>>
    tpu.enqueue_indirect_dma source(%dma_start3A_424 : memref<1000000x64xf32, #tpu.memory_space<hbm>>) target(%dma_start3A_419 : memref<128x64xf32, #tpu.memory_space<vmem>>) offsets(%dma_start3A_421 : memref<128xi32, #tpu.memory_space<vmem>>) semaphore(%arg9 : memref<!tpu.dma_semaphore, #tpu.memory_space<semaphore_mem>>)
    %dma_start3A_425 = arith.constant 384 : i32
    %dma_start3A_426 = arith.constant 0 : i32
    %dma_start3A_427 = tpu.memref_slice %arg7[%dma_start3A_425, %dma_start3A_426] : memref<640x64xf32, #tpu.memory_space<vmem>> -> memref<128x64xf32, #tpu.memory_space<vmem>>
    %dma_start3A_428 = arith.constant 3584 : i32
    %dma_start3A_429 = tpu.memref_slice %arg5[%dma_start3A_428] : memref<6400xi32, #tpu.memory_space<vmem>> -> memref<128xi32, #tpu.memory_space<vmem>>
    %dma_start3A_430 = arith.constant 0 : i32
    %dma_start3A_431 = arith.constant 0 : i32
    %dma_start3A_432 = tpu.memref_slice %arg3[%dma_start3A_430, %dma_start3A_431] : memref<1000000x64xf32, #tpu.memory_space<hbm>> -> memref<1000000x64xf32, #tpu.memory_space<hbm>>
    tpu.enqueue_indirect_dma source(%dma_start3A_432 : memref<1000000x64xf32, #tpu.memory_space<hbm>>) target(%dma_start3A_427 : memref<128x64xf32, #tpu.memory_space<vmem>>) offsets(%dma_start3A_429 : memref<128xi32, #tpu.memory_space<vmem>>) semaphore(%arg9 : memref<!tpu.dma_semaphore, #tpu.memory_space<semaphore_mem>>)
    %dma_start3A_433 = arith.constant 512 : i32
    %dma_start3A_434 = arith.constant 0 : i32
    %dma_start3A_435 = tpu.memref_slice %arg7[%dma_start3A_433, %dma_start3A_434] : memref<640x64xf32, #tpu.memory_space<vmem>> -> memref<128x64xf32, #tpu.memory_space<vmem>>
    %dma_start3A_436 = arith.constant 3712 : i32
    %dma_start3A_437 = tpu.memref_slice %arg5[%dma_start3A_436] : memref<6400xi32, #tpu.memory_space<vmem>> -> memref<128xi32, #tpu.memory_space<vmem>>
    %dma_start3A_438 = arith.constant 0 : i32
    %dma_start3A_439 = arith.constant 0 : i32
    %dma_start3A_440 = tpu.memref_slice %arg3[%dma_start3A_438, %dma_start3A_439] : memref<1000000x64xf32, #tpu.memory_space<hbm>> -> memref<1000000x64xf32, #tpu.memory_space<hbm>>
    tpu.enqueue_indirect_dma source(%dma_start3A_440 : memref<1000000x64xf32, #tpu.memory_space<hbm>>) target(%dma_start3A_435 : memref<128x64xf32, #tpu.memory_space<vmem>>) offsets(%dma_start3A_437 : memref<128xi32, #tpu.memory_space<vmem>>) semaphore(%arg9 : memref<!tpu.dma_semaphore, #tpu.memory_space<semaphore_mem>>)
    %dma_wait3A_441 = arith.constant 0 : i32
    %dma_wait3A_442 = arith.constant 0 : i32
    %dma_wait3A_443 = tpu.memref_slice %arg6[%dma_wait3A_441, %dma_wait3A_442] : memref<640x64xf32, #tpu.memory_space<vmem>> -> memref<128x64xf32, #tpu.memory_space<vmem>>
    %dma_wait3A_444 = arith.constant 2560 : i32
    %dma_wait3A_445 = tpu.memref_slice %arg5[%dma_wait3A_444] : memref<6400xi32, #tpu.memory_space<vmem>> -> memref<128xi32, #tpu.memory_space<vmem>>
    %dma_wait3A_446 = arith.constant 0 : i32
    %dma_wait3A_447 = arith.constant 0 : i32
    %dma_wait3A_448 = tpu.memref_slice %arg3[%dma_wait3A_446, %dma_wait3A_447] : memref<1000000x64xf32, #tpu.memory_space<hbm>> -> memref<1000000x64xf32, #tpu.memory_space<hbm>>
    tpu.wait_indirect_dma semaphore(%arg8 : memref<!tpu.dma_semaphore, #tpu.memory_space<semaphore_mem>>) src(%dma_wait3A_448 : memref<1000000x64xf32, #tpu.memory_space<hbm>>) dst(%dma_wait3A_443 : memref<128x64xf32, #tpu.memory_space<vmem>>)
    %dma_wait3A_449 = arith.constant 128 : i32
    %dma_wait3A_450 = arith.constant 0 : i32
    %dma_wait3A_451 = tpu.memref_slice %arg6[%dma_wait3A_449, %dma_wait3A_450] : memref<640x64xf32, #tpu.memory_space<vmem>> -> memref<128x64xf32, #tpu.memory_space<vmem>>
    %dma_wait3A_452 = arith.constant 2688 : i32
    %dma_wait3A_453 = tpu.memref_slice %arg5[%dma_wait3A_452] : memref<6400xi32, #tpu.memory_space<vmem>> -> memref<128xi32, #tpu.memory_space<vmem>>
    %dma_wait3A_454 = arith.constant 0 : i32
    %dma_wait3A_455 = arith.constant 0 : i32
    %dma_wait3A_456 = tpu.memref_slice %arg3[%dma_wait3A_454, %dma_wait3A_455] : memref<1000000x64xf32, #tpu.memory_space<hbm>> -> memref<1000000x64xf32, #tpu.memory_space<hbm>>
    tpu.wait_indirect_dma semaphore(%arg8 : memref<!tpu.dma_semaphore, #tpu.memory_space<semaphore_mem>>) src(%dma_wait3A_456 : memref<1000000x64xf32, #tpu.memory_space<hbm>>) dst(%dma_wait3A_451 : memref<128x64xf32, #tpu.memory_space<vmem>>)
    %dma_wait3A_457 = arith.constant 256 : i32
    %dma_wait3A_458 = arith.constant 0 : i32
    %dma_wait3A_459 = tpu.memref_slice %arg6[%dma_wait3A_457, %dma_wait3A_458] : memref<640x64xf32, #tpu.memory_space<vmem>> -> memref<128x64xf32, #tpu.memory_space<vmem>>
    %dma_wait3A_460 = arith.constant 2816 : i32
    %dma_wait3A_461 = tpu.memref_slice %arg5[%dma_wait3A_460] : memref<6400xi32, #tpu.memory_space<vmem>> -> memref<128xi32, #tpu.memory_space<vmem>>
    %dma_wait3A_462 = arith.constant 0 : i32
    %dma_wait3A_463 = arith.constant 0 : i32
    %dma_wait3A_464 = tpu.memref_slice %arg3[%dma_wait3A_462, %dma_wait3A_463] : memref<1000000x64xf32, #tpu.memory_space<hbm>> -> memref<1000000x64xf32, #tpu.memory_space<hbm>>
    tpu.wait_indirect_dma semaphore(%arg8 : memref<!tpu.dma_semaphore, #tpu.memory_space<semaphore_mem>>) src(%dma_wait3A_464 : memref<1000000x64xf32, #tpu.memory_space<hbm>>) dst(%dma_wait3A_459 : memref<128x64xf32, #tpu.memory_space<vmem>>)
    %dma_wait3A_465 = arith.constant 384 : i32
    %dma_wait3A_466 = arith.constant 0 : i32
    %dma_wait3A_467 = tpu.memref_slice %arg6[%dma_wait3A_465, %dma_wait3A_466] : memref<640x64xf32, #tpu.memory_space<vmem>> -> memref<128x64xf32, #tpu.memory_space<vmem>>
    %dma_wait3A_468 = arith.constant 2944 : i32
    %dma_wait3A_469 = tpu.memref_slice %arg5[%dma_wait3A_468] : memref<6400xi32, #tpu.memory_space<vmem>> -> memref<128xi32, #tpu.memory_space<vmem>>
    %dma_wait3A_470 = arith.constant 0 : i32
    %dma_wait3A_471 = arith.constant 0 : i32
    %dma_wait3A_472 = tpu.memref_slice %arg3[%dma_wait3A_470, %dma_wait3A_471] : memref<1000000x64xf32, #tpu.memory_space<hbm>> -> memref<1000000x64xf32, #tpu.memory_space<hbm>>
    tpu.wait_indirect_dma semaphore(%arg8 : memref<!tpu.dma_semaphore, #tpu.memory_space<semaphore_mem>>) src(%dma_wait3A_472 : memref<1000000x64xf32, #tpu.memory_space<hbm>>) dst(%dma_wait3A_467 : memref<128x64xf32, #tpu.memory_space<vmem>>)
    %dma_wait3A_473 = arith.constant 512 : i32
    %dma_wait3A_474 = arith.constant 0 : i32
    %dma_wait3A_475 = tpu.memref_slice %arg6[%dma_wait3A_473, %dma_wait3A_474] : memref<640x64xf32, #tpu.memory_space<vmem>> -> memref<128x64xf32, #tpu.memory_space<vmem>>
    %dma_wait3A_476 = arith.constant 3072 : i32
    %dma_wait3A_477 = tpu.memref_slice %arg5[%dma_wait3A_476] : memref<6400xi32, #tpu.memory_space<vmem>> -> memref<128xi32, #tpu.memory_space<vmem>>
    %dma_wait3A_478 = arith.constant 0 : i32
    %dma_wait3A_479 = arith.constant 0 : i32
    %dma_wait3A_480 = tpu.memref_slice %arg3[%dma_wait3A_478, %dma_wait3A_479] : memref<1000000x64xf32, #tpu.memory_space<hbm>> -> memref<1000000x64xf32, #tpu.memory_space<hbm>>
    tpu.wait_indirect_dma semaphore(%arg8 : memref<!tpu.dma_semaphore, #tpu.memory_space<semaphore_mem>>) src(%dma_wait3A_480 : memref<1000000x64xf32, #tpu.memory_space<hbm>>) dst(%dma_wait3A_475 : memref<128x64xf32, #tpu.memory_space<vmem>>)
    %add3A_481 = arith.constant 2560 : i32
    %add3A_482 = arith.addi %mul3A_2, %add3A_481 : i32
    %dma_start3A_483 = arith.constant 0 : i32
    %dma_start3A_484 = tpu.memref_slice %arg4[%add3A_482, %dma_start3A_483] : memref<204800x64xf32, #tpu.memory_space<hbm>> -> memref<640x64xf32, #tpu.memory_space<hbm>>
    %dma_start3A_485 = arith.constant 0 : i32
    %dma_start3A_486 = tpu.memref_slice %arg4[%add3A_482, %dma_start3A_485] : memref<204800x64xf32, #tpu.memory_space<hbm>> -> memref<640x64xf32, #tpu.memory_space<hbm>>
    tpu.enqueue_dma source(%arg6 : memref<640x64xf32, #tpu.memory_space<vmem>>) target(%dma_start3A_486 : memref<640x64xf32, #tpu.memory_space<hbm>>) target_semaphore(%arg10 : memref<!tpu.dma_semaphore, #tpu.memory_space<semaphore_mem>>)
    %dma_wait3A_487 = arith.constant 0 : i32
    %dma_wait3A_488 = tpu.memref_slice %arg4[%add3A_482, %dma_wait3A_487] : memref<204800x64xf32, #tpu.memory_space<hbm>> -> memref<640x64xf32, #tpu.memory_space<hbm>>
    %dma_wait3A_489 = arith.constant 0 : i32
    %dma_wait3A_490 = tpu.memref_slice %arg4[%add3A_482, %dma_wait3A_489] : memref<204800x64xf32, #tpu.memory_space<hbm>> -> memref<640x64xf32, #tpu.memory_space<hbm>>
    tpu.wait_dma2 semaphore(%arg10 : memref<!tpu.dma_semaphore, #tpu.memory_space<semaphore_mem>>) src(%arg6 : memref<640x64xf32, #tpu.memory_space<vmem>>) dst(%dma_wait3A_490 : memref<640x64xf32, #tpu.memory_space<hbm>>)
    %dma_start3A_491 = arith.constant 0 : i32
    %dma_start3A_492 = arith.constant 0 : i32
    %dma_start3A_493 = tpu.memref_slice %arg6[%dma_start3A_491, %dma_start3A_492] : memref<640x64xf32, #tpu.memory_space<vmem>> -> memref<128x64xf32, #tpu.memory_space<vmem>>
    %dma_start3A_494 = arith.constant 3840 : i32
    %dma_start3A_495 = tpu.memref_slice %arg5[%dma_start3A_494] : memref<6400xi32, #tpu.memory_space<vmem>> -> memref<128xi32, #tpu.memory_space<vmem>>
    %dma_start3A_496 = arith.constant 0 : i32
    %dma_start3A_497 = arith.constant 0 : i32
    %dma_start3A_498 = tpu.memref_slice %arg3[%dma_start3A_496, %dma_start3A_497] : memref<1000000x64xf32, #tpu.memory_space<hbm>> -> memref<1000000x64xf32, #tpu.memory_space<hbm>>
    tpu.enqueue_indirect_dma source(%dma_start3A_498 : memref<1000000x64xf32, #tpu.memory_space<hbm>>) target(%dma_start3A_493 : memref<128x64xf32, #tpu.memory_space<vmem>>) offsets(%dma_start3A_495 : memref<128xi32, #tpu.memory_space<vmem>>) semaphore(%arg8 : memref<!tpu.dma_semaphore, #tpu.memory_space<semaphore_mem>>)
    %dma_start3A_499 = arith.constant 128 : i32
    %dma_start3A_500 = arith.constant 0 : i32
    %dma_start3A_501 = tpu.memref_slice %arg6[%dma_start3A_499, %dma_start3A_500] : memref<640x64xf32, #tpu.memory_space<vmem>> -> memref<128x64xf32, #tpu.memory_space<vmem>>
    %dma_start3A_502 = arith.constant 3968 : i32
    %dma_start3A_503 = tpu.memref_slice %arg5[%dma_start3A_502] : memref<6400xi32, #tpu.memory_space<vmem>> -> memref<128xi32, #tpu.memory_space<vmem>>
    %dma_start3A_504 = arith.constant 0 : i32
    %dma_start3A_505 = arith.constant 0 : i32
    %dma_start3A_506 = tpu.memref_slice %arg3[%dma_start3A_504, %dma_start3A_505] : memref<1000000x64xf32, #tpu.memory_space<hbm>> -> memref<1000000x64xf32, #tpu.memory_space<hbm>>
    tpu.enqueue_indirect_dma source(%dma_start3A_506 : memref<1000000x64xf32, #tpu.memory_space<hbm>>) target(%dma_start3A_501 : memref<128x64xf32, #tpu.memory_space<vmem>>) offsets(%dma_start3A_503 : memref<128xi32, #tpu.memory_space<vmem>>) semaphore(%arg8 : memref<!tpu.dma_semaphore, #tpu.memory_space<semaphore_mem>>)
    %dma_start3A_507 = arith.constant 256 : i32
    %dma_start3A_508 = arith.constant 0 : i32
    %dma_start3A_509 = tpu.memref_slice %arg6[%dma_start3A_507, %dma_start3A_508] : memref<640x64xf32, #tpu.memory_space<vmem>> -> memref<128x64xf32, #tpu.memory_space<vmem>>
    %dma_start3A_510 = arith.constant 4096 : i32
    %dma_start3A_511 = tpu.memref_slice %arg5[%dma_start3A_510] : memref<6400xi32, #tpu.memory_space<vmem>> -> memref<128xi32, #tpu.memory_space<vmem>>
    %dma_start3A_512 = arith.constant 0 : i32
    %dma_start3A_513 = arith.constant 0 : i32
    %dma_start3A_514 = tpu.memref_slice %arg3[%dma_start3A_512, %dma_start3A_513] : memref<1000000x64xf32, #tpu.memory_space<hbm>> -> memref<1000000x64xf32, #tpu.memory_space<hbm>>
    tpu.enqueue_indirect_dma source(%dma_start3A_514 : memref<1000000x64xf32, #tpu.memory_space<hbm>>) target(%dma_start3A_509 : memref<128x64xf32, #tpu.memory_space<vmem>>) offsets(%dma_start3A_511 : memref<128xi32, #tpu.memory_space<vmem>>) semaphore(%arg8 : memref<!tpu.dma_semaphore, #tpu.memory_space<semaphore_mem>>)
    %dma_start3A_515 = arith.constant 384 : i32
    %dma_start3A_516 = arith.constant 0 : i32
    %dma_start3A_517 = tpu.memref_slice %arg6[%dma_start3A_515, %dma_start3A_516] : memref<640x64xf32, #tpu.memory_space<vmem>> -> memref<128x64xf32, #tpu.memory_space<vmem>>
    %dma_start3A_518 = arith.constant 4224 : i32
    %dma_start3A_519 = tpu.memref_slice %arg5[%dma_start3A_518] : memref<6400xi32, #tpu.memory_space<vmem>> -> memref<128xi32, #tpu.memory_space<vmem>>
    %dma_start3A_520 = arith.constant 0 : i32
    %dma_start3A_521 = arith.constant 0 : i32
    %dma_start3A_522 = tpu.memref_slice %arg3[%dma_start3A_520, %dma_start3A_521] : memref<1000000x64xf32, #tpu.memory_space<hbm>> -> memref<1000000x64xf32, #tpu.memory_space<hbm>>
    tpu.enqueue_indirect_dma source(%dma_start3A_522 : memref<1000000x64xf32, #tpu.memory_space<hbm>>) target(%dma_start3A_517 : memref<128x64xf32, #tpu.memory_space<vmem>>) offsets(%dma_start3A_519 : memref<128xi32, #tpu.memory_space<vmem>>) semaphore(%arg8 : memref<!tpu.dma_semaphore, #tpu.memory_space<semaphore_mem>>)
    %dma_start3A_523 = arith.constant 512 : i32
    %dma_start3A_524 = arith.constant 0 : i32
    %dma_start3A_525 = tpu.memref_slice %arg6[%dma_start3A_523, %dma_start3A_524] : memref<640x64xf32, #tpu.memory_space<vmem>> -> memref<128x64xf32, #tpu.memory_space<vmem>>
    %dma_start3A_526 = arith.constant 4352 : i32
    %dma_start3A_527 = tpu.memref_slice %arg5[%dma_start3A_526] : memref<6400xi32, #tpu.memory_space<vmem>> -> memref<128xi32, #tpu.memory_space<vmem>>
    %dma_start3A_528 = arith.constant 0 : i32
    %dma_start3A_529 = arith.constant 0 : i32
    %dma_start3A_530 = tpu.memref_slice %arg3[%dma_start3A_528, %dma_start3A_529] : memref<1000000x64xf32, #tpu.memory_space<hbm>> -> memref<1000000x64xf32, #tpu.memory_space<hbm>>
    tpu.enqueue_indirect_dma source(%dma_start3A_530 : memref<1000000x64xf32, #tpu.memory_space<hbm>>) target(%dma_start3A_525 : memref<128x64xf32, #tpu.memory_space<vmem>>) offsets(%dma_start3A_527 : memref<128xi32, #tpu.memory_space<vmem>>) semaphore(%arg8 : memref<!tpu.dma_semaphore, #tpu.memory_space<semaphore_mem>>)
    %dma_wait3A_531 = arith.constant 0 : i32
    %dma_wait3A_532 = arith.constant 0 : i32
    %dma_wait3A_533 = tpu.memref_slice %arg7[%dma_wait3A_531, %dma_wait3A_532] : memref<640x64xf32, #tpu.memory_space<vmem>> -> memref<128x64xf32, #tpu.memory_space<vmem>>
    %dma_wait3A_534 = arith.constant 3200 : i32
    %dma_wait3A_535 = tpu.memref_slice %arg5[%dma_wait3A_534] : memref<6400xi32, #tpu.memory_space<vmem>> -> memref<128xi32, #tpu.memory_space<vmem>>
    %dma_wait3A_536 = arith.constant 0 : i32
    %dma_wait3A_537 = arith.constant 0 : i32
    %dma_wait3A_538 = tpu.memref_slice %arg3[%dma_wait3A_536, %dma_wait3A_537] : memref<1000000x64xf32, #tpu.memory_space<hbm>> -> memref<1000000x64xf32, #tpu.memory_space<hbm>>
    tpu.wait_indirect_dma semaphore(%arg9 : memref<!tpu.dma_semaphore, #tpu.memory_space<semaphore_mem>>) src(%dma_wait3A_538 : memref<1000000x64xf32, #tpu.memory_space<hbm>>) dst(%dma_wait3A_533 : memref<128x64xf32, #tpu.memory_space<vmem>>)
    %dma_wait3A_539 = arith.constant 128 : i32
    %dma_wait3A_540 = arith.constant 0 : i32
    %dma_wait3A_541 = tpu.memref_slice %arg7[%dma_wait3A_539, %dma_wait3A_540] : memref<640x64xf32, #tpu.memory_space<vmem>> -> memref<128x64xf32, #tpu.memory_space<vmem>>
    %dma_wait3A_542 = arith.constant 3328 : i32
    %dma_wait3A_543 = tpu.memref_slice %arg5[%dma_wait3A_542] : memref<6400xi32, #tpu.memory_space<vmem>> -> memref<128xi32, #tpu.memory_space<vmem>>
    %dma_wait3A_544 = arith.constant 0 : i32
    %dma_wait3A_545 = arith.constant 0 : i32
    %dma_wait3A_546 = tpu.memref_slice %arg3[%dma_wait3A_544, %dma_wait3A_545] : memref<1000000x64xf32, #tpu.memory_space<hbm>> -> memref<1000000x64xf32, #tpu.memory_space<hbm>>
    tpu.wait_indirect_dma semaphore(%arg9 : memref<!tpu.dma_semaphore, #tpu.memory_space<semaphore_mem>>) src(%dma_wait3A_546 : memref<1000000x64xf32, #tpu.memory_space<hbm>>) dst(%dma_wait3A_541 : memref<128x64xf32, #tpu.memory_space<vmem>>)
    %dma_wait3A_547 = arith.constant 256 : i32
    %dma_wait3A_548 = arith.constant 0 : i32
    %dma_wait3A_549 = tpu.memref_slice %arg7[%dma_wait3A_547, %dma_wait3A_548] : memref<640x64xf32, #tpu.memory_space<vmem>> -> memref<128x64xf32, #tpu.memory_space<vmem>>
    %dma_wait3A_550 = arith.constant 3456 : i32
    %dma_wait3A_551 = tpu.memref_slice %arg5[%dma_wait3A_550] : memref<6400xi32, #tpu.memory_space<vmem>> -> memref<128xi32, #tpu.memory_space<vmem>>
    %dma_wait3A_552 = arith.constant 0 : i32
    %dma_wait3A_553 = arith.constant 0 : i32
    %dma_wait3A_554 = tpu.memref_slice %arg3[%dma_wait3A_552, %dma_wait3A_553] : memref<1000000x64xf32, #tpu.memory_space<hbm>> -> memref<1000000x64xf32, #tpu.memory_space<hbm>>
    tpu.wait_indirect_dma semaphore(%arg9 : memref<!tpu.dma_semaphore, #tpu.memory_space<semaphore_mem>>) src(%dma_wait3A_554 : memref<1000000x64xf32, #tpu.memory_space<hbm>>) dst(%dma_wait3A_549 : memref<128x64xf32, #tpu.memory_space<vmem>>)
    %dma_wait3A_555 = arith.constant 384 : i32
    %dma_wait3A_556 = arith.constant 0 : i32
    %dma_wait3A_557 = tpu.memref_slice %arg7[%dma_wait3A_555, %dma_wait3A_556] : memref<640x64xf32, #tpu.memory_space<vmem>> -> memref<128x64xf32, #tpu.memory_space<vmem>>
    %dma_wait3A_558 = arith.constant 3584 : i32
    %dma_wait3A_559 = tpu.memref_slice %arg5[%dma_wait3A_558] : memref<6400xi32, #tpu.memory_space<vmem>> -> memref<128xi32, #tpu.memory_space<vmem>>
    %dma_wait3A_560 = arith.constant 0 : i32
    %dma_wait3A_561 = arith.constant 0 : i32
    %dma_wait3A_562 = tpu.memref_slice %arg3[%dma_wait3A_560, %dma_wait3A_561] : memref<1000000x64xf32, #tpu.memory_space<hbm>> -> memref<1000000x64xf32, #tpu.memory_space<hbm>>
    tpu.wait_indirect_dma semaphore(%arg9 : memref<!tpu.dma_semaphore, #tpu.memory_space<semaphore_mem>>) src(%dma_wait3A_562 : memref<1000000x64xf32, #tpu.memory_space<hbm>>) dst(%dma_wait3A_557 : memref<128x64xf32, #tpu.memory_space<vmem>>)
    %dma_wait3A_563 = arith.constant 512 : i32
    %dma_wait3A_564 = arith.constant 0 : i32
    %dma_wait3A_565 = tpu.memref_slice %arg7[%dma_wait3A_563, %dma_wait3A_564] : memref<640x64xf32, #tpu.memory_space<vmem>> -> memref<128x64xf32, #tpu.memory_space<vmem>>
    %dma_wait3A_566 = arith.constant 3712 : i32
    %dma_wait3A_567 = tpu.memref_slice %arg5[%dma_wait3A_566] : memref<6400xi32, #tpu.memory_space<vmem>> -> memref<128xi32, #tpu.memory_space<vmem>>
    %dma_wait3A_568 = arith.constant 0 : i32
    %dma_wait3A_569 = arith.constant 0 : i32
    %dma_wait3A_570 = tpu.memref_slice %arg3[%dma_wait3A_568, %dma_wait3A_569] : memref<1000000x64xf32, #tpu.memory_space<hbm>> -> memref<1000000x64xf32, #tpu.memory_space<hbm>>
    tpu.wait_indirect_dma semaphore(%arg9 : memref<!tpu.dma_semaphore, #tpu.memory_space<semaphore_mem>>) src(%dma_wait3A_570 : memref<1000000x64xf32, #tpu.memory_space<hbm>>) dst(%dma_wait3A_565 : memref<128x64xf32, #tpu.memory_space<vmem>>)
    %add3A_571 = arith.constant 3200 : i32
    %add3A_572 = arith.addi %mul3A_2, %add3A_571 : i32
    %dma_start3A_573 = arith.constant 0 : i32
    %dma_start3A_574 = tpu.memref_slice %arg4[%add3A_572, %dma_start3A_573] : memref<204800x64xf32, #tpu.memory_space<hbm>> -> memref<640x64xf32, #tpu.memory_space<hbm>>
    %dma_start3A_575 = arith.constant 0 : i32
    %dma_start3A_576 = tpu.memref_slice %arg4[%add3A_572, %dma_start3A_575] : memref<204800x64xf32, #tpu.memory_space<hbm>> -> memref<640x64xf32, #tpu.memory_space<hbm>>
    tpu.enqueue_dma source(%arg7 : memref<640x64xf32, #tpu.memory_space<vmem>>) target(%dma_start3A_576 : memref<640x64xf32, #tpu.memory_space<hbm>>) target_semaphore(%arg11 : memref<!tpu.dma_semaphore, #tpu.memory_space<semaphore_mem>>)
    %dma_wait3A_577 = arith.constant 0 : i32
    %dma_wait3A_578 = tpu.memref_slice %arg4[%add3A_572, %dma_wait3A_577] : memref<204800x64xf32, #tpu.memory_space<hbm>> -> memref<640x64xf32, #tpu.memory_space<hbm>>
    %dma_wait3A_579 = arith.constant 0 : i32
    %dma_wait3A_580 = tpu.memref_slice %arg4[%add3A_572, %dma_wait3A_579] : memref<204800x64xf32, #tpu.memory_space<hbm>> -> memref<640x64xf32, #tpu.memory_space<hbm>>
    tpu.wait_dma2 semaphore(%arg11 : memref<!tpu.dma_semaphore, #tpu.memory_space<semaphore_mem>>) src(%arg7 : memref<640x64xf32, #tpu.memory_space<vmem>>) dst(%dma_wait3A_580 : memref<640x64xf32, #tpu.memory_space<hbm>>)
    %dma_start3A_581 = arith.constant 0 : i32
    %dma_start3A_582 = arith.constant 0 : i32
    %dma_start3A_583 = tpu.memref_slice %arg7[%dma_start3A_581, %dma_start3A_582] : memref<640x64xf32, #tpu.memory_space<vmem>> -> memref<128x64xf32, #tpu.memory_space<vmem>>
    %dma_start3A_584 = arith.constant 4480 : i32
    %dma_start3A_585 = tpu.memref_slice %arg5[%dma_start3A_584] : memref<6400xi32, #tpu.memory_space<vmem>> -> memref<128xi32, #tpu.memory_space<vmem>>
    %dma_start3A_586 = arith.constant 0 : i32
    %dma_start3A_587 = arith.constant 0 : i32
    %dma_start3A_588 = tpu.memref_slice %arg3[%dma_start3A_586, %dma_start3A_587] : memref<1000000x64xf32, #tpu.memory_space<hbm>> -> memref<1000000x64xf32, #tpu.memory_space<hbm>>
    tpu.enqueue_indirect_dma source(%dma_start3A_588 : memref<1000000x64xf32, #tpu.memory_space<hbm>>) target(%dma_start3A_583 : memref<128x64xf32, #tpu.memory_space<vmem>>) offsets(%dma_start3A_585 : memref<128xi32, #tpu.memory_space<vmem>>) semaphore(%arg9 : memref<!tpu.dma_semaphore, #tpu.memory_space<semaphore_mem>>)
    %dma_start3A_589 = arith.constant 128 : i32
    %dma_start3A_590 = arith.constant 0 : i32
    %dma_start3A_591 = tpu.memref_slice %arg7[%dma_start3A_589, %dma_start3A_590] : memref<640x64xf32, #tpu.memory_space<vmem>> -> memref<128x64xf32, #tpu.memory_space<vmem>>
    %dma_start3A_592 = arith.constant 4608 : i32
    %dma_start3A_593 = tpu.memref_slice %arg5[%dma_start3A_592] : memref<6400xi32, #tpu.memory_space<vmem>> -> memref<128xi32, #tpu.memory_space<vmem>>
    %dma_start3A_594 = arith.constant 0 : i32
    %dma_start3A_595 = arith.constant 0 : i32
    %dma_start3A_596 = tpu.memref_slice %arg3[%dma_start3A_594, %dma_start3A_595] : memref<1000000x64xf32, #tpu.memory_space<hbm>> -> memref<1000000x64xf32, #tpu.memory_space<hbm>>
    tpu.enqueue_indirect_dma source(%dma_start3A_596 : memref<1000000x64xf32, #tpu.memory_space<hbm>>) target(%dma_start3A_591 : memref<128x64xf32, #tpu.memory_space<vmem>>) offsets(%dma_start3A_593 : memref<128xi32, #tpu.memory_space<vmem>>) semaphore(%arg9 : memref<!tpu.dma_semaphore, #tpu.memory_space<semaphore_mem>>)
    %dma_start3A_597 = arith.constant 256 : i32
    %dma_start3A_598 = arith.constant 0 : i32
    %dma_start3A_599 = tpu.memref_slice %arg7[%dma_start3A_597, %dma_start3A_598] : memref<640x64xf32, #tpu.memory_space<vmem>> -> memref<128x64xf32, #tpu.memory_space<vmem>>
    %dma_start3A_600 = arith.constant 4736 : i32
    %dma_start3A_601 = tpu.memref_slice %arg5[%dma_start3A_600] : memref<6400xi32, #tpu.memory_space<vmem>> -> memref<128xi32, #tpu.memory_space<vmem>>
    %dma_start3A_602 = arith.constant 0 : i32
    %dma_start3A_603 = arith.constant 0 : i32
    %dma_start3A_604 = tpu.memref_slice %arg3[%dma_start3A_602, %dma_start3A_603] : memref<1000000x64xf32, #tpu.memory_space<hbm>> -> memref<1000000x64xf32, #tpu.memory_space<hbm>>
    tpu.enqueue_indirect_dma source(%dma_start3A_604 : memref<1000000x64xf32, #tpu.memory_space<hbm>>) target(%dma_start3A_599 : memref<128x64xf32, #tpu.memory_space<vmem>>) offsets(%dma_start3A_601 : memref<128xi32, #tpu.memory_space<vmem>>) semaphore(%arg9 : memref<!tpu.dma_semaphore, #tpu.memory_space<semaphore_mem>>)
    %dma_start3A_605 = arith.constant 384 : i32
    %dma_start3A_606 = arith.constant 0 : i32
    %dma_start3A_607 = tpu.memref_slice %arg7[%dma_start3A_605, %dma_start3A_606] : memref<640x64xf32, #tpu.memory_space<vmem>> -> memref<128x64xf32, #tpu.memory_space<vmem>>
    %dma_start3A_608 = arith.constant 4864 : i32
    %dma_start3A_609 = tpu.memref_slice %arg5[%dma_start3A_608] : memref<6400xi32, #tpu.memory_space<vmem>> -> memref<128xi32, #tpu.memory_space<vmem>>
    %dma_start3A_610 = arith.constant 0 : i32
    %dma_start3A_611 = arith.constant 0 : i32
    %dma_start3A_612 = tpu.memref_slice %arg3[%dma_start3A_610, %dma_start3A_611] : memref<1000000x64xf32, #tpu.memory_space<hbm>> -> memref<1000000x64xf32, #tpu.memory_space<hbm>>
    tpu.enqueue_indirect_dma source(%dma_start3A_612 : memref<1000000x64xf32, #tpu.memory_space<hbm>>) target(%dma_start3A_607 : memref<128x64xf32, #tpu.memory_space<vmem>>) offsets(%dma_start3A_609 : memref<128xi32, #tpu.memory_space<vmem>>) semaphore(%arg9 : memref<!tpu.dma_semaphore, #tpu.memory_space<semaphore_mem>>)
    %dma_start3A_613 = arith.constant 512 : i32
    %dma_start3A_614 = arith.constant 0 : i32
    %dma_start3A_615 = tpu.memref_slice %arg7[%dma_start3A_613, %dma_start3A_614] : memref<640x64xf32, #tpu.memory_space<vmem>> -> memref<128x64xf32, #tpu.memory_space<vmem>>
    %dma_start3A_616 = arith.constant 4992 : i32
    %dma_start3A_617 = tpu.memref_slice %arg5[%dma_start3A_616] : memref<6400xi32, #tpu.memory_space<vmem>> -> memref<128xi32, #tpu.memory_space<vmem>>
    %dma_start3A_618 = arith.constant 0 : i32
    %dma_start3A_619 = arith.constant 0 : i32
    %dma_start3A_620 = tpu.memref_slice %arg3[%dma_start3A_618, %dma_start3A_619] : memref<1000000x64xf32, #tpu.memory_space<hbm>> -> memref<1000000x64xf32, #tpu.memory_space<hbm>>
    tpu.enqueue_indirect_dma source(%dma_start3A_620 : memref<1000000x64xf32, #tpu.memory_space<hbm>>) target(%dma_start3A_615 : memref<128x64xf32, #tpu.memory_space<vmem>>) offsets(%dma_start3A_617 : memref<128xi32, #tpu.memory_space<vmem>>) semaphore(%arg9 : memref<!tpu.dma_semaphore, #tpu.memory_space<semaphore_mem>>)
    %dma_wait3A_621 = arith.constant 0 : i32
    %dma_wait3A_622 = arith.constant 0 : i32
    %dma_wait3A_623 = tpu.memref_slice %arg6[%dma_wait3A_621, %dma_wait3A_622] : memref<640x64xf32, #tpu.memory_space<vmem>> -> memref<128x64xf32, #tpu.memory_space<vmem>>
    %dma_wait3A_624 = arith.constant 3840 : i32
    %dma_wait3A_625 = tpu.memref_slice %arg5[%dma_wait3A_624] : memref<6400xi32, #tpu.memory_space<vmem>> -> memref<128xi32, #tpu.memory_space<vmem>>
    %dma_wait3A_626 = arith.constant 0 : i32
    %dma_wait3A_627 = arith.constant 0 : i32
    %dma_wait3A_628 = tpu.memref_slice %arg3[%dma_wait3A_626, %dma_wait3A_627] : memref<1000000x64xf32, #tpu.memory_space<hbm>> -> memref<1000000x64xf32, #tpu.memory_space<hbm>>
    tpu.wait_indirect_dma semaphore(%arg8 : memref<!tpu.dma_semaphore, #tpu.memory_space<semaphore_mem>>) src(%dma_wait3A_628 : memref<1000000x64xf32, #tpu.memory_space<hbm>>) dst(%dma_wait3A_623 : memref<128x64xf32, #tpu.memory_space<vmem>>)
    %dma_wait3A_629 = arith.constant 128 : i32
    %dma_wait3A_630 = arith.constant 0 : i32
    %dma_wait3A_631 = tpu.memref_slice %arg6[%dma_wait3A_629, %dma_wait3A_630] : memref<640x64xf32, #tpu.memory_space<vmem>> -> memref<128x64xf32, #tpu.memory_space<vmem>>
    %dma_wait3A_632 = arith.constant 3968 : i32
    %dma_wait3A_633 = tpu.memref_slice %arg5[%dma_wait3A_632] : memref<6400xi32, #tpu.memory_space<vmem>> -> memref<128xi32, #tpu.memory_space<vmem>>
    %dma_wait3A_634 = arith.constant 0 : i32
    %dma_wait3A_635 = arith.constant 0 : i32
    %dma_wait3A_636 = tpu.memref_slice %arg3[%dma_wait3A_634, %dma_wait3A_635] : memref<1000000x64xf32, #tpu.memory_space<hbm>> -> memref<1000000x64xf32, #tpu.memory_space<hbm>>
    tpu.wait_indirect_dma semaphore(%arg8 : memref<!tpu.dma_semaphore, #tpu.memory_space<semaphore_mem>>) src(%dma_wait3A_636 : memref<1000000x64xf32, #tpu.memory_space<hbm>>) dst(%dma_wait3A_631 : memref<128x64xf32, #tpu.memory_space<vmem>>)
    %dma_wait3A_637 = arith.constant 256 : i32
    %dma_wait3A_638 = arith.constant 0 : i32
    %dma_wait3A_639 = tpu.memref_slice %arg6[%dma_wait3A_637, %dma_wait3A_638] : memref<640x64xf32, #tpu.memory_space<vmem>> -> memref<128x64xf32, #tpu.memory_space<vmem>>
    %dma_wait3A_640 = arith.constant 4096 : i32
    %dma_wait3A_641 = tpu.memref_slice %arg5[%dma_wait3A_640] : memref<6400xi32, #tpu.memory_space<vmem>> -> memref<128xi32, #tpu.memory_space<vmem>>
    %dma_wait3A_642 = arith.constant 0 : i32
    %dma_wait3A_643 = arith.constant 0 : i32
    %dma_wait3A_644 = tpu.memref_slice %arg3[%dma_wait3A_642, %dma_wait3A_643] : memref<1000000x64xf32, #tpu.memory_space<hbm>> -> memref<1000000x64xf32, #tpu.memory_space<hbm>>
    tpu.wait_indirect_dma semaphore(%arg8 : memref<!tpu.dma_semaphore, #tpu.memory_space<semaphore_mem>>) src(%dma_wait3A_644 : memref<1000000x64xf32, #tpu.memory_space<hbm>>) dst(%dma_wait3A_639 : memref<128x64xf32, #tpu.memory_space<vmem>>)
    %dma_wait3A_645 = arith.constant 384 : i32
    %dma_wait3A_646 = arith.constant 0 : i32
    %dma_wait3A_647 = tpu.memref_slice %arg6[%dma_wait3A_645, %dma_wait3A_646] : memref<640x64xf32, #tpu.memory_space<vmem>> -> memref<128x64xf32, #tpu.memory_space<vmem>>
    %dma_wait3A_648 = arith.constant 4224 : i32
    %dma_wait3A_649 = tpu.memref_slice %arg5[%dma_wait3A_648] : memref<6400xi32, #tpu.memory_space<vmem>> -> memref<128xi32, #tpu.memory_space<vmem>>
    %dma_wait3A_650 = arith.constant 0 : i32
    %dma_wait3A_651 = arith.constant 0 : i32
    %dma_wait3A_652 = tpu.memref_slice %arg3[%dma_wait3A_650, %dma_wait3A_651] : memref<1000000x64xf32, #tpu.memory_space<hbm>> -> memref<1000000x64xf32, #tpu.memory_space<hbm>>
    tpu.wait_indirect_dma semaphore(%arg8 : memref<!tpu.dma_semaphore, #tpu.memory_space<semaphore_mem>>) src(%dma_wait3A_652 : memref<1000000x64xf32, #tpu.memory_space<hbm>>) dst(%dma_wait3A_647 : memref<128x64xf32, #tpu.memory_space<vmem>>)
    %dma_wait3A_653 = arith.constant 512 : i32
    %dma_wait3A_654 = arith.constant 0 : i32
    %dma_wait3A_655 = tpu.memref_slice %arg6[%dma_wait3A_653, %dma_wait3A_654] : memref<640x64xf32, #tpu.memory_space<vmem>> -> memref<128x64xf32, #tpu.memory_space<vmem>>
    %dma_wait3A_656 = arith.constant 4352 : i32
    %dma_wait3A_657 = tpu.memref_slice %arg5[%dma_wait3A_656] : memref<6400xi32, #tpu.memory_space<vmem>> -> memref<128xi32, #tpu.memory_space<vmem>>
    %dma_wait3A_658 = arith.constant 0 : i32
    %dma_wait3A_659 = arith.constant 0 : i32
    %dma_wait3A_660 = tpu.memref_slice %arg3[%dma_wait3A_658, %dma_wait3A_659] : memref<1000000x64xf32, #tpu.memory_space<hbm>> -> memref<1000000x64xf32, #tpu.memory_space<hbm>>
    tpu.wait_indirect_dma semaphore(%arg8 : memref<!tpu.dma_semaphore, #tpu.memory_space<semaphore_mem>>) src(%dma_wait3A_660 : memref<1000000x64xf32, #tpu.memory_space<hbm>>) dst(%dma_wait3A_655 : memref<128x64xf32, #tpu.memory_space<vmem>>)
    %add3A_661 = arith.constant 3840 : i32
    %add3A_662 = arith.addi %mul3A_2, %add3A_661 : i32
    %dma_start3A_663 = arith.constant 0 : i32
    %dma_start3A_664 = tpu.memref_slice %arg4[%add3A_662, %dma_start3A_663] : memref<204800x64xf32, #tpu.memory_space<hbm>> -> memref<640x64xf32, #tpu.memory_space<hbm>>
    %dma_start3A_665 = arith.constant 0 : i32
    %dma_start3A_666 = tpu.memref_slice %arg4[%add3A_662, %dma_start3A_665] : memref<204800x64xf32, #tpu.memory_space<hbm>> -> memref<640x64xf32, #tpu.memory_space<hbm>>
    tpu.enqueue_dma source(%arg6 : memref<640x64xf32, #tpu.memory_space<vmem>>) target(%dma_start3A_666 : memref<640x64xf32, #tpu.memory_space<hbm>>) target_semaphore(%arg10 : memref<!tpu.dma_semaphore, #tpu.memory_space<semaphore_mem>>)
    %dma_wait3A_667 = arith.constant 0 : i32
    %dma_wait3A_668 = tpu.memref_slice %arg4[%add3A_662, %dma_wait3A_667] : memref<204800x64xf32, #tpu.memory_space<hbm>> -> memref<640x64xf32, #tpu.memory_space<hbm>>
    %dma_wait3A_669 = arith.constant 0 : i32
    %dma_wait3A_670 = tpu.memref_slice %arg4[%add3A_662, %dma_wait3A_669] : memref<204800x64xf32, #tpu.memory_space<hbm>> -> memref<640x64xf32, #tpu.memory_space<hbm>>
    tpu.wait_dma2 semaphore(%arg10 : memref<!tpu.dma_semaphore, #tpu.memory_space<semaphore_mem>>) src(%arg6 : memref<640x64xf32, #tpu.memory_space<vmem>>) dst(%dma_wait3A_670 : memref<640x64xf32, #tpu.memory_space<hbm>>)
    %dma_start3A_671 = arith.constant 0 : i32
    %dma_start3A_672 = arith.constant 0 : i32
    %dma_start3A_673 = tpu.memref_slice %arg6[%dma_start3A_671, %dma_start3A_672] : memref<640x64xf32, #tpu.memory_space<vmem>> -> memref<128x64xf32, #tpu.memory_space<vmem>>
    %dma_start3A_674 = arith.constant 5120 : i32
    %dma_start3A_675 = tpu.memref_slice %arg5[%dma_start3A_674] : memref<6400xi32, #tpu.memory_space<vmem>> -> memref<128xi32, #tpu.memory_space<vmem>>
    %dma_start3A_676 = arith.constant 0 : i32
    %dma_start3A_677 = arith.constant 0 : i32
    %dma_start3A_678 = tpu.memref_slice %arg3[%dma_start3A_676, %dma_start3A_677] : memref<1000000x64xf32, #tpu.memory_space<hbm>> -> memref<1000000x64xf32, #tpu.memory_space<hbm>>
    tpu.enqueue_indirect_dma source(%dma_start3A_678 : memref<1000000x64xf32, #tpu.memory_space<hbm>>) target(%dma_start3A_673 : memref<128x64xf32, #tpu.memory_space<vmem>>) offsets(%dma_start3A_675 : memref<128xi32, #tpu.memory_space<vmem>>) semaphore(%arg8 : memref<!tpu.dma_semaphore, #tpu.memory_space<semaphore_mem>>)
    %dma_start3A_679 = arith.constant 128 : i32
    %dma_start3A_680 = arith.constant 0 : i32
    %dma_start3A_681 = tpu.memref_slice %arg6[%dma_start3A_679, %dma_start3A_680] : memref<640x64xf32, #tpu.memory_space<vmem>> -> memref<128x64xf32, #tpu.memory_space<vmem>>
    %dma_start3A_682 = arith.constant 5248 : i32
    %dma_start3A_683 = tpu.memref_slice %arg5[%dma_start3A_682] : memref<6400xi32, #tpu.memory_space<vmem>> -> memref<128xi32, #tpu.memory_space<vmem>>
    %dma_start3A_684 = arith.constant 0 : i32
    %dma_start3A_685 = arith.constant 0 : i32
    %dma_start3A_686 = tpu.memref_slice %arg3[%dma_start3A_684, %dma_start3A_685] : memref<1000000x64xf32, #tpu.memory_space<hbm>> -> memref<1000000x64xf32, #tpu.memory_space<hbm>>
    tpu.enqueue_indirect_dma source(%dma_start3A_686 : memref<1000000x64xf32, #tpu.memory_space<hbm>>) target(%dma_start3A_681 : memref<128x64xf32, #tpu.memory_space<vmem>>) offsets(%dma_start3A_683 : memref<128xi32, #tpu.memory_space<vmem>>) semaphore(%arg8 : memref<!tpu.dma_semaphore, #tpu.memory_space<semaphore_mem>>)
    %dma_start3A_687 = arith.constant 256 : i32
    %dma_start3A_688 = arith.constant 0 : i32
    %dma_start3A_689 = tpu.memref_slice %arg6[%dma_start3A_687, %dma_start3A_688] : memref<640x64xf32, #tpu.memory_space<vmem>> -> memref<128x64xf32, #tpu.memory_space<vmem>>
    %dma_start3A_690 = arith.constant 5376 : i32
    %dma_start3A_691 = tpu.memref_slice %arg5[%dma_start3A_690] : memref<6400xi32, #tpu.memory_space<vmem>> -> memref<128xi32, #tpu.memory_space<vmem>>
    %dma_start3A_692 = arith.constant 0 : i32
    %dma_start3A_693 = arith.constant 0 : i32
    %dma_start3A_694 = tpu.memref_slice %arg3[%dma_start3A_692, %dma_start3A_693] : memref<1000000x64xf32, #tpu.memory_space<hbm>> -> memref<1000000x64xf32, #tpu.memory_space<hbm>>
    tpu.enqueue_indirect_dma source(%dma_start3A_694 : memref<1000000x64xf32, #tpu.memory_space<hbm>>) target(%dma_start3A_689 : memref<128x64xf32, #tpu.memory_space<vmem>>) offsets(%dma_start3A_691 : memref<128xi32, #tpu.memory_space<vmem>>) semaphore(%arg8 : memref<!tpu.dma_semaphore, #tpu.memory_space<semaphore_mem>>)
    %dma_start3A_695 = arith.constant 384 : i32
    %dma_start3A_696 = arith.constant 0 : i32
    %dma_start3A_697 = tpu.memref_slice %arg6[%dma_start3A_695, %dma_start3A_696] : memref<640x64xf32, #tpu.memory_space<vmem>> -> memref<128x64xf32, #tpu.memory_space<vmem>>
    %dma_start3A_698 = arith.constant 5504 : i32
    %dma_start3A_699 = tpu.memref_slice %arg5[%dma_start3A_698] : memref<6400xi32, #tpu.memory_space<vmem>> -> memref<128xi32, #tpu.memory_space<vmem>>
    %dma_start3A_700 = arith.constant 0 : i32
    %dma_start3A_701 = arith.constant 0 : i32
    %dma_start3A_702 = tpu.memref_slice %arg3[%dma_start3A_700, %dma_start3A_701] : memref<1000000x64xf32, #tpu.memory_space<hbm>> -> memref<1000000x64xf32, #tpu.memory_space<hbm>>
    tpu.enqueue_indirect_dma source(%dma_start3A_702 : memref<1000000x64xf32, #tpu.memory_space<hbm>>) target(%dma_start3A_697 : memref<128x64xf32, #tpu.memory_space<vmem>>) offsets(%dma_start3A_699 : memref<128xi32, #tpu.memory_space<vmem>>) semaphore(%arg8 : memref<!tpu.dma_semaphore, #tpu.memory_space<semaphore_mem>>)
    %dma_start3A_703 = arith.constant 512 : i32
    %dma_start3A_704 = arith.constant 0 : i32
    %dma_start3A_705 = tpu.memref_slice %arg6[%dma_start3A_703, %dma_start3A_704] : memref<640x64xf32, #tpu.memory_space<vmem>> -> memref<128x64xf32, #tpu.memory_space<vmem>>
    %dma_start3A_706 = arith.constant 5632 : i32
    %dma_start3A_707 = tpu.memref_slice %arg5[%dma_start3A_706] : memref<6400xi32, #tpu.memory_space<vmem>> -> memref<128xi32, #tpu.memory_space<vmem>>
    %dma_start3A_708 = arith.constant 0 : i32
    %dma_start3A_709 = arith.constant 0 : i32
    %dma_start3A_710 = tpu.memref_slice %arg3[%dma_start3A_708, %dma_start3A_709] : memref<1000000x64xf32, #tpu.memory_space<hbm>> -> memref<1000000x64xf32, #tpu.memory_space<hbm>>
    tpu.enqueue_indirect_dma source(%dma_start3A_710 : memref<1000000x64xf32, #tpu.memory_space<hbm>>) target(%dma_start3A_705 : memref<128x64xf32, #tpu.memory_space<vmem>>) offsets(%dma_start3A_707 : memref<128xi32, #tpu.memory_space<vmem>>) semaphore(%arg8 : memref<!tpu.dma_semaphore, #tpu.memory_space<semaphore_mem>>)
    %dma_wait3A_711 = arith.constant 0 : i32
    %dma_wait3A_712 = arith.constant 0 : i32
    %dma_wait3A_713 = tpu.memref_slice %arg7[%dma_wait3A_711, %dma_wait3A_712] : memref<640x64xf32, #tpu.memory_space<vmem>> -> memref<128x64xf32, #tpu.memory_space<vmem>>
    %dma_wait3A_714 = arith.constant 4480 : i32
    %dma_wait3A_715 = tpu.memref_slice %arg5[%dma_wait3A_714] : memref<6400xi32, #tpu.memory_space<vmem>> -> memref<128xi32, #tpu.memory_space<vmem>>
    %dma_wait3A_716 = arith.constant 0 : i32
    %dma_wait3A_717 = arith.constant 0 : i32
    %dma_wait3A_718 = tpu.memref_slice %arg3[%dma_wait3A_716, %dma_wait3A_717] : memref<1000000x64xf32, #tpu.memory_space<hbm>> -> memref<1000000x64xf32, #tpu.memory_space<hbm>>
    tpu.wait_indirect_dma semaphore(%arg9 : memref<!tpu.dma_semaphore, #tpu.memory_space<semaphore_mem>>) src(%dma_wait3A_718 : memref<1000000x64xf32, #tpu.memory_space<hbm>>) dst(%dma_wait3A_713 : memref<128x64xf32, #tpu.memory_space<vmem>>)
    %dma_wait3A_719 = arith.constant 128 : i32
    %dma_wait3A_720 = arith.constant 0 : i32
    %dma_wait3A_721 = tpu.memref_slice %arg7[%dma_wait3A_719, %dma_wait3A_720] : memref<640x64xf32, #tpu.memory_space<vmem>> -> memref<128x64xf32, #tpu.memory_space<vmem>>
    %dma_wait3A_722 = arith.constant 4608 : i32
    %dma_wait3A_723 = tpu.memref_slice %arg5[%dma_wait3A_722] : memref<6400xi32, #tpu.memory_space<vmem>> -> memref<128xi32, #tpu.memory_space<vmem>>
    %dma_wait3A_724 = arith.constant 0 : i32
    %dma_wait3A_725 = arith.constant 0 : i32
    %dma_wait3A_726 = tpu.memref_slice %arg3[%dma_wait3A_724, %dma_wait3A_725] : memref<1000000x64xf32, #tpu.memory_space<hbm>> -> memref<1000000x64xf32, #tpu.memory_space<hbm>>
    tpu.wait_indirect_dma semaphore(%arg9 : memref<!tpu.dma_semaphore, #tpu.memory_space<semaphore_mem>>) src(%dma_wait3A_726 : memref<1000000x64xf32, #tpu.memory_space<hbm>>) dst(%dma_wait3A_721 : memref<128x64xf32, #tpu.memory_space<vmem>>)
    %dma_wait3A_727 = arith.constant 256 : i32
    %dma_wait3A_728 = arith.constant 0 : i32
    %dma_wait3A_729 = tpu.memref_slice %arg7[%dma_wait3A_727, %dma_wait3A_728] : memref<640x64xf32, #tpu.memory_space<vmem>> -> memref<128x64xf32, #tpu.memory_space<vmem>>
    %dma_wait3A_730 = arith.constant 4736 : i32
    %dma_wait3A_731 = tpu.memref_slice %arg5[%dma_wait3A_730] : memref<6400xi32, #tpu.memory_space<vmem>> -> memref<128xi32, #tpu.memory_space<vmem>>
    %dma_wait3A_732 = arith.constant 0 : i32
    %dma_wait3A_733 = arith.constant 0 : i32
    %dma_wait3A_734 = tpu.memref_slice %arg3[%dma_wait3A_732, %dma_wait3A_733] : memref<1000000x64xf32, #tpu.memory_space<hbm>> -> memref<1000000x64xf32, #tpu.memory_space<hbm>>
    tpu.wait_indirect_dma semaphore(%arg9 : memref<!tpu.dma_semaphore, #tpu.memory_space<semaphore_mem>>) src(%dma_wait3A_734 : memref<1000000x64xf32, #tpu.memory_space<hbm>>) dst(%dma_wait3A_729 : memref<128x64xf32, #tpu.memory_space<vmem>>)
    %dma_wait3A_735 = arith.constant 384 : i32
    %dma_wait3A_736 = arith.constant 0 : i32
    %dma_wait3A_737 = tpu.memref_slice %arg7[%dma_wait3A_735, %dma_wait3A_736] : memref<640x64xf32, #tpu.memory_space<vmem>> -> memref<128x64xf32, #tpu.memory_space<vmem>>
    %dma_wait3A_738 = arith.constant 4864 : i32
    %dma_wait3A_739 = tpu.memref_slice %arg5[%dma_wait3A_738] : memref<6400xi32, #tpu.memory_space<vmem>> -> memref<128xi32, #tpu.memory_space<vmem>>
    %dma_wait3A_740 = arith.constant 0 : i32
    %dma_wait3A_741 = arith.constant 0 : i32
    %dma_wait3A_742 = tpu.memref_slice %arg3[%dma_wait3A_740, %dma_wait3A_741] : memref<1000000x64xf32, #tpu.memory_space<hbm>> -> memref<1000000x64xf32, #tpu.memory_space<hbm>>
    tpu.wait_indirect_dma semaphore(%arg9 : memref<!tpu.dma_semaphore, #tpu.memory_space<semaphore_mem>>) src(%dma_wait3A_742 : memref<1000000x64xf32, #tpu.memory_space<hbm>>) dst(%dma_wait3A_737 : memref<128x64xf32, #tpu.memory_space<vmem>>)
    %dma_wait3A_743 = arith.constant 512 : i32
    %dma_wait3A_744 = arith.constant 0 : i32
    %dma_wait3A_745 = tpu.memref_slice %arg7[%dma_wait3A_743, %dma_wait3A_744] : memref<640x64xf32, #tpu.memory_space<vmem>> -> memref<128x64xf32, #tpu.memory_space<vmem>>
    %dma_wait3A_746 = arith.constant 4992 : i32
    %dma_wait3A_747 = tpu.memref_slice %arg5[%dma_wait3A_746] : memref<6400xi32, #tpu.memory_space<vmem>> -> memref<128xi32, #tpu.memory_space<vmem>>
    %dma_wait3A_748 = arith.constant 0 : i32
    %dma_wait3A_749 = arith.constant 0 : i32
    %dma_wait3A_750 = tpu.memref_slice %arg3[%dma_wait3A_748, %dma_wait3A_749] : memref<1000000x64xf32, #tpu.memory_space<hbm>> -> memref<1000000x64xf32, #tpu.memory_space<hbm>>
    tpu.wait_indirect_dma semaphore(%arg9 : memref<!tpu.dma_semaphore, #tpu.memory_space<semaphore_mem>>) src(%dma_wait3A_750 : memref<1000000x64xf32, #tpu.memory_space<hbm>>) dst(%dma_wait3A_745 : memref<128x64xf32, #tpu.memory_space<vmem>>)
    %add3A_751 = arith.constant 4480 : i32
    %add3A_752 = arith.addi %mul3A_2, %add3A_751 : i32
    %dma_start3A_753 = arith.constant 0 : i32
    %dma_start3A_754 = tpu.memref_slice %arg4[%add3A_752, %dma_start3A_753] : memref<204800x64xf32, #tpu.memory_space<hbm>> -> memref<640x64xf32, #tpu.memory_space<hbm>>
    %dma_start3A_755 = arith.constant 0 : i32
    %dma_start3A_756 = tpu.memref_slice %arg4[%add3A_752, %dma_start3A_755] : memref<204800x64xf32, #tpu.memory_space<hbm>> -> memref<640x64xf32, #tpu.memory_space<hbm>>
    tpu.enqueue_dma source(%arg7 : memref<640x64xf32, #tpu.memory_space<vmem>>) target(%dma_start3A_756 : memref<640x64xf32, #tpu.memory_space<hbm>>) target_semaphore(%arg11 : memref<!tpu.dma_semaphore, #tpu.memory_space<semaphore_mem>>)
    %dma_wait3A_757 = arith.constant 0 : i32
    %dma_wait3A_758 = tpu.memref_slice %arg4[%add3A_752, %dma_wait3A_757] : memref<204800x64xf32, #tpu.memory_space<hbm>> -> memref<640x64xf32, #tpu.memory_space<hbm>>
    %dma_wait3A_759 = arith.constant 0 : i32
    %dma_wait3A_760 = tpu.memref_slice %arg4[%add3A_752, %dma_wait3A_759] : memref<204800x64xf32, #tpu.memory_space<hbm>> -> memref<640x64xf32, #tpu.memory_space<hbm>>
    tpu.wait_dma2 semaphore(%arg11 : memref<!tpu.dma_semaphore, #tpu.memory_space<semaphore_mem>>) src(%arg7 : memref<640x64xf32, #tpu.memory_space<vmem>>) dst(%dma_wait3A_760 : memref<640x64xf32, #tpu.memory_space<hbm>>)
    %dma_start3A_761 = arith.constant 0 : i32
    %dma_start3A_762 = arith.constant 0 : i32
    %dma_start3A_763 = tpu.memref_slice %arg7[%dma_start3A_761, %dma_start3A_762] : memref<640x64xf32, #tpu.memory_space<vmem>> -> memref<128x64xf32, #tpu.memory_space<vmem>>
    %dma_start3A_764 = arith.constant 5760 : i32
    %dma_start3A_765 = tpu.memref_slice %arg5[%dma_start3A_764] : memref<6400xi32, #tpu.memory_space<vmem>> -> memref<128xi32, #tpu.memory_space<vmem>>
    %dma_start3A_766 = arith.constant 0 : i32
    %dma_start3A_767 = arith.constant 0 : i32
    %dma_start3A_768 = tpu.memref_slice %arg3[%dma_start3A_766, %dma_start3A_767] : memref<1000000x64xf32, #tpu.memory_space<hbm>> -> memref<1000000x64xf32, #tpu.memory_space<hbm>>
    tpu.enqueue_indirect_dma source(%dma_start3A_768 : memref<1000000x64xf32, #tpu.memory_space<hbm>>) target(%dma_start3A_763 : memref<128x64xf32, #tpu.memory_space<vmem>>) offsets(%dma_start3A_765 : memref<128xi32, #tpu.memory_space<vmem>>) semaphore(%arg9 : memref<!tpu.dma_semaphore, #tpu.memory_space<semaphore_mem>>)
    %dma_start3A_769 = arith.constant 128 : i32
    %dma_start3A_770 = arith.constant 0 : i32
    %dma_start3A_771 = tpu.memref_slice %arg7[%dma_start3A_769, %dma_start3A_770] : memref<640x64xf32, #tpu.memory_space<vmem>> -> memref<128x64xf32, #tpu.memory_space<vmem>>
    %dma_start3A_772 = arith.constant 5888 : i32
    %dma_start3A_773 = tpu.memref_slice %arg5[%dma_start3A_772] : memref<6400xi32, #tpu.memory_space<vmem>> -> memref<128xi32, #tpu.memory_space<vmem>>
    %dma_start3A_774 = arith.constant 0 : i32
    %dma_start3A_775 = arith.constant 0 : i32
    %dma_start3A_776 = tpu.memref_slice %arg3[%dma_start3A_774, %dma_start3A_775] : memref<1000000x64xf32, #tpu.memory_space<hbm>> -> memref<1000000x64xf32, #tpu.memory_space<hbm>>
    tpu.enqueue_indirect_dma source(%dma_start3A_776 : memref<1000000x64xf32, #tpu.memory_space<hbm>>) target(%dma_start3A_771 : memref<128x64xf32, #tpu.memory_space<vmem>>) offsets(%dma_start3A_773 : memref<128xi32, #tpu.memory_space<vmem>>) semaphore(%arg9 : memref<!tpu.dma_semaphore, #tpu.memory_space<semaphore_mem>>)
    %dma_start3A_777 = arith.constant 256 : i32
    %dma_start3A_778 = arith.constant 0 : i32
    %dma_start3A_779 = tpu.memref_slice %arg7[%dma_start3A_777, %dma_start3A_778] : memref<640x64xf32, #tpu.memory_space<vmem>> -> memref<128x64xf32, #tpu.memory_space<vmem>>
    %dma_start3A_780 = arith.constant 6016 : i32
    %dma_start3A_781 = tpu.memref_slice %arg5[%dma_start3A_780] : memref<6400xi32, #tpu.memory_space<vmem>> -> memref<128xi32, #tpu.memory_space<vmem>>
    %dma_start3A_782 = arith.constant 0 : i32
    %dma_start3A_783 = arith.constant 0 : i32
    %dma_start3A_784 = tpu.memref_slice %arg3[%dma_start3A_782, %dma_start3A_783] : memref<1000000x64xf32, #tpu.memory_space<hbm>> -> memref<1000000x64xf32, #tpu.memory_space<hbm>>
    tpu.enqueue_indirect_dma source(%dma_start3A_784 : memref<1000000x64xf32, #tpu.memory_space<hbm>>) target(%dma_start3A_779 : memref<128x64xf32, #tpu.memory_space<vmem>>) offsets(%dma_start3A_781 : memref<128xi32, #tpu.memory_space<vmem>>) semaphore(%arg9 : memref<!tpu.dma_semaphore, #tpu.memory_space<semaphore_mem>>)
    %dma_start3A_785 = arith.constant 384 : i32
    %dma_start3A_786 = arith.constant 0 : i32
    %dma_start3A_787 = tpu.memref_slice %arg7[%dma_start3A_785, %dma_start3A_786] : memref<640x64xf32, #tpu.memory_space<vmem>> -> memref<128x64xf32, #tpu.memory_space<vmem>>
    %dma_start3A_788 = arith.constant 6144 : i32
    %dma_start3A_789 = tpu.memref_slice %arg5[%dma_start3A_788] : memref<6400xi32, #tpu.memory_space<vmem>> -> memref<128xi32, #tpu.memory_space<vmem>>
    %dma_start3A_790 = arith.constant 0 : i32
    %dma_start3A_791 = arith.constant 0 : i32
    %dma_start3A_792 = tpu.memref_slice %arg3[%dma_start3A_790, %dma_start3A_791] : memref<1000000x64xf32, #tpu.memory_space<hbm>> -> memref<1000000x64xf32, #tpu.memory_space<hbm>>
    tpu.enqueue_indirect_dma source(%dma_start3A_792 : memref<1000000x64xf32, #tpu.memory_space<hbm>>) target(%dma_start3A_787 : memref<128x64xf32, #tpu.memory_space<vmem>>) offsets(%dma_start3A_789 : memref<128xi32, #tpu.memory_space<vmem>>) semaphore(%arg9 : memref<!tpu.dma_semaphore, #tpu.memory_space<semaphore_mem>>)
    %dma_start3A_793 = arith.constant 512 : i32
    %dma_start3A_794 = arith.constant 0 : i32
    %dma_start3A_795 = tpu.memref_slice %arg7[%dma_start3A_793, %dma_start3A_794] : memref<640x64xf32, #tpu.memory_space<vmem>> -> memref<128x64xf32, #tpu.memory_space<vmem>>
    %dma_start3A_796 = arith.constant 6272 : i32
    %dma_start3A_797 = tpu.memref_slice %arg5[%dma_start3A_796] : memref<6400xi32, #tpu.memory_space<vmem>> -> memref<128xi32, #tpu.memory_space<vmem>>
    %dma_start3A_798 = arith.constant 0 : i32
    %dma_start3A_799 = arith.constant 0 : i32
    %dma_start3A_800 = tpu.memref_slice %arg3[%dma_start3A_798, %dma_start3A_799] : memref<1000000x64xf32, #tpu.memory_space<hbm>> -> memref<1000000x64xf32, #tpu.memory_space<hbm>>
    tpu.enqueue_indirect_dma source(%dma_start3A_800 : memref<1000000x64xf32, #tpu.memory_space<hbm>>) target(%dma_start3A_795 : memref<128x64xf32, #tpu.memory_space<vmem>>) offsets(%dma_start3A_797 : memref<128xi32, #tpu.memory_space<vmem>>) semaphore(%arg9 : memref<!tpu.dma_semaphore, #tpu.memory_space<semaphore_mem>>)
    %dma_wait3A_801 = arith.constant 0 : i32
    %dma_wait3A_802 = arith.constant 0 : i32
    %dma_wait3A_803 = tpu.memref_slice %arg6[%dma_wait3A_801, %dma_wait3A_802] : memref<640x64xf32, #tpu.memory_space<vmem>> -> memref<128x64xf32, #tpu.memory_space<vmem>>
    %dma_wait3A_804 = arith.constant 5120 : i32
    %dma_wait3A_805 = tpu.memref_slice %arg5[%dma_wait3A_804] : memref<6400xi32, #tpu.memory_space<vmem>> -> memref<128xi32, #tpu.memory_space<vmem>>
    %dma_wait3A_806 = arith.constant 0 : i32
    %dma_wait3A_807 = arith.constant 0 : i32
    %dma_wait3A_808 = tpu.memref_slice %arg3[%dma_wait3A_806, %dma_wait3A_807] : memref<1000000x64xf32, #tpu.memory_space<hbm>> -> memref<1000000x64xf32, #tpu.memory_space<hbm>>
    tpu.wait_indirect_dma semaphore(%arg8 : memref<!tpu.dma_semaphore, #tpu.memory_space<semaphore_mem>>) src(%dma_wait3A_808 : memref<1000000x64xf32, #tpu.memory_space<hbm>>) dst(%dma_wait3A_803 : memref<128x64xf32, #tpu.memory_space<vmem>>)
    %dma_wait3A_809 = arith.constant 128 : i32
    %dma_wait3A_810 = arith.constant 0 : i32
    %dma_wait3A_811 = tpu.memref_slice %arg6[%dma_wait3A_809, %dma_wait3A_810] : memref<640x64xf32, #tpu.memory_space<vmem>> -> memref<128x64xf32, #tpu.memory_space<vmem>>
    %dma_wait3A_812 = arith.constant 5248 : i32
    %dma_wait3A_813 = tpu.memref_slice %arg5[%dma_wait3A_812] : memref<6400xi32, #tpu.memory_space<vmem>> -> memref<128xi32, #tpu.memory_space<vmem>>
    %dma_wait3A_814 = arith.constant 0 : i32
    %dma_wait3A_815 = arith.constant 0 : i32
    %dma_wait3A_816 = tpu.memref_slice %arg3[%dma_wait3A_814, %dma_wait3A_815] : memref<1000000x64xf32, #tpu.memory_space<hbm>> -> memref<1000000x64xf32, #tpu.memory_space<hbm>>
    tpu.wait_indirect_dma semaphore(%arg8 : memref<!tpu.dma_semaphore, #tpu.memory_space<semaphore_mem>>) src(%dma_wait3A_816 : memref<1000000x64xf32, #tpu.memory_space<hbm>>) dst(%dma_wait3A_811 : memref<128x64xf32, #tpu.memory_space<vmem>>)
    %dma_wait3A_817 = arith.constant 256 : i32
    %dma_wait3A_818 = arith.constant 0 : i32
    %dma_wait3A_819 = tpu.memref_slice %arg6[%dma_wait3A_817, %dma_wait3A_818] : memref<640x64xf32, #tpu.memory_space<vmem>> -> memref<128x64xf32, #tpu.memory_space<vmem>>
    %dma_wait3A_820 = arith.constant 5376 : i32
    %dma_wait3A_821 = tpu.memref_slice %arg5[%dma_wait3A_820] : memref<6400xi32, #tpu.memory_space<vmem>> -> memref<128xi32, #tpu.memory_space<vmem>>
    %dma_wait3A_822 = arith.constant 0 : i32
    %dma_wait3A_823 = arith.constant 0 : i32
    %dma_wait3A_824 = tpu.memref_slice %arg3[%dma_wait3A_822, %dma_wait3A_823] : memref<1000000x64xf32, #tpu.memory_space<hbm>> -> memref<1000000x64xf32, #tpu.memory_space<hbm>>
    tpu.wait_indirect_dma semaphore(%arg8 : memref<!tpu.dma_semaphore, #tpu.memory_space<semaphore_mem>>) src(%dma_wait3A_824 : memref<1000000x64xf32, #tpu.memory_space<hbm>>) dst(%dma_wait3A_819 : memref<128x64xf32, #tpu.memory_space<vmem>>)
    %dma_wait3A_825 = arith.constant 384 : i32
    %dma_wait3A_826 = arith.constant 0 : i32
    %dma_wait3A_827 = tpu.memref_slice %arg6[%dma_wait3A_825, %dma_wait3A_826] : memref<640x64xf32, #tpu.memory_space<vmem>> -> memref<128x64xf32, #tpu.memory_space<vmem>>
    %dma_wait3A_828 = arith.constant 5504 : i32
    %dma_wait3A_829 = tpu.memref_slice %arg5[%dma_wait3A_828] : memref<6400xi32, #tpu.memory_space<vmem>> -> memref<128xi32, #tpu.memory_space<vmem>>
    %dma_wait3A_830 = arith.constant 0 : i32
    %dma_wait3A_831 = arith.constant 0 : i32
    %dma_wait3A_832 = tpu.memref_slice %arg3[%dma_wait3A_830, %dma_wait3A_831] : memref<1000000x64xf32, #tpu.memory_space<hbm>> -> memref<1000000x64xf32, #tpu.memory_space<hbm>>
    tpu.wait_indirect_dma semaphore(%arg8 : memref<!tpu.dma_semaphore, #tpu.memory_space<semaphore_mem>>) src(%dma_wait3A_832 : memref<1000000x64xf32, #tpu.memory_space<hbm>>) dst(%dma_wait3A_827 : memref<128x64xf32, #tpu.memory_space<vmem>>)
    %dma_wait3A_833 = arith.constant 512 : i32
    %dma_wait3A_834 = arith.constant 0 : i32
    %dma_wait3A_835 = tpu.memref_slice %arg6[%dma_wait3A_833, %dma_wait3A_834] : memref<640x64xf32, #tpu.memory_space<vmem>> -> memref<128x64xf32, #tpu.memory_space<vmem>>
    %dma_wait3A_836 = arith.constant 5632 : i32
    %dma_wait3A_837 = tpu.memref_slice %arg5[%dma_wait3A_836] : memref<6400xi32, #tpu.memory_space<vmem>> -> memref<128xi32, #tpu.memory_space<vmem>>
    %dma_wait3A_838 = arith.constant 0 : i32
    %dma_wait3A_839 = arith.constant 0 : i32
    %dma_wait3A_840 = tpu.memref_slice %arg3[%dma_wait3A_838, %dma_wait3A_839] : memref<1000000x64xf32, #tpu.memory_space<hbm>> -> memref<1000000x64xf32, #tpu.memory_space<hbm>>
    tpu.wait_indirect_dma semaphore(%arg8 : memref<!tpu.dma_semaphore, #tpu.memory_space<semaphore_mem>>) src(%dma_wait3A_840 : memref<1000000x64xf32, #tpu.memory_space<hbm>>) dst(%dma_wait3A_835 : memref<128x64xf32, #tpu.memory_space<vmem>>)
    %add3A_841 = arith.constant 5120 : i32
    %add3A_842 = arith.addi %mul3A_2, %add3A_841 : i32
    %dma_start3A_843 = arith.constant 0 : i32
    %dma_start3A_844 = tpu.memref_slice %arg4[%add3A_842, %dma_start3A_843] : memref<204800x64xf32, #tpu.memory_space<hbm>> -> memref<640x64xf32, #tpu.memory_space<hbm>>
    %dma_start3A_845 = arith.constant 0 : i32
    %dma_start3A_846 = tpu.memref_slice %arg4[%add3A_842, %dma_start3A_845] : memref<204800x64xf32, #tpu.memory_space<hbm>> -> memref<640x64xf32, #tpu.memory_space<hbm>>
    tpu.enqueue_dma source(%arg6 : memref<640x64xf32, #tpu.memory_space<vmem>>) target(%dma_start3A_846 : memref<640x64xf32, #tpu.memory_space<hbm>>) target_semaphore(%arg10 : memref<!tpu.dma_semaphore, #tpu.memory_space<semaphore_mem>>)
    %dma_wait3A_847 = arith.constant 0 : i32
    %dma_wait3A_848 = arith.constant 0 : i32
    %dma_wait3A_849 = tpu.memref_slice %arg7[%dma_wait3A_847, %dma_wait3A_848] : memref<640x64xf32, #tpu.memory_space<vmem>> -> memref<128x64xf32, #tpu.memory_space<vmem>>
    %dma_wait3A_850 = arith.constant 5760 : i32
    %dma_wait3A_851 = tpu.memref_slice %arg5[%dma_wait3A_850] : memref<6400xi32, #tpu.memory_space<vmem>> -> memref<128xi32, #tpu.memory_space<vmem>>
    %dma_wait3A_852 = arith.constant 0 : i32
    %dma_wait3A_853 = arith.constant 0 : i32
    %dma_wait3A_854 = tpu.memref_slice %arg3[%dma_wait3A_852, %dma_wait3A_853] : memref<1000000x64xf32, #tpu.memory_space<hbm>> -> memref<1000000x64xf32, #tpu.memory_space<hbm>>
    tpu.wait_indirect_dma semaphore(%arg9 : memref<!tpu.dma_semaphore, #tpu.memory_space<semaphore_mem>>) src(%dma_wait3A_854 : memref<1000000x64xf32, #tpu.memory_space<hbm>>) dst(%dma_wait3A_849 : memref<128x64xf32, #tpu.memory_space<vmem>>)
    %dma_wait3A_855 = arith.constant 128 : i32
    %dma_wait3A_856 = arith.constant 0 : i32
    %dma_wait3A_857 = tpu.memref_slice %arg7[%dma_wait3A_855, %dma_wait3A_856] : memref<640x64xf32, #tpu.memory_space<vmem>> -> memref<128x64xf32, #tpu.memory_space<vmem>>
    %dma_wait3A_858 = arith.constant 5888 : i32
    %dma_wait3A_859 = tpu.memref_slice %arg5[%dma_wait3A_858] : memref<6400xi32, #tpu.memory_space<vmem>> -> memref<128xi32, #tpu.memory_space<vmem>>
    %dma_wait3A_860 = arith.constant 0 : i32
    %dma_wait3A_861 = arith.constant 0 : i32
    %dma_wait3A_862 = tpu.memref_slice %arg3[%dma_wait3A_860, %dma_wait3A_861] : memref<1000000x64xf32, #tpu.memory_space<hbm>> -> memref<1000000x64xf32, #tpu.memory_space<hbm>>
    tpu.wait_indirect_dma semaphore(%arg9 : memref<!tpu.dma_semaphore, #tpu.memory_space<semaphore_mem>>) src(%dma_wait3A_862 : memref<1000000x64xf32, #tpu.memory_space<hbm>>) dst(%dma_wait3A_857 : memref<128x64xf32, #tpu.memory_space<vmem>>)
    %dma_wait3A_863 = arith.constant 256 : i32
    %dma_wait3A_864 = arith.constant 0 : i32
    %dma_wait3A_865 = tpu.memref_slice %arg7[%dma_wait3A_863, %dma_wait3A_864] : memref<640x64xf32, #tpu.memory_space<vmem>> -> memref<128x64xf32, #tpu.memory_space<vmem>>
    %dma_wait3A_866 = arith.constant 6016 : i32
    %dma_wait3A_867 = tpu.memref_slice %arg5[%dma_wait3A_866] : memref<6400xi32, #tpu.memory_space<vmem>> -> memref<128xi32, #tpu.memory_space<vmem>>
    %dma_wait3A_868 = arith.constant 0 : i32
    %dma_wait3A_869 = arith.constant 0 : i32
    %dma_wait3A_870 = tpu.memref_slice %arg3[%dma_wait3A_868, %dma_wait3A_869] : memref<1000000x64xf32, #tpu.memory_space<hbm>> -> memref<1000000x64xf32, #tpu.memory_space<hbm>>
    tpu.wait_indirect_dma semaphore(%arg9 : memref<!tpu.dma_semaphore, #tpu.memory_space<semaphore_mem>>) src(%dma_wait3A_870 : memref<1000000x64xf32, #tpu.memory_space<hbm>>) dst(%dma_wait3A_865 : memref<128x64xf32, #tpu.memory_space<vmem>>)
    %dma_wait3A_871 = arith.constant 384 : i32
    %dma_wait3A_872 = arith.constant 0 : i32
    %dma_wait3A_873 = tpu.memref_slice %arg7[%dma_wait3A_871, %dma_wait3A_872] : memref<640x64xf32, #tpu.memory_space<vmem>> -> memref<128x64xf32, #tpu.memory_space<vmem>>
    %dma_wait3A_874 = arith.constant 6144 : i32
    %dma_wait3A_875 = tpu.memref_slice %arg5[%dma_wait3A_874] : memref<6400xi32, #tpu.memory_space<vmem>> -> memref<128xi32, #tpu.memory_space<vmem>>
    %dma_wait3A_876 = arith.constant 0 : i32
    %dma_wait3A_877 = arith.constant 0 : i32
    %dma_wait3A_878 = tpu.memref_slice %arg3[%dma_wait3A_876, %dma_wait3A_877] : memref<1000000x64xf32, #tpu.memory_space<hbm>> -> memref<1000000x64xf32, #tpu.memory_space<hbm>>
    tpu.wait_indirect_dma semaphore(%arg9 : memref<!tpu.dma_semaphore, #tpu.memory_space<semaphore_mem>>) src(%dma_wait3A_878 : memref<1000000x64xf32, #tpu.memory_space<hbm>>) dst(%dma_wait3A_873 : memref<128x64xf32, #tpu.memory_space<vmem>>)
    %dma_wait3A_879 = arith.constant 512 : i32
    %dma_wait3A_880 = arith.constant 0 : i32
    %dma_wait3A_881 = tpu.memref_slice %arg7[%dma_wait3A_879, %dma_wait3A_880] : memref<640x64xf32, #tpu.memory_space<vmem>> -> memref<128x64xf32, #tpu.memory_space<vmem>>
    %dma_wait3A_882 = arith.constant 6272 : i32
    %dma_wait3A_883 = tpu.memref_slice %arg5[%dma_wait3A_882] : memref<6400xi32, #tpu.memory_space<vmem>> -> memref<128xi32, #tpu.memory_space<vmem>>
    %dma_wait3A_884 = arith.constant 0 : i32
    %dma_wait3A_885 = arith.constant 0 : i32
    %dma_wait3A_886 = tpu.memref_slice %arg3[%dma_wait3A_884, %dma_wait3A_885] : memref<1000000x64xf32, #tpu.memory_space<hbm>> -> memref<1000000x64xf32, #tpu.memory_space<hbm>>
    tpu.wait_indirect_dma semaphore(%arg9 : memref<!tpu.dma_semaphore, #tpu.memory_space<semaphore_mem>>) src(%dma_wait3A_886 : memref<1000000x64xf32, #tpu.memory_space<hbm>>) dst(%dma_wait3A_881 : memref<128x64xf32, #tpu.memory_space<vmem>>)
    %add3A_887 = arith.constant 5760 : i32
    %add3A_888 = arith.addi %mul3A_2, %add3A_887 : i32
    %dma_start3A_889 = arith.constant 0 : i32
    %dma_start3A_890 = tpu.memref_slice %arg4[%add3A_888, %dma_start3A_889] : memref<204800x64xf32, #tpu.memory_space<hbm>> -> memref<640x64xf32, #tpu.memory_space<hbm>>
    %dma_start3A_891 = arith.constant 0 : i32
    %dma_start3A_892 = tpu.memref_slice %arg4[%add3A_888, %dma_start3A_891] : memref<204800x64xf32, #tpu.memory_space<hbm>> -> memref<640x64xf32, #tpu.memory_space<hbm>>
    tpu.enqueue_dma source(%arg7 : memref<640x64xf32, #tpu.memory_space<vmem>>) target(%dma_start3A_892 : memref<640x64xf32, #tpu.memory_space<hbm>>) target_semaphore(%arg11 : memref<!tpu.dma_semaphore, #tpu.memory_space<semaphore_mem>>)
    %dma_wait3A_893 = arith.constant 0 : i32
    %dma_wait3A_894 = tpu.memref_slice %arg4[%add3A_842, %dma_wait3A_893] : memref<204800x64xf32, #tpu.memory_space<hbm>> -> memref<640x64xf32, #tpu.memory_space<hbm>>
    %dma_wait3A_895 = arith.constant 0 : i32
    %dma_wait3A_896 = tpu.memref_slice %arg4[%add3A_842, %dma_wait3A_895] : memref<204800x64xf32, #tpu.memory_space<hbm>> -> memref<640x64xf32, #tpu.memory_space<hbm>>
    tpu.wait_dma2 semaphore(%arg10 : memref<!tpu.dma_semaphore, #tpu.memory_space<semaphore_mem>>) src(%arg6 : memref<640x64xf32, #tpu.memory_space<vmem>>) dst(%dma_wait3A_896 : memref<640x64xf32, #tpu.memory_space<hbm>>)
    %dma_wait3A_897 = arith.constant 0 : i32
    %dma_wait3A_898 = tpu.memref_slice %arg4[%add3A_888, %dma_wait3A_897] : memref<204800x64xf32, #tpu.memory_space<hbm>> -> memref<640x64xf32, #tpu.memory_space<hbm>>
    %dma_wait3A_899 = arith.constant 0 : i32
    %dma_wait3A_900 = tpu.memref_slice %arg4[%add3A_888, %dma_wait3A_899] : memref<204800x64xf32, #tpu.memory_space<hbm>> -> memref<640x64xf32, #tpu.memory_space<hbm>>
    tpu.wait_dma2 semaphore(%arg11 : memref<!tpu.dma_semaphore, #tpu.memory_space<semaphore_mem>>) src(%arg7 : memref<640x64xf32, #tpu.memory_space<vmem>>) dst(%dma_wait3A_900 : memref<640x64xf32, #tpu.memory_space<hbm>>)
    return
  }
}

</mosaic_0001>

<sc_bundles>
// kernel: _gather.3.cloned.1.call-start
scs
__scs_entry_jumppad:
0x0: {  	(pc) =	sbr.rel $0x88, $3  }
0x1: {  	(tag) =	ssettag $0x0;
	lr =	simm.s32 $0x1  }
0x2: {  	[smem:$0x3F9F] =	sst lr;
	_ =	strace $0xD0000000  }
0x3: {  	_ = 	snop  }
0x4: {  	_ = 	snop  }
0x5: {  	_ = 	snop  }
0x6: {  	_ = 	snop  }
0x7: {  	_ = 	snop  }
__scs_overlays_trampoline_lowered:
0x8: {  	[smem:$0x3FAE] =	sst s0  }
0x9: {  	[smem:$0x3FAF] =	sst s1  }
0xa: {  	[smem:$0x3FB0] =	sst s2  }
0xb: {  	[smem:$0x3FB1] =	sst s3  }
0xc: {  	[smem:$0x3FB2] =	sst s4  }
0xd: {  	[smem:$0x3FB3] =	sst s5  }
0xe: {  	[smem:$0x3FB4] =	sst s6  }
0xf: {  	[smem:$0x3FB5] =	sst s7  }
0x10: {  	[smem:$0x3FB6] =	sst s8  }
0x11: {  	[smem:$0x3FB7] =	sst s9;
	s0 =	simm.s32 @!p0 $0x0  }
0x12: {  	s1 =	sld [smem:$0x3F9D];
	s0 =	simm.s32 @p0 $0x1  }
0x13: {  	[smem:$0x3FB8] =	sst s0;
	s0 =	simm.s32 @!p1 $0x0  }
0x14: {  	s2 =	sld [smem:$0x3F9C];
	s0 =	simm.s32 @p1 $0x1  }
0x15: {  	[smem:$0x3FB9] =	sst s0;
	s0 =	simm.s32 @!p2 $0x0  }
0x16: {  	s3 =	sld [smem:$0x3FDB];
	s0 =	simm.s32 @p2 $0x1  }
0x17: {  	s4 =	simm.s32 $0x1BF5;
	[smem:$0x3FBB] =	sst s0  }
0x18: {  	s0 =	sld [smem:$0x3F9E];
	_ =	swait.ge [sflag:s4], $0x0  }
0x19: {  	s7 =	sld [smem:$0x3F9F]  }
0x1a: {  	s8 =	sadd.s32 $0xFFFFE003, lr  }
0x1b: {  	s9 =	sadd.s32 $0xFFFFFEF7, lr;
	s5 =	simm.s32 $0xFFFFFFFF;
	p2 =	slt.u32 s8, $0xFFFFF086  }
0x1c: {  	p1 =	slt.u32 s9, $0xF7A;
	s5 =	simm.s32 @!p2 $0x0  }
0x1d: {  	s5 =	simm.s32 @p1 $0x1;
	p0 =	seq.s32 s7, s2  }
0x1e: {  	s7 =	smul.u32 @!p0 $0xF7A, s2;
	p2 =	seq.s32 @!p0 s5, $0x0  }
0x1f: {  	s9 =	smul.u32 $0xF7A, s1;
	s8 =	simm.s32 @!p0 $0x1BF5;
	p2 =	por !p2, p0  }
0x20: {  	[sflag:s8] =	ssyncset.s32 @!p0 $0xFFFFF086;
	s6 =	sadd.s32 @!p0 s3, s7;
	s7 =	simm.s32 @!p0 $0x108  }
0x21: {  	s3 =	sadd.s32 s3, s9;
	s6 =	sadd.s32 @!p0 $0x88, s6;
	s7 =	simm.s32 @p2 $0x1082  }
0x22: {  	[simem:s7], [sflag:s8] =	dma.local @!p0 [hbm:s6], $0xF7A  }
0x23: {  	s9 =	sor.u32 $0xD0000000, s2;
	s6 =	simm.s32 $0x108;
	_ =	swait.ge @!p0 [sflag:s8], $0x0  }
0x24: {  	s3 =	sadd.s32 $0x88, s3;
	s6 =	simm.s32 @!p1 $0x1082;
	[sflag:s4] =	ssyncset.s32 $0xFFFFF086  }
0x25: {  	[simem:s6], [sflag:s4] =	dma.local [hbm:s3], $0xF7A  }
0x26: {  	[smem:$0x3F9F] =	sst s1;
	(tag) =	ssettag s2;
	_ =	strace s9  }
0x27: {  	s1 =	sld [smem:$0x3FAF]  }
0x28: {  	s2 =	sld [smem:$0x3FB0]  }
0x29: {  	s4 =	sld [smem:$0x3FB2]  }
0x2a: {  	p0 =	seq.s32 s5, $0x0;
	s5 =	sld [smem:$0x3FB3]  }
0x2b: {  	s6 =	sld [smem:$0x3FB4]  }
0x2c: {  	s7 =	sld [smem:$0x3FB5]  }
0x2d: {  	s3 =	simm.s32 $0x108;
	s8 =	sld [smem:$0x3FB6]  }
0x2e: {  	s3 =	simm.s32 @!p0 $0x1082;
	s9 =	sld [smem:$0x3FB7]  }
0x2f: {  	lr =	sadd.s32 s0, s3;
	s0 =	sld [smem:$0x3FAE]  }
0x30: {  	s3 =	sld [smem:$0x3FB1]  }
0x31: {  	[smem:$0x3FBA] =	sst s10  }
0x32: {  	s10 =	sld [smem:$0x3FB8];
	_ =	sdelay $0x3  }
0x33: {  	p0 =	seq.s32 s10, $0x1;
	s10 =	sld [smem:$0x3FBA];
	_ =	sdelay $0x3  }
0x34: {  	[smem:$0x3FBA] =	sst s10  }
0x35: {  	s10 =	sld [smem:$0x3FB9];
	_ =	sdelay $0x3  }
0x36: {  	p1 =	seq.s32 s10, $0x1;
	s10 =	sld [smem:$0x3FBA];
	_ =	sdelay $0x3  }
0x37: {  	[smem:$0x3FBA] =	sst s10  }
0x38: {  	s10 =	sld [smem:$0x3FBB]  }
0x39: {  	_ = 	snop;
	(pc) =	sbr.ind lr, $3  }
0x3a: {  	_ = 	snop  }
0x3b: {  	_ = 	snop  }
0x3c: {  	p2 =	seq.s32 s10, $0x1;
	s10 =	sld [smem:$0x3FBA]  }
0x3d: {  	_ =	shalt  }
0x3e: {  	_ =	shalt  }
0x3f: {  	_ =	shalt  }
0x40: {  	_ =	shalt  }
0x41: {  	_ =	shalt  }
0x42: {  	_ =	shalt  }
0x43: {  	_ =	shalt  }
0x44: {  	_ =	shalt  }
0x45: {  	_ =	shalt  }
0x46: {  	_ =	shalt  }
0x47: {  	_ =	shalt  }
0x48: {  	_ =	shalt  }
0x49: {  	_ =	shalt  }
0x4a: {  	_ =	shalt  }
0x4b: {  	_ =	shalt  }
0x4c: {  	_ =	shalt  }
0x4d: {  	_ =	shalt  }
0x4e: {  	_ =	shalt  }
0x4f: {  	_ =	shalt  }
0x50: {  	_ =	shalt  }
0x51: {  	_ =	shalt  }
0x52: {  	_ =	shalt  }
0x53: {  	_ =	shalt  }
0x54: {  	_ =	shalt  }
0x55: {  	_ =	shalt  }
0x56: {  	_ =	shalt  }
0x57: {  	_ =	shalt  }
0x58: {  	_ =	shalt  }
0x59: {  	_ =	shalt  }
0x5a: {  	_ =	shalt  }
0x5b: {  	_ =	shalt  }
0x5c: {  	_ =	shalt  }
0x5d: {  	_ =	shalt  }
0x5e: {  	_ =	shalt  }
0x5f: {  	_ =	shalt  }
0x60: {  	_ =	shalt  }
0x61: {  	_ =	shalt  }
0x62: {  	_ =	shalt  }
0x63: {  	_ =	shalt  }
0x64: {  	_ =	shalt  }
0x65: {  	_ =	shalt  }
0x66: {  	_ =	shalt  }
0x67: {  	_ =	shalt  }
0x68: {  	_ =	shalt  }
0x69: {  	_ =	shalt  }
0x6a: {  	_ =	shalt  }
0x6b: {  	_ =	shalt  }
0x6c: {  	_ =	shalt  }
0x6d: {  	_ =	shalt  }
0x6e: {  	_ =	shalt  }
0x6f: {  	_ =	shalt  }
0x70: {  	_ =	shalt  }
0x71: {  	_ =	shalt  }
0x72: {  	_ =	shalt  }
0x73: {  	_ =	shalt  }
0x74: {  	_ =	shalt  }
0x75: {  	_ =	shalt  }
0x76: {  	_ =	shalt  }
0x77: {  	_ =	shalt  }
0x78: {  	_ =	shalt  }
0x79: {  	_ =	shalt  }
0x7a: {  	_ =	shalt  }
0x7b: {  	_ =	shalt  }
0x7c: {  	_ =	shalt  }
0x7d: {  	_ =	shalt  }
0x7e: {  	_ =	shalt  }
0x7f: {  	_ =	shalt  }
0x80: {  	_ =	shalt  }
0x81: {  	_ =	shalt  }
0x82: {  	_ =	shalt  }
0x83: {  	_ =	shalt  }
0x84: {  	_ =	shalt  }
0x85: {  	_ =	shalt  }
0x86: {  	_ =	shalt  }
0x87: {  	_ =	shalt  }
.Lfunc_end0:
.L_simem_size_0:
called_computation.1_lowered:
.L_overlay_start_0:
0x88: {  	s2 =	sld [smem:$0x3FD9]  }
0x89: {  	s3 =	sld [smem:$0x3FFE];
	_ =	sdelay $0x1  }
0x8a: {  	s1 =	srdreg.scid  }
0x8b: {  	s0 =	sand.u32 $0x1, s1  }
0x8c: {  	s17 =	sshll.u32 s0, $0xA;
	s2 =	sadd.s32 s3, s2  }
0x8d: {  	s2 =	sadd.s32 s2, s17  }
0x8e: {  	[smem:$0x3FC6] =	sst s2  }
0x8f: {  	_ = 	snop  }
0x90: {  	s2 =	sld [smem:$0x3FC9]  }
0x91: {  	s18 =	sld [smem:$0x3FD0];
	(tm) =	ssettm $0x1  }
0x92: {  	s4 =	sld [smem:$0x3FFB];
	_ =	sdelay $0x3  }
0x93: {  	_ =	strace s4  }
0x94: {  	s4 =	sld [smem:$0x3FFC];
	_ =	sdelay $0x3  }
0x95: {  	_ =	strace s4  }
0x96: {  	s4 =	sld [smem:$0x3FFD];
	_ =	sdelay $0x3  }
0x97: {  	_ =	strace s4  }
0x98: {  	_ =	strace $0x8FFFFFFF  }
0x99: {  	s19 =	sld [smem:$0x3FDB];
	_ =	sdelay $0x1  }
0x9a: {  	s5 =	simm.s32 $_scs_section_size  }
0x9b: {  	s6 =	simm.s32 $_size__tile_overlayer_lowered;
	s7 =	simm.s32 $_tile_overlayer_lowered  }
0x9c: {  	s22 =	simm.s32 $0x1BFF;
	s21 =	sshll.u32 s7, $0x1;
	s4 =	sadd.s32 s5, s19  }
0x9d: {  	s8 =	simm.s32 $0x0;
	s20 =	sshll.u32 s6, $0x1;
	s6 =	sadd.s32 s21, s4  }
0x9e: {  	[timem:s8], [sflag:s22] =	dma.local [hbm:s6], s20  }
0x9f: {  	_ =	swait.ge [sflag:s22], s20  }
0xa0: {  	s5 =	ssub.s32 $0x0, s20;
	[sflag:s22] =	ssyncset.done $0x0  }
0xa1: {  	[sflag:s22] =	ssyncadd.s32 s5;
	_ =	sdelay $0x1  }
0xa2: {  	s23 =	simm.s32 $0x1B8B  }
0xa3: {  	_ =	swait.ge [sflag:s23], $0x1  }
0xa4: {  	[sflag:s23] =	ssyncset.done $0x0  }
0xa5: {  	s25 =	simm.s32 $0x1B8E;
	s24 =	sld [smem:$0x3FFE];
	[sflag:s23] =	ssyncadd.s32 $0xFFFFFFFF  }
0xa6: {  	s26 =	simm.s32 $execute0_lowered;
	[smem:$0x3FD2] =	sst s25  }
0xa7: {  	s6 =	sshll.u32 s26, $0x1;
	_ =	strace $0x80000046;
	[dreg:$0x1] =	wrdreg $0xFFFFFFFF  }
0xa8: {  	s28 =	simm.s32 $_size_execute0_lowered;
	s4 =	sadd.s32 s4, s6;
	[dreg:$0x0] =	wrdreg $0x0  }
0xa9: {  	s6 =	sshll.u32 s28, $0x1;
	[dreg:$0x2] =	wrdreg s4  }
0xaa: {  	[dreg:$0x3] =	wrdreg s6  }
0xab: {  	[dreg:$0x4] =	wrdreg $0xC0  }
0xac: {  	_ =	task [dreg:s8], $0x5FFFF  }
0xad: {  	[dreg:$0x1] =	wrdreg $0xFFFFFFFF  }
0xae: {  	[dreg:$0x0] =	wrdreg $0x60  }
0xaf: {  	[dreg:$0x2] =	wrdreg s2  }
0xb0: {  	[dreg:$0x3] =	wrdreg s24  }
0xb1: {  	[dreg:$0x4] =	wrdreg s18  }
0xb2: {  	[dreg:$0x5] =	wrdreg $0x9  }
0xb3: {  	_ =	task.clear_ibuf [dreg:s8], $0x6FFFF;
	_ =	strace $0x90000046  }
0xb4: {  	s29 =	simm.s32 $0x9;
	_ =	strace $0x80000048  }
0xb5: {  	_ =	swait.ge [sflag:s29], $0x1  }
0xb6: {  	[sflag:s29] =	ssyncadd.s32 $0xFFFFFFFF  }
0xb7: {  	_ =	strace $0x90000048  }
0xb8: {  	_ =	sfence  }
0xb9: {  	s30 =	sld [smem:$0x0];
	_ =	sdelay $0x2  }
0xba: {  	s31 =	sshll.u32 s1, $0xD;
	s1 =	sshrl.u32 s1, $0x2  }
0xbb: {  	s3 =	sand.u32 $0x4000, s31;
	s1 =	sadd.s32 s1, s30  }
0xbc: {  	s0 =	sor.u32 s3, s0;
	s1 =	sshll.u32 s1, $0x11  }
0xbd: {  	s0 =	sor.u32 s1, s0  }
0xbe: {  	s0 =	sadd.s32 $0x8F2B, s0  }
0xbf: {  	[sflag:s0] =	ssyncadd.remote.s32 $0x1  }
0xc0: {  	_ =	sfence.sel $0xFFFF  }
0xc1: {  	[dreg:$0x0] =	wrdreg $0xFFFFFFFF;
	(pc) =	sbr.abs _section_cstart, $3  }
0xc2: {  	[dreg:$0x1] =	wrdreg $0xFFFFFFFF  }
0xc3: {  	_ =	task.clear_ibuf [dreg:s8], $0x2FFFF;
	_ =	strace $0x9FFFFFFF  }
0xc4: {  	(tm) =	ssettm $0x7FFFFFFF  }
0xc5: {  	_ =	shalt  }
tec
execute0_lowered:
.L_overlay_start_1:
0x0: {  	(tag) =	ssettag $0x1  }
0x1: {  	s4 =	rddreg [dreg:$0x0]  }
0x2: {  	s3 =	rddreg [dreg:$0x1]  }
0x3: {  	s5 =	rddreg [dreg:$0x2];
	s2 =	simm.s32 $0x0  }
0x4: {  	s8 =	simm.s32 $0x280;
	[smem:$0x7FF] =	sst s2  }
0x5: {  	s9 =	simm.s32 $0x300;
	_ =	strace $0x80000047;
	[dreg:$0x12] =	wrdreg s8  }
0x6: {  	s10 =	simm.s32 $0x380;
	[dreg:$0x13] =	wrdreg s9  }
0x7: {  	s0 =	srdreg.scid;
	s11 =	simm.s32 $0x400;
	[dreg:$0x14] =	wrdreg s10  }
0x8: {  	s19 =	stileid.u32;
	s12 =	simm.s32 $0x480;
	[dreg:$0x15] =	wrdreg s11  }
0x9: {  	s13 =	simm.s32 $0x500;
	s14 =	simm.s32 $0x580;
	[dreg:$0x16] =	wrdreg s12  }
0xa: {  	s1 =	sand.u32 $0x1, s0;
	s15 =	sshll.u32 s19, $0x1;
	[dreg:$0x17] =	wrdreg s13  }
0xb: {  	s0 =	sor.u32 s1, s15;
	[dreg:$0x18] =	wrdreg s14;
	s15 =	simm.s32 $0x600  }
0xc: {  	s8 =	simm.s32 $0xC80;
	[dreg:$0x19] =	wrdreg s15  }
0xd: {  	s9 =	simm.s32 $0xD00;
	[smem:$0x7F0] =	sst s8  }
0xe: {  	s10 =	simm.s32 $0xD80;
	[smem:$0x7F1] =	sst s9  }
0xf: {  	s11 =	simm.s32 $0xE00;
	[smem:$0x7F2] =	sst s10  }
0x10: {  	s12 =	simm.s32 $0xE80;
	s6 =	smul.u32 $0x320, s0;
	[smem:$0x7F3] =	sst s11  }
0x11: {  	s13 =	simm.s32 $0xF00;
	s7 =	smul.u32 $0x64000, s0;
	[smem:$0x7F4] =	sst s12  }
0x12: {  	s14 =	simm.s32 $0xF80;
	s0 =	smul.u32 $0xC800, s0;
	[smem:$0x7F5] =	sst s13  }
0x13: {  	[smem:$0x7F6] =	sst s14;
	s4 =	sadd.s32 s4, s6  }
0x14: {  	s0 =	sadd.s32 s5, s0;
	[dreg:$0x4] =	wrdreg s4  }
0x15: {  	s6 =	simm.s32 $0x180;
	[dreg:$0x5] =	wrdreg s0  }
0x16: {  	s16 =	sshrl.u32 s7, $0x3;
	s7 =	simm.s32 $0x200;
	[dreg:$0x10] =	wrdreg s6  }
0x17: {  	s17 =	sadd.s32 s5, s16;
	s5 =	simm.s32 $0x100;
	[dreg:$0x11] =	wrdreg s7  }
0x18: {  	s16 =	simm.s32 $0x680;
	[dreg:$0xf] =	wrdreg s5  }
0x19: {  	s6 =	simm.s32 $0xB80;
	[dreg:$0x1a] =	wrdreg s16  }
0x1a: {  	s7 =	simm.s32 $0xC00;
	[smem:$0x7EE] =	sst s6  }
0x1b: {  	s31 =	simm.s32 $0x5;
	s28 =	simm.s32 $0x1500;
	[smem:$0x7EF] =	sst s7  }
0x1c: {  	s29 =	simm.s32 $0x1580;
	s18 =	sadd.s32 $0x1400, s17;
	s0 =	rddreg [dreg:$0x4]  }
0x1d: {  	p0 =	por $0x0, $0x0;
	s20 =	sadd.s32 $0x2800, s17;
	[dreg:$0x6] =	wrdreg s18  }
0x1e: {  	s30 =	simm.s32 $0x1600;
	s21 =	sadd.s32 $0x3C00, s17;
	[dreg:$0x7] =	wrdreg s20  }
0x1f: {  	s3 =	sadd.s32 $0xF42C00, s3;
	s22 =	sadd.s32 $0x5000, s17;
	[dreg:$0x8] =	wrdreg s21  }
0x20: {  	s1 =	ssub.s32 $0x2, s1;
	s23 =	sadd.s32 $0x6400, s17;
	[dreg:$0x9] =	wrdreg s22  }
0x21: {  	s15 =	simm.s32 $0x3900;
	s24 =	sadd.s32 $0x7800, s17;
	[dreg:$0xa] =	wrdreg s23  }
0x22: {  	s11 =	simm.s32 $0xD900;
	s25 =	sadd.s32 $0x8C00, s17;
	[dreg:$0xb] =	wrdreg s24  }
0x23: {  	s12 =	simm.s32 $0xF900;
	s26 =	sadd.s32 $0xA000, s17;
	[dreg:$0xc] =	wrdreg s25  }
0x24: {  	s13 =	simm.s32 $0x11900;
	s4 =	sadd.s32 $0xB400, s17;
	[dreg:$0xd] =	wrdreg s26  }
0x25: {  	s14 =	simm.s32 $0x13900;
	s17 =	simm.s32 $0x700;
	[dreg:$0xe] =	wrdreg s4  }
0x26: {  	s10 =	simm.s32 $0x1;
	s5 =	simm.s32 $0xB00;
	[dreg:$0x1b] =	wrdreg s17  }
0x27: {  	s9 =	simm.s32 $0x2;
	s18 =	simm.s32 $0x780;
	[smem:$0x7ED] =	sst s5  }
0x28: {  	s8 =	simm.s32 $0x4;
	s20 =	simm.s32 $0x800;
	[dreg:$0x1c] =	wrdreg s18  }
0x29: {  	s7 =	simm.s32 $0x80;
	s21 =	simm.s32 $0x880;
	[dreg:$0x1d] =	wrdreg s20  }
0x2a: {  	s16 =	simm.s32 $0x5900;
	s22 =	simm.s32 $0x900;
	[dreg:$0x1e] =	wrdreg s21  }
0x2b: {  	s6 =	simm.s32 $0x3;
	s23 =	simm.s32 $0x980;
	[dreg:$0x1f] =	wrdreg s22  }
0x2c: {  	s24 =	simm.s32 $0xA00;
	s25 =	simm.s32 $0xA80;
	[smem:$0x7EA] =	sst s23  }
0x2d: {  	s26 =	sshrl.u32 s1, $0x1;
	s5 =	simm.s32 $0x1900;
	[smem:$0x7EB] =	sst s24  }
0x2e: {  	s17 =	simm.s32 $0x7900;
	[smem:$0x7EC] =	sst s25;
	s20 =	simm.s32 $0x1000  }
0x2f: {  	s4 =	simm.s32 $0xB900;
	s21 =	simm.s32 $0x1080;
	[smem:$0x7F7] =	sst s20  }
0x30: {  	s1 =	ssub.s32 s1, s26;
	s22 =	simm.s32 $0x1100;
	[smem:$0x7F8] =	sst s21  }
0x31: {  	s23 =	simm.s32 $0x1180;
	s1 =	smax.u32 s1, $0x1;
	[smem:$0x7F9] =	sst s22  }
0x32: {  	s24 =	simm.s32 $0x1200;
	[smem:$0x7FA] =	sst s23;
	p1 =	sne.s32 s1, $0x1  }
.Ltmp0:
0x33: {  	s25 =	simm.s32 $0x1280;
	[smem:$0x7FB] =	sst s24;
	(pc) =	sbr.rel @!p1 .LBB2_1-.Ltmp0, $4  }
0x34: {  	s18 =	simm.s32 $0x9900;
	s26 =	simm.s32 $0x1300;
	[smem:$0x7FC] =	sst s25  }
0x35: {  	[smem:$0x7FD] =	sst s26;
	s25 =	simm.s32 $0x1380;
	s26 =	simm.s32 $0x1480  }
0x36: {  	s20 =	simm.s32 $0x1680;
	s21 =	simm.s32 $0x1700;
	s22 =	simm.s32 $0x1780  }
0x37: {  	s23 =	simm.s32 $0x1800;
	s24 =	simm.s32 $0x1880;
	s1 =	sadd.s32 $0xFFFFFFFF, s1  }
0x38: {  	[tilespmem:s2], [sflag:$0x5] =	stream.linear.gather [hbm4b:s0+s2], $0x1900, $0x38;
	[tilespmem:$0x15900] =	vst v63  }
0x39: {  	_ =	swait.ge [sflag:s31], $0x1900  }
0x3a: {  	[sflag:s31] =	ssyncset.done $0x0  }
0x3b: {  	[sflag:s31] =	ssyncadd.s32 $0xFFFFE700  }
0x3c: {  	[tilespmem:s5], [sflag:$0x1] =	stream.indirect.gather [hbm4b:s3+s7], $0x40, s2, s7, $0xb8;
	[tilespmem:$0x15900] =	vst v63  }
0x3d: {  	_ = 	snop  }
0x3e: {  	[tilespmem:s15], [sflag:$0x1] =	stream.indirect.gather [hbm4b:s3+s7], $0x40, s7, s7, $0xb8;
	[tilespmem:$0x15900] =	vst v63  }
0x3f: {  	s0 =	rddreg [dreg:$0xf]  }
0x40: {  	[tilespmem:s16], [sflag:$0x1] =	stream.indirect.gather [hbm4b:s3+s7], $0x40, s0, s7, $0xb8;
	[tilespmem:$0x15900] =	vst v63  }
0x41: {  	s19 =	smov.u32 s1;
	s1 =	rddreg [dreg:$0x10]  }
0x42: {  	[tilespmem:s17], [sflag:$0x1] =	stream.indirect.gather [hbm4b:s3+s7], $0x40, s1, s7, $0xb8;
	[tilespmem:$0x15900] =	vst v63  }
0x43: {  	s0 =	rddreg [dreg:$0x11]  }
0x44: {  	[tilespmem:s18], [sflag:$0x1] =	stream.indirect.gather [hbm4b:s3+s7], $0x40, s0, s7, $0xb8;
	[tilespmem:$0x15900] =	vst v63  }
0x45: {  	s1 =	rddreg [dreg:$0x12]  }
0x46: {  	[tilespmem:s4], [sflag:$0x2] =	stream.indirect.gather [hbm4b:s3+s7], $0x40, s1, s7, $0xb8;
	[tilespmem:$0x15900] =	vst v63  }
0x47: {  	s0 =	rddreg [dreg:$0x13]  }
0x48: {  	[tilespmem:s11], [sflag:$0x2] =	stream.indirect.gather [hbm4b:s3+s7], $0x40, s0, s7, $0xb8;
	[tilespmem:$0x15900] =	vst v63  }
0x49: {  	s1 =	rddreg [dreg:$0x14]  }
0x4a: {  	[tilespmem:s12], [sflag:$0x2] =	stream.indirect.gather [hbm4b:s3+s7], $0x40, s1, s7, $0xb8;
	[tilespmem:$0x15900] =	vst v63  }
0x4b: {  	s0 =	rddreg [dreg:$0x15]  }
0x4c: {  	[tilespmem:s13], [sflag:$0x2] =	stream.indirect.gather [hbm4b:s3+s7], $0x40, s0, s7, $0xb8;
	[tilespmem:$0x15900] =	vst v63  }
0x4d: {  	s1 =	rddreg [dreg:$0x16]  }
0x4e: {  	[tilespmem:s14], [sflag:$0x2] =	stream.indirect.gather [hbm4b:s3+s7], $0x40, s1, s7, $0xb8;
	[tilespmem:$0x15900] =	vst v63  }
0x4f: {  	_ =	swait.ge [sflag:s10], $0x2000  }
0x50: {  	[sflag:s10] =	ssyncset.done $0x0  }
0x51: {  	[sflag:s10] =	ssyncadd.s32 $0xFFFFE000  }
0x52: {  	_ =	swait.ge [sflag:s10], $0x2000  }
0x53: {  	[sflag:s10] =	ssyncset.done $0x0  }
0x54: {  	[sflag:s10] =	ssyncadd.s32 $0xFFFFE000  }
0x55: {  	_ =	swait.ge [sflag:s10], $0x2000  }
0x56: {  	[sflag:s10] =	ssyncset.done $0x0  }
0x57: {  	[sflag:s10] =	ssyncadd.s32 $0xFFFFE000  }
0x58: {  	_ =	swait.ge [sflag:s10], $0x2000  }
0x59: {  	[sflag:s10] =	ssyncset.done $0x0  }
0x5a: {  	[sflag:s10] =	ssyncadd.s32 $0xFFFFE000  }
0x5b: {  	_ =	swait.ge [sflag:s10], $0x2000  }
0x5c: {  	[sflag:s10] =	ssyncset.done $0x0  }
0x5d: {  	s1 =	rddreg [dreg:$0x5];
	[sflag:s10] =	ssyncadd.s32 $0xFFFFE000  }
0x5e: {  	[hbm4b:s1+s2] =	stream.linear.scatter [tilespmem:s5], [sflag:$0x3], $0xA000, $0x38;
	[tilespmem:$0x15900] =	vst v63  }
0x5f: {  	_ =	swait.ge [sflag:s6], $0xA000  }
0x60: {  	[sflag:s6] =	ssyncset.done $0x0  }
0x61: {  	s0 =	rddreg [dreg:$0x17];
	[sflag:s6] =	ssyncadd.s32 $0xFFFF6000  }
0x62: {  	[tilespmem:s5], [sflag:$0x1] =	stream.indirect.gather [hbm4b:s3+s7], $0x40, s0, s7, $0xb8;
	[tilespmem:$0x15900] =	vst v63  }
0x63: {  	s1 =	rddreg [dreg:$0x18]  }
0x64: {  	[tilespmem:s15], [sflag:$0x1] =	stream.indirect.gather [hbm4b:s3+s7], $0x40, s1, s7, $0xb8;
	[tilespmem:$0x15900] =	vst v63  }
0x65: {  	s0 =	rddreg [dreg:$0x19]  }
0x66: {  	[tilespmem:s16], [sflag:$0x1] =	stream.indirect.gather [hbm4b:s3+s7], $0x40, s0, s7, $0xb8;
	[tilespmem:$0x15900] =	vst v63  }
0x67: {  	s1 =	rddreg [dreg:$0x1a]  }
0x68: {  	[tilespmem:s17], [sflag:$0x1] =	stream.indirect.gather [hbm4b:s3+s7], $0x40, s1, s7, $0xb8;
	[tilespmem:$0x15900] =	vst v63  }
0x69: {  	s0 =	rddreg [dreg:$0x1b]  }
0x6a: {  	[tilespmem:s18], [sflag:$0x1] =	stream.indirect.gather [hbm4b:s3+s7], $0x40, s0, s7, $0xb8;
	[tilespmem:$0x15900] =	vst v63  }
0x6b: {  	_ =	swait.ge [sflag:s9], $0x2000  }
0x6c: {  	[sflag:s9] =	ssyncset.done $0x0  }
0x6d: {  	[sflag:s9] =	ssyncadd.s32 $0xFFFFE000  }
0x6e: {  	_ =	swait.ge [sflag:s9], $0x2000  }
0x6f: {  	[sflag:s9] =	ssyncset.done $0x0  }
0x70: {  	[sflag:s9] =	ssyncadd.s32 $0xFFFFE000  }
0x71: {  	_ =	swait.ge [sflag:s9], $0x2000  }
0x72: {  	[sflag:s9] =	ssyncset.done $0x0  }
0x73: {  	[sflag:s9] =	ssyncadd.s32 $0xFFFFE000  }
0x74: {  	_ =	swait.ge [sflag:s9], $0x2000  }
0x75: {  	[sflag:s9] =	ssyncset.done $0x0  }
0x76: {  	[sflag:s9] =	ssyncadd.s32 $0xFFFFE000  }
0x77: {  	_ =	swait.ge [sflag:s9], $0x2000  }
0x78: {  	[sflag:s9] =	ssyncset.done $0x0  }
0x79: {  	s1 =	rddreg [dreg:$0x6];
	[sflag:s9] =	ssyncadd.s32 $0xFFFFE000  }
0x7a: {  	[hbm4b:s1+s2] =	stream.linear.scatter [tilespmem:s4], [sflag:$0x4], $0xA000, $0x38;
	[tilespmem:$0x15900] =	vst v63  }
0x7b: {  	_ =	swait.ge [sflag:s8], $0xA000  }
0x7c: {  	s0 =	rddreg [dreg:$0x1c];
	[sflag:s8] =	ssyncset.done $0x0  }
0x7d: {  	s1 =	rddreg [dreg:$0x1d];
	[sflag:s8] =	ssyncadd.s32 $0xFFFF6000  }
0x7e: {  	[tilespmem:s4], [sflag:$0x2] =	stream.indirect.gather [hbm4b:s3+s7], $0x40, s0, s7, $0xb8;
	[tilespmem:$0x15900] =	vst v63  }
0x7f: {  	s0 =	rddreg [dreg:$0x1e]  }
0x80: {  	[tilespmem:s11], [sflag:$0x2] =	stream.indirect.gather [hbm4b:s3+s7], $0x40, s1, s7, $0xb8;
	[tilespmem:$0x15900] =	vst v63  }
0x81: {  	s1 =	rddreg [dreg:$0x1f]  }
0x82: {  	[tilespmem:s12], [sflag:$0x2] =	stream.indirect.gather [hbm4b:s3+s7], $0x40, s0, s7, $0xb8;
	[tilespmem:$0x15900] =	vst v63  }
0x83: {  	s0 =	sld [smem:$0x7EA]  }
0x84: {  	[tilespmem:s13], [sflag:$0x2] =	stream.indirect.gather [hbm4b:s3+s7], $0x40, s1, s7, $0xb8;
	[tilespmem:$0x15900] =	vst v63  }
0x85: {  	_ = 	snop  }
0x86: {  	[tilespmem:s14], [sflag:$0x2] =	stream.indirect.gather [hbm4b:s3+s7], $0x40, s0, s7, $0xb8;
	[tilespmem:$0x15900] =	vst v63  }
0x87: {  	_ =	swait.ge [sflag:s10], $0x2000  }
0x88: {  	[sflag:s10] =	ssyncset.done $0x0  }
0x89: {  	[sflag:s10] =	ssyncadd.s32 $0xFFFFE000  }
0x8a: {  	_ =	swait.ge [sflag:s10], $0x2000  }
0x8b: {  	[sflag:s10] =	ssyncset.done $0x0  }
0x8c: {  	[sflag:s10] =	ssyncadd.s32 $0xFFFFE000  }
0x8d: {  	_ =	swait.ge [sflag:s10], $0x2000  }
0x8e: {  	[sflag:s10] =	ssyncset.done $0x0  }
0x8f: {  	[sflag:s10] =	ssyncadd.s32 $0xFFFFE000  }
0x90: {  	_ =	swait.ge [sflag:s10], $0x2000  }
0x91: {  	[sflag:s10] =	ssyncset.done $0x0  }
0x92: {  	[sflag:s10] =	ssyncadd.s32 $0xFFFFE000  }
0x93: {  	_ =	swait.ge [sflag:s10], $0x2000  }
0x94: {  	[sflag:s10] =	ssyncset.done $0x0  }
0x95: {  	s1 =	rddreg [dreg:$0x7];
	[sflag:s10] =	ssyncadd.s32 $0xFFFFE000  }
0x96: {  	[hbm4b:s1+s2] =	stream.linear.scatter [tilespmem:s5], [sflag:$0x3], $0xA000, $0x38;
	[tilespmem:$0x15900] =	vst v63  }
0x97: {  	_ =	swait.ge [sflag:s6], $0xA000  }
0x98: {  	s0 =	sld [smem:$0x7EB]  }
0x99: {  	[sflag:s6] =	ssyncset.done $0x0  }
0x9a: {  	s1 =	sld [smem:$0x7EC];
	[sflag:s6] =	ssyncadd.s32 $0xFFFF6000  }
0x9b: {  	[tilespmem:s5], [sflag:$0x1] =	stream.indirect.gather [hbm4b:s3+s7], $0x40, s0, s7, $0xb8;
	[tilespmem:$0x15900] =	vst v63  }
0x9c: {  	s0 =	sld [smem:$0x7ED]  }
0x9d: {  	[tilespmem:s15], [sflag:$0x1] =	stream.indirect.gather [hbm4b:s3+s7], $0x40, s1, s7, $0xb8;
	[tilespmem:$0x15900] =	vst v63  }
0x9e: {  	s1 =	sld [smem:$0x7EE]  }
0x9f: {  	[tilespmem:s16], [sflag:$0x1] =	stream.indirect.gather [hbm4b:s3+s7], $0x40, s0, s7, $0xb8;
	[tilespmem:$0x15900] =	vst v63  }
0xa0: {  	s0 =	sld [smem:$0x7EF]  }
0xa1: {  	[tilespmem:s17], [sflag:$0x1] =	stream.indirect.gather [hbm4b:s3+s7], $0x40, s1, s7, $0xb8;
	[tilespmem:$0x15900] =	vst v63  }
0xa2: {  	_ = 	snop  }
0xa3: {  	[tilespmem:s18], [sflag:$0x1] =	stream.indirect.gather [hbm4b:s3+s7], $0x40, s0, s7, $0xb8;
	[tilespmem:$0x15900] =	vst v63  }
0xa4: {  	_ =	swait.ge [sflag:s9], $0x2000  }
0xa5: {  	[sflag:s9] =	ssyncset.done $0x0  }
0xa6: {  	[sflag:s9] =	ssyncadd.s32 $0xFFFFE000  }
0xa7: {  	_ =	swait.ge [sflag:s9], $0x2000  }
0xa8: {  	[sflag:s9] =	ssyncset.done $0x0  }
0xa9: {  	[sflag:s9] =	ssyncadd.s32 $0xFFFFE000  }
0xaa: {  	_ =	swait.ge [sflag:s9], $0x2000  }
0xab: {  	[sflag:s9] =	ssyncset.done $0x0  }
0xac: {  	[sflag:s9] =	ssyncadd.s32 $0xFFFFE000  }
0xad: {  	_ =	swait.ge [sflag:s9], $0x2000  }
0xae: {  	[sflag:s9] =	ssyncset.done $0x0  }
0xaf: {  	[sflag:s9] =	ssyncadd.s32 $0xFFFFE000  }
0xb0: {  	_ =	swait.ge [sflag:s9], $0x2000  }
0xb1: {  	[sflag:s9] =	ssyncset.done $0x0  }
0xb2: {  	s1 =	rddreg [dreg:$0x8];
	[sflag:s9] =	ssyncadd.s32 $0xFFFFE000  }
0xb3: {  	[hbm4b:s1+s2] =	stream.linear.scatter [tilespmem:s4], [sflag:$0x4], $0xA000, $0x38;
	[tilespmem:$0x15900] =	vst v63  }
0xb4: {  	_ =	swait.ge [sflag:s8], $0xA000  }
0xb5: {  	s0 =	sld [smem:$0x7F0]  }
0xb6: {  	[sflag:s8] =	ssyncset.done $0x0  }
0xb7: {  	s1 =	sld [smem:$0x7F1];
	[sflag:s8] =	ssyncadd.s32 $0xFFFF6000  }
0xb8: {  	[tilespmem:s4], [sflag:$0x2] =	stream.indirect.gather [hbm4b:s3+s7], $0x40, s0, s7, $0xb8;
	[tilespmem:$0x15900] =	vst v63  }
0xb9: {  	s0 =	sld [smem:$0x7F2]  }
0xba: {  	[tilespmem:s11], [sflag:$0x2] =	stream.indirect.gather [hbm4b:s3+s7], $0x40, s1, s7, $0xb8;
	[tilespmem:$0x15900] =	vst v63  }
0xbb: {  	s1 =	sld [smem:$0x7F3]  }
0xbc: {  	[tilespmem:s12], [sflag:$0x2] =	stream.indirect.gather [hbm4b:s3+s7], $0x40, s0, s7, $0xb8;
	[tilespmem:$0x15900] =	vst v63  }
0xbd: {  	s0 =	sld [smem:$0x7F4]  }
0xbe: {  	[tilespmem:s13], [sflag:$0x2] =	stream.indirect.gather [hbm4b:s3+s7], $0x40, s1, s7, $0xb8;
	[tilespmem:$0x15900] =	vst v63  }
0xbf: {  	_ = 	snop  }
0xc0: {  	[tilespmem:s14], [sflag:$0x2] =	stream.indirect.gather [hbm4b:s3+s7], $0x40, s0, s7, $0xb8;
	[tilespmem:$0x15900] =	vst v63  }
0xc1: {  	_ =	swait.ge [sflag:s10], $0x2000  }
0xc2: {  	[sflag:s10] =	ssyncset.done $0x0  }
0xc3: {  	[sflag:s10] =	ssyncadd.s32 $0xFFFFE000  }
0xc4: {  	_ =	swait.ge [sflag:s10], $0x2000  }
0xc5: {  	[sflag:s10] =	ssyncset.done $0x0  }
0xc6: {  	[sflag:s10] =	ssyncadd.s32 $0xFFFFE000  }
0xc7: {  	_ =	swait.ge [sflag:s10], $0x2000  }
0xc8: {  	[sflag:s10] =	ssyncset.done $0x0  }
0xc9: {  	[sflag:s10] =	ssyncadd.s32 $0xFFFFE000  }
0xca: {  	_ =	swait.ge [sflag:s10], $0x2000  }
0xcb: {  	[sflag:s10] =	ssyncset.done $0x0  }
0xcc: {  	[sflag:s10] =	ssyncadd.s32 $0xFFFFE000  }
0xcd: {  	_ =	swait.ge [sflag:s10], $0x2000  }
0xce: {  	[sflag:s10] =	ssyncset.done $0x0  }
0xcf: {  	s1 =	rddreg [dreg:$0x9];
	[sflag:s10] =	ssyncadd.s32 $0xFFFFE000  }
0xd0: {  	[hbm4b:s1+s2] =	stream.linear.scatter [tilespmem:s5], [sflag:$0x3], $0xA000, $0x38;
	[tilespmem:$0x15900] =	vst v63  }
0xd1: {  	_ =	swait.ge [sflag:s6], $0xA000  }
0xd2: {  	s0 =	sld [smem:$0x7F5]  }
0xd3: {  	[sflag:s6] =	ssyncset.done $0x0  }
0xd4: {  	s1 =	sld [smem:$0x7F6];
	[sflag:s6] =	ssyncadd.s32 $0xFFFF6000  }
0xd5: {  	[tilespmem:s5], [sflag:$0x1] =	stream.indirect.gather [hbm4b:s3+s7], $0x40, s0, s7, $0xb8;
	[tilespmem:$0x15900] =	vst v63  }
0xd6: {  	s0 =	sld [smem:$0x7F7]  }
0xd7: {  	[tilespmem:s15], [sflag:$0x1] =	stream.indirect.gather [hbm4b:s3+s7], $0x40, s1, s7, $0xb8;
	[tilespmem:$0x15900] =	vst v63  }
0xd8: {  	s1 =	sld [smem:$0x7F8]  }
0xd9: {  	[tilespmem:s16], [sflag:$0x1] =	stream.indirect.gather [hbm4b:s3+s7], $0x40, s0, s7, $0xb8;
	[tilespmem:$0x15900] =	vst v63  }
0xda: {  	s0 =	sld [smem:$0x7F9]  }
0xdb: {  	[tilespmem:s17], [sflag:$0x1] =	stream.indirect.gather [hbm4b:s3+s7], $0x40, s1, s7, $0xb8;
	[tilespmem:$0x15900] =	vst v63  }
0xdc: {  	_ = 	snop  }
0xdd: {  	[tilespmem:s18], [sflag:$0x1] =	stream.indirect.gather [hbm4b:s3+s7], $0x40, s0, s7, $0xb8;
	[tilespmem:$0x15900] =	vst v63  }
0xde: {  	_ =	swait.ge [sflag:s9], $0x2000  }
0xdf: {  	[sflag:s9] =	ssyncset.done $0x0  }
0xe0: {  	[sflag:s9] =	ssyncadd.s32 $0xFFFFE000  }
0xe1: {  	_ =	swait.ge [sflag:s9], $0x2000  }
0xe2: {  	[sflag:s9] =	ssyncset.done $0x0  }
0xe3: {  	[sflag:s9] =	ssyncadd.s32 $0xFFFFE000  }
0xe4: {  	_ =	swait.ge [sflag:s9], $0x2000  }
0xe5: {  	[sflag:s9] =	ssyncset.done $0x0  }
0xe6: {  	[sflag:s9] =	ssyncadd.s32 $0xFFFFE000  }
0xe7: {  	_ =	swait.ge [sflag:s9], $0x2000  }
0xe8: {  	[sflag:s9] =	ssyncset.done $0x0  }
0xe9: {  	[sflag:s9] =	ssyncadd.s32 $0xFFFFE000  }
0xea: {  	_ =	swait.ge [sflag:s9], $0x2000  }
0xeb: {  	[sflag:s9] =	ssyncset.done $0x0  }
0xec: {  	s1 =	rddreg [dreg:$0xa];
	[sflag:s9] =	ssyncadd.s32 $0xFFFFE000  }
0xed: {  	[hbm4b:s1+s2] =	stream.linear.scatter [tilespmem:s4], [sflag:$0x4], $0xA000, $0x38;
	[tilespmem:$0x15900] =	vst v63  }
0xee: {  	_ =	swait.ge [sflag:s8], $0xA000  }
0xef: {  	s0 =	sld [smem:$0x7FA]  }
0xf0: {  	[sflag:s8] =	ssyncset.done $0x0  }
0xf1: {  	s1 =	sld [smem:$0x7FB];
	[sflag:s8] =	ssyncadd.s32 $0xFFFF6000  }
0xf2: {  	[tilespmem:s4], [sflag:$0x2] =	stream.indirect.gather [hbm4b:s3+s7], $0x40, s0, s7, $0xb8;
	[tilespmem:$0x15900] =	vst v63  }
0xf3: {  	s0 =	sld [smem:$0x7FC]  }
0xf4: {  	[tilespmem:s11], [sflag:$0x2] =	stream.indirect.gather [hbm4b:s3+s7], $0x40, s1, s7, $0xb8;
	[tilespmem:$0x15900] =	vst v63  }
0xf5: {  	s1 =	sld [smem:$0x7FD]  }
0xf6: {  	[tilespmem:s12], [sflag:$0x2] =	stream.indirect.gather [hbm4b:s3+s7], $0x40, s0, s7, $0xb8;
	[tilespmem:$0x15900] =	vst v63  }
0xf7: {  	_ = 	snop  }
0xf8: {  	[tilespmem:s13], [sflag:$0x2] =	stream.indirect.gather [hbm4b:s3+s7], $0x40, s1, s7, $0xb8;
	[tilespmem:$0x15900] =	vst v63  }
0xf9: {  	_ = 	snop  }
0xfa: {  	[tilespmem:s14], [sflag:$0x2] =	stream.indirect.gather [hbm4b:s3+s7], $0x40, s25, s7, $0xb8;
	[tilespmem:$0x15900] =	vst v63  }
0xfb: {  	_ =	swait.ge [sflag:s10], $0x2000  }
0xfc: {  	[sflag:s10] =	ssyncset.done $0x0  }
0xfd: {  	[sflag:s10] =	ssyncadd.s32 $0xFFFFE000  }
0xfe: {  	_ =	swait.ge [sflag:s10], $0x2000  }
0xff: {  	[sflag:s10] =	ssyncset.done $0x0  }
0x100: {  	[sflag:s10] =	ssyncadd.s32 $0xFFFFE000  }
0x101: {  	_ =	swait.ge [sflag:s10], $0x2000  }
0x102: {  	[sflag:s10] =	ssyncset.done $0x0  }
0x103: {  	[sflag:s10] =	ssyncadd.s32 $0xFFFFE000  }
0x104: {  	_ =	swait.ge [sflag:s10], $0x2000  }
0x105: {  	[sflag:s10] =	ssyncset.done $0x0  }
0x106: {  	[sflag:s10] =	ssyncadd.s32 $0xFFFFE000  }
0x107: {  	_ =	swait.ge [sflag:s10], $0x2000  }
0x108: {  	[sflag:s10] =	ssyncset.done $0x0  }
0x109: {  	s1 =	rddreg [dreg:$0xb];
	[sflag:s10] =	ssyncadd.s32 $0xFFFFE000  }
0x10a: {  	[hbm4b:s1+s2] =	stream.linear.scatter [tilespmem:s5], [sflag:$0x3], $0xA000, $0x38;
	[tilespmem:$0x15900] =	vst v63  }
0x10b: {  	_ =	swait.ge [sflag:s6], $0xA000  }
0x10c: {  	[sflag:s6] =	ssyncset.done $0x0  }
0x10d: {  	s1 =	simm.s32 $0x1400;
	[sflag:s6] =	ssyncadd.s32 $0xFFFF6000  }
0x10e: {  	[tilespmem:s5], [sflag:$0x1] =	stream.indirect.gather [hbm4b:s3+s7], $0x40, s1, s7, $0xb8;
	[tilespmem:$0x15900] =	vst v63  }
0x10f: {  	_ = 	snop  }
0x110: {  	[tilespmem:s15], [sflag:$0x1] =	stream.indirect.gather [hbm4b:s3+s7], $0x40, s26, s7, $0xb8;
	[tilespmem:$0x15900] =	vst v63  }
0x111: {  	_ = 	snop  }
0x112: {  	[tilespmem:s16], [sflag:$0x1] =	stream.indirect.gather [hbm4b:s3+s7], $0x40, s28, s7, $0xb8;
	[tilespmem:$0x15900] =	vst v63  }
0x113: {  	_ = 	snop  }
0x114: {  	[tilespmem:s17], [sflag:$0x1] =	stream.indirect.gather [hbm4b:s3+s7], $0x40, s29, s7, $0xb8;
	[tilespmem:$0x15900] =	vst v63  }
0x115: {  	_ = 	snop  }
0x116: {  	[tilespmem:s18], [sflag:$0x1] =	stream.indirect.gather [hbm4b:s3+s7], $0x40, s30, s7, $0xb8;
	[tilespmem:$0x15900] =	vst v63  }
0x117: {  	_ =	swait.ge [sflag:s9], $0x2000  }
0x118: {  	[sflag:s9] =	ssyncset.done $0x0  }
0x119: {  	[sflag:s9] =	ssyncadd.s32 $0xFFFFE000  }
0x11a: {  	_ =	swait.ge [sflag:s9], $0x2000  }
0x11b: {  	[sflag:s9] =	ssyncset.done $0x0  }
0x11c: {  	[sflag:s9] =	ssyncadd.s32 $0xFFFFE000  }
0x11d: {  	_ =	swait.ge [sflag:s9], $0x2000  }
0x11e: {  	[sflag:s9] =	ssyncset.done $0x0  }
0x11f: {  	[sflag:s9] =	ssyncadd.s32 $0xFFFFE000  }
0x120: {  	_ =	swait.ge [sflag:s9], $0x2000  }
0x121: {  	[sflag:s9] =	ssyncset.done $0x0  }
0x122: {  	[sflag:s9] =	ssyncadd.s32 $0xFFFFE000  }
0x123: {  	_ =	swait.ge [sflag:s9], $0x2000  }
0x124: {  	[sflag:s9] =	ssyncset.done $0x0  }
0x125: {  	s1 =	rddreg [dreg:$0xc];
	[sflag:s9] =	ssyncadd.s32 $0xFFFFE000  }
0x126: {  	[hbm4b:s1+s2] =	stream.linear.scatter [tilespmem:s4], [sflag:$0x4], $0xA000, $0x38;
	[tilespmem:$0x15900] =	vst v63  }
0x127: {  	_ =	swait.ge [sflag:s8], $0xA000  }
0x128: {  	[sflag:s8] =	ssyncset.done $0x0  }
0x129: {  	[sflag:s8] =	ssyncadd.s32 $0xFFFF6000  }
0x12a: {  	[tilespmem:s4], [sflag:$0x2] =	stream.indirect.gather [hbm4b:s3+s7], $0x40, s20, s7, $0xb8;
	[tilespmem:$0x15900] =	vst v63  }
0x12b: {  	_ = 	snop  }
0x12c: {  	[tilespmem:s11], [sflag:$0x2] =	stream.indirect.gather [hbm4b:s3+s7], $0x40, s21, s7, $0xb8;
	[tilespmem:$0x15900] =	vst v63  }
0x12d: {  	_ = 	snop  }
0x12e: {  	[tilespmem:s12], [sflag:$0x2] =	stream.indirect.gather [hbm4b:s3+s7], $0x40, s22, s7, $0xb8;
	[tilespmem:$0x15900] =	vst v63  }
0x12f: {  	_ = 	snop  }
0x130: {  	[tilespmem:s13], [sflag:$0x2] =	stream.indirect.gather [hbm4b:s3+s7], $0x40, s23, s7, $0xb8;
	[tilespmem:$0x15900] =	vst v63  }
0x131: {  	_ = 	snop  }
0x132: {  	[tilespmem:s14], [sflag:$0x2] =	stream.indirect.gather [hbm4b:s3+s7], $0x40, s24, s7, $0xb8;
	[tilespmem:$0x15900] =	vst v63  }
0x133: {  	_ =	swait.ge [sflag:s10], $0x2000  }
0x134: {  	[sflag:s10] =	ssyncset.done $0x0  }
0x135: {  	[sflag:s10] =	ssyncadd.s32 $0xFFFFE000  }
0x136: {  	_ =	swait.ge [sflag:s10], $0x2000  }
0x137: {  	[sflag:s10] =	ssyncset.done $0x0  }
0x138: {  	[sflag:s10] =	ssyncadd.s32 $0xFFFFE000  }
0x139: {  	_ =	swait.ge [sflag:s10], $0x2000  }
0x13a: {  	[sflag:s10] =	ssyncset.done $0x0  }
0x13b: {  	[sflag:s10] =	ssyncadd.s32 $0xFFFFE000  }
0x13c: {  	_ =	swait.ge [sflag:s10], $0x2000  }
0x13d: {  	[sflag:s10] =	ssyncset.done $0x0  }
0x13e: {  	[sflag:s10] =	ssyncadd.s32 $0xFFFFE000  }
0x13f: {  	_ =	swait.ge [sflag:s10], $0x2000  }
0x140: {  	[sflag:s10] =	ssyncset.done $0x0  }
0x141: {  	s1 =	rddreg [dreg:$0xd];
	[sflag:s10] =	ssyncadd.s32 $0xFFFFE000  }
0x142: {  	[hbm4b:s1+s2] =	stream.linear.scatter [tilespmem:s5], [sflag:$0x3], $0xA000, $0x38;
	[tilespmem:$0x15900] =	vst v63  }
0x143: {  	_ =	swait.ge [sflag:s9], $0x2000  }
0x144: {  	[sflag:s9] =	ssyncset.done $0x0  }
0x145: {  	[sflag:s9] =	ssyncadd.s32 $0xFFFFE000  }
0x146: {  	_ =	swait.ge [sflag:s9], $0x2000  }
0x147: {  	[sflag:s9] =	ssyncset.done $0x0  }
0x148: {  	[sflag:s9] =	ssyncadd.s32 $0xFFFFE000  }
0x149: {  	_ =	swait.ge [sflag:s9], $0x2000  }
0x14a: {  	[sflag:s9] =	ssyncset.done $0x0  }
0x14b: {  	[sflag:s9] =	ssyncadd.s32 $0xFFFFE000  }
0x14c: {  	_ =	swait.ge [sflag:s9], $0x2000  }
0x14d: {  	[sflag:s9] =	ssyncset.done $0x0  }
0x14e: {  	[sflag:s9] =	ssyncadd.s32 $0xFFFFE000  }
0x14f: {  	_ =	swait.ge [sflag:s9], $0x2000  }
0x150: {  	[sflag:s9] =	ssyncset.done $0x0  }
0x151: {  	p1 =	sne.s32 s19, $0x1;
	s1 =	rddreg [dreg:$0xe];
	[sflag:s9] =	ssyncadd.s32 $0xFFFFE000  }
0x152: {  	[hbm4b:s1+s2] =	stream.linear.scatter [tilespmem:s4], [sflag:$0x4], $0xA000, $0x38;
	[tilespmem:$0x15900] =	vst v63  }
.Ltmp1:
0x153: {  	_ =	swait.ge [sflag:s6], $0xA000;
	(pc) =	sbr.rel @!p1 .LBB2_3-.Ltmp1, $4  }
0x154: {  	[sflag:s6] =	ssyncset.done $0x0  }
0x155: {  	[sflag:s6] =	ssyncadd.s32 $0xFFFF6000  }
0x156: {  	p0 =	por $0x1, $0x1;
	_ =	swait.ge [sflag:s8], $0xA000  }
0x157: {  	s1 =	sadd.s32 $0xFFFFFFFF, s19;
	s0 =	rddreg [dreg:$0x4];
	[sflag:s8] =	ssyncset.done $0x0  }
.LBB2_4:
0x158: {  	[sflag:s8] =	ssyncadd.s32 $0xFFFF6000  }
0x159: {  	[tilespmem:s2], [sflag:$0x5] =	stream.linear.gather [hbm4b:s0+s2], $0x1900, $0x38;
	[tilespmem:$0x15900] =	vst v63  }
0x15a: {  	_ =	swait.ge [sflag:s31], $0x1900  }
0x15b: {  	[sflag:s31] =	ssyncset.done $0x0  }
0x15c: {  	[sflag:s31] =	ssyncadd.s32 $0xFFFFE700  }
0x15d: {  	[tilespmem:s5], [sflag:$0x1] =	stream.indirect.gather [hbm4b:s3+s7], $0x40, s2, s7, $0xb8;
	[tilespmem:$0x15900] =	vst v63  }
0x15e: {  	_ = 	snop  }
0x15f: {  	[tilespmem:s15], [sflag:$0x1] =	stream.indirect.gather [hbm4b:s3+s7], $0x40, s7, s7, $0xb8;
	[tilespmem:$0x15900] =	vst v63  }
0x160: {  	s0 =	rddreg [dreg:$0xf]  }
0x161: {  	[tilespmem:s16], [sflag:$0x1] =	stream.indirect.gather [hbm4b:s3+s7], $0x40, s0, s7, $0xb8;
	[tilespmem:$0x15900] =	vst v63  }
0x162: {  	s19 =	rddreg [dreg:$0x10]  }
0x163: {  	[tilespmem:s17], [sflag:$0x1] =	stream.indirect.gather [hbm4b:s3+s7], $0x40, s19, s7, $0xb8;
	[tilespmem:$0x15900] =	vst v63  }
0x164: {  	s0 =	rddreg [dreg:$0x11]  }
0x165: {  	[tilespmem:s18], [sflag:$0x1] =	stream.indirect.gather [hbm4b:s3+s7], $0x40, s0, s7, $0xb8;
	[tilespmem:$0x15900] =	vst v63  }
0x166: {  	s19 =	rddreg [dreg:$0x12]  }
0x167: {  	[tilespmem:s4], [sflag:$0x2] =	stream.indirect.gather [hbm4b:s3+s7], $0x40, s19, s7, $0xb8;
	[tilespmem:$0x15900] =	vst v63  }
0x168: {  	s0 =	rddreg [dreg:$0x13]  }
0x169: {  	[tilespmem:s11], [sflag:$0x2] =	stream.indirect.gather [hbm4b:s3+s7], $0x40, s0, s7, $0xb8;
	[tilespmem:$0x15900] =	vst v63  }
0x16a: {  	s19 =	rddreg [dreg:$0x14]  }
0x16b: {  	[tilespmem:s12], [sflag:$0x2] =	stream.indirect.gather [hbm4b:s3+s7], $0x40, s19, s7, $0xb8;
	[tilespmem:$0x15900] =	vst v63  }
0x16c: {  	s0 =	rddreg [dreg:$0x15]  }
0x16d: {  	[tilespmem:s13], [sflag:$0x2] =	stream.indirect.gather [hbm4b:s3+s7], $0x40, s0, s7, $0xb8;
	[tilespmem:$0x15900] =	vst v63  }
0x16e: {  	s19 =	rddreg [dreg:$0x16]  }
0x16f: {  	[tilespmem:s14], [sflag:$0x2] =	stream.indirect.gather [hbm4b:s3+s7], $0x40, s19, s7, $0xb8;
	[tilespmem:$0x15900] =	vst v63  }
0x170: {  	_ =	swait.ge [sflag:s10], $0x2000  }
0x171: {  	[sflag:s10] =	ssyncset.done $0x0  }
0x172: {  	[sflag:s10] =	ssyncadd.s32 $0xFFFFE000  }
0x173: {  	_ =	swait.ge [sflag:s10], $0x2000  }
0x174: {  	[sflag:s10] =	ssyncset.done $0x0  }
0x175: {  	[sflag:s10] =	ssyncadd.s32 $0xFFFFE000  }
0x176: {  	_ =	swait.ge [sflag:s10], $0x2000  }
0x177: {  	[sflag:s10] =	ssyncset.done $0x0  }
0x178: {  	[sflag:s10] =	ssyncadd.s32 $0xFFFFE000  }
0x179: {  	_ =	swait.ge [sflag:s10], $0x2000  }
0x17a: {  	[sflag:s10] =	ssyncset.done $0x0  }
0x17b: {  	[sflag:s10] =	ssyncadd.s32 $0xFFFFE000  }
0x17c: {  	_ =	swait.ge [sflag:s10], $0x2000  }
0x17d: {  	[sflag:s10] =	ssyncset.done $0x0  }
0x17e: {  	s19 =	rddreg [dreg:$0x5];
	[sflag:s10] =	ssyncadd.s32 $0xFFFFE000  }
0x17f: {  	[hbm4b:s19+s2] =	stream.linear.scatter [tilespmem:s5], [sflag:$0x3], $0xA000, $0x38;
	[tilespmem:$0x15900] =	vst v63  }
0x180: {  	_ =	swait.ge [sflag:s6], $0xA000  }
0x181: {  	[sflag:s6] =	ssyncset.done $0x0  }
0x182: {  	s0 =	rddreg [dreg:$0x17];
	[sflag:s6] =	ssyncadd.s32 $0xFFFF6000  }
0x183: {  	[tilespmem:s5], [sflag:$0x1] =	stream.indirect.gather [hbm4b:s3+s7], $0x40, s0, s7, $0xb8;
	[tilespmem:$0x15900] =	vst v63  }
0x184: {  	s19 =	rddreg [dreg:$0x18]  }
0x185: {  	[tilespmem:s15], [sflag:$0x1] =	stream.indirect.gather [hbm4b:s3+s7], $0x40, s19, s7, $0xb8;
	[tilespmem:$0x15900] =	vst v63  }
0x186: {  	s0 =	rddreg [dreg:$0x19]  }
0x187: {  	[tilespmem:s16], [sflag:$0x1] =	stream.indirect.gather [hbm4b:s3+s7], $0x40, s0, s7, $0xb8;
	[tilespmem:$0x15900] =	vst v63  }
0x188: {  	s19 =	rddreg [dreg:$0x1a]  }
0x189: {  	[tilespmem:s17], [sflag:$0x1] =	stream.indirect.gather [hbm4b:s3+s7], $0x40, s19, s7, $0xb8;
	[tilespmem:$0x15900] =	vst v63  }
0x18a: {  	s0 =	rddreg [dreg:$0x1b]  }
0x18b: {  	[tilespmem:s18], [sflag:$0x1] =	stream.indirect.gather [hbm4b:s3+s7], $0x40, s0, s7, $0xb8;
	[tilespmem:$0x15900] =	vst v63  }
0x18c: {  	_ =	swait.ge [sflag:s9], $0x2000  }
0x18d: {  	[sflag:s9] =	ssyncset.done $0x0  }
0x18e: {  	[sflag:s9] =	ssyncadd.s32 $0xFFFFE000  }
0x18f: {  	_ =	swait.ge [sflag:s9], $0x2000  }
0x190: {  	[sflag:s9] =	ssyncset.done $0x0  }
0x191: {  	[sflag:s9] =	ssyncadd.s32 $0xFFFFE000  }
0x192: {  	_ =	swait.ge [sflag:s9], $0x2000  }
0x193: {  	[sflag:s9] =	ssyncset.done $0x0  }
0x194: {  	[sflag:s9] =	ssyncadd.s32 $0xFFFFE000  }
0x195: {  	_ =	swait.ge [sflag:s9], $0x2000  }
0x196: {  	[sflag:s9] =	ssyncset.done $0x0  }
0x197: {  	[sflag:s9] =	ssyncadd.s32 $0xFFFFE000  }
0x198: {  	_ =	swait.ge [sflag:s9], $0x2000  }
0x199: {  	[sflag:s9] =	ssyncset.done $0x0  }
0x19a: {  	s19 =	rddreg [dreg:$0x6];
	[sflag:s9] =	ssyncadd.s32 $0xFFFFE000  }
0x19b: {  	[hbm4b:s19+s2] =	stream.linear.scatter [tilespmem:s4], [sflag:$0x4], $0xA000, $0x38;
	[tilespmem:$0x15900] =	vst v63  }
0x19c: {  	_ =	swait.ge [sflag:s8], $0xA000  }
0x19d: {  	s0 =	rddreg [dreg:$0x1c];
	[sflag:s8] =	ssyncset.done $0x0  }
0x19e: {  	s19 =	rddreg [dreg:$0x1d];
	[sflag:s8] =	ssyncadd.s32 $0xFFFF6000  }
0x19f: {  	[tilespmem:s4], [sflag:$0x2] =	stream.indirect.gather [hbm4b:s3+s7], $0x40, s0, s7, $0xb8;
	[tilespmem:$0x15900] =	vst v63  }
0x1a0: {  	s0 =	rddreg [dreg:$0x1e]  }
0x1a1: {  	[tilespmem:s11], [sflag:$0x2] =	stream.indirect.gather [hbm4b:s3+s7], $0x40, s19, s7, $0xb8;
	[tilespmem:$0x15900] =	vst v63  }
0x1a2: {  	s19 =	rddreg [dreg:$0x1f]  }
0x1a3: {  	[tilespmem:s12], [sflag:$0x2] =	stream.indirect.gather [hbm4b:s3+s7], $0x40, s0, s7, $0xb8;
	[tilespmem:$0x15900] =	vst v63  }
0x1a4: {  	s0 =	sld [smem:$0x7EA]  }
0x1a5: {  	[tilespmem:s13], [sflag:$0x2] =	stream.indirect.gather [hbm4b:s3+s7], $0x40, s19, s7, $0xb8;
	[tilespmem:$0x15900] =	vst v63  }
0x1a6: {  	_ = 	snop  }
0x1a7: {  	[tilespmem:s14], [sflag:$0x2] =	stream.indirect.gather [hbm4b:s3+s7], $0x40, s0, s7, $0xb8;
	[tilespmem:$0x15900] =	vst v63  }
0x1a8: {  	_ =	swait.ge [sflag:s10], $0x2000  }
0x1a9: {  	[sflag:s10] =	ssyncset.done $0x0  }
0x1aa: {  	[sflag:s10] =	ssyncadd.s32 $0xFFFFE000  }
0x1ab: {  	_ =	swait.ge [sflag:s10], $0x2000  }
0x1ac: {  	[sflag:s10] =	ssyncset.done $0x0  }
0x1ad: {  	[sflag:s10] =	ssyncadd.s32 $0xFFFFE000  }
0x1ae: {  	_ =	swait.ge [sflag:s10], $0x2000  }
0x1af: {  	[sflag:s10] =	ssyncset.done $0x0  }
0x1b0: {  	[sflag:s10] =	ssyncadd.s32 $0xFFFFE000  }
0x1b1: {  	_ =	swait.ge [sflag:s10], $0x2000  }
0x1b2: {  	[sflag:s10] =	ssyncset.done $0x0  }
0x1b3: {  	[sflag:s10] =	ssyncadd.s32 $0xFFFFE000  }
0x1b4: {  	_ =	swait.ge [sflag:s10], $0x2000  }
0x1b5: {  	[sflag:s10] =	ssyncset.done $0x0  }
0x1b6: {  	s19 =	rddreg [dreg:$0x7];
	[sflag:s10] =	ssyncadd.s32 $0xFFFFE000  }
0x1b7: {  	[hbm4b:s19+s2] =	stream.linear.scatter [tilespmem:s5], [sflag:$0x3], $0xA000, $0x38;
	[tilespmem:$0x15900] =	vst v63  }
0x1b8: {  	_ =	swait.ge [sflag:s6], $0xA000  }
0x1b9: {  	s0 =	sld [smem:$0x7EB]  }
0x1ba: {  	[sflag:s6] =	ssyncset.done $0x0  }
0x1bb: {  	s19 =	sld [smem:$0x7EC];
	[sflag:s6] =	ssyncadd.s32 $0xFFFF6000  }
0x1bc: {  	[tilespmem:s5], [sflag:$0x1] =	stream.indirect.gather [hbm4b:s3+s7], $0x40, s0, s7, $0xb8;
	[tilespmem:$0x15900] =	vst v63  }
0x1bd: {  	s0 =	sld [smem:$0x7ED]  }
0x1be: {  	[tilespmem:s15], [sflag:$0x1] =	stream.indirect.gather [hbm4b:s3+s7], $0x40, s19, s7, $0xb8;
	[tilespmem:$0x15900] =	vst v63  }
0x1bf: {  	s19 =	sld [smem:$0x7EE]  }
0x1c0: {  	[tilespmem:s16], [sflag:$0x1] =	stream.indirect.gather [hbm4b:s3+s7], $0x40, s0, s7, $0xb8;
	[tilespmem:$0x15900] =	vst v63  }
0x1c1: {  	s0 =	sld [smem:$0x7EF]  }
0x1c2: {  	[tilespmem:s17], [sflag:$0x1] =	stream.indirect.gather [hbm4b:s3+s7], $0x40, s19, s7, $0xb8;
	[tilespmem:$0x15900] =	vst v63  }
0x1c3: {  	_ = 	snop  }
0x1c4: {  	[tilespmem:s18], [sflag:$0x1] =	stream.indirect.gather [hbm4b:s3+s7], $0x40, s0, s7, $0xb8;
	[tilespmem:$0x15900] =	vst v63  }
0x1c5: {  	_ =	swait.ge [sflag:s9], $0x2000  }
0x1c6: {  	[sflag:s9] =	ssyncset.done $0x0  }
0x1c7: {  	[sflag:s9] =	ssyncadd.s32 $0xFFFFE000  }
0x1c8: {  	_ =	swait.ge [sflag:s9], $0x2000  }
0x1c9: {  	[sflag:s9] =	ssyncset.done $0x0  }
0x1ca: {  	[sflag:s9] =	ssyncadd.s32 $0xFFFFE000  }
0x1cb: {  	_ =	swait.ge [sflag:s9], $0x2000  }
0x1cc: {  	[sflag:s9] =	ssyncset.done $0x0  }
0x1cd: {  	[sflag:s9] =	ssyncadd.s32 $0xFFFFE000  }
0x1ce: {  	_ =	swait.ge [sflag:s9], $0x2000  }
0x1cf: {  	[sflag:s9] =	ssyncset.done $0x0  }
0x1d0: {  	[sflag:s9] =	ssyncadd.s32 $0xFFFFE000  }
0x1d1: {  	_ =	swait.ge [sflag:s9], $0x2000  }
0x1d2: {  	[sflag:s9] =	ssyncset.done $0x0  }
0x1d3: {  	s19 =	rddreg [dreg:$0x8];
	[sflag:s9] =	ssyncadd.s32 $0xFFFFE000  }
0x1d4: {  	[hbm4b:s19+s2] =	stream.linear.scatter [tilespmem:s4], [sflag:$0x4], $0xA000, $0x38;
	[tilespmem:$0x15900] =	vst v63  }
0x1d5: {  	_ =	swait.ge [sflag:s8], $0xA000  }
0x1d6: {  	s0 =	sld [smem:$0x7F0]  }
0x1d7: {  	[sflag:s8] =	ssyncset.done $0x0  }
0x1d8: {  	s19 =	sld [smem:$0x7F1];
	[sflag:s8] =	ssyncadd.s32 $0xFFFF6000  }
0x1d9: {  	[tilespmem:s4], [sflag:$0x2] =	stream.indirect.gather [hbm4b:s3+s7], $0x40, s0, s7, $0xb8;
	[tilespmem:$0x15900] =	vst v63  }
0x1da: {  	s0 =	sld [smem:$0x7F2]  }
0x1db: {  	[tilespmem:s11], [sflag:$0x2] =	stream.indirect.gather [hbm4b:s3+s7], $0x40, s19, s7, $0xb8;
	[tilespmem:$0x15900] =	vst v63  }
0x1dc: {  	s19 =	sld [smem:$0x7F3]  }
0x1dd: {  	[tilespmem:s12], [sflag:$0x2] =	stream.indirect.gather [hbm4b:s3+s7], $0x40, s0, s7, $0xb8;
	[tilespmem:$0x15900] =	vst v63  }
0x1de: {  	s0 =	sld [smem:$0x7F4]  }
0x1df: {  	[tilespmem:s13], [sflag:$0x2] =	stream.indirect.gather [hbm4b:s3+s7], $0x40, s19, s7, $0xb8;
	[tilespmem:$0x15900] =	vst v63  }
0x1e0: {  	_ = 	snop  }
0x1e1: {  	[tilespmem:s14], [sflag:$0x2] =	stream.indirect.gather [hbm4b:s3+s7], $0x40, s0, s7, $0xb8;
	[tilespmem:$0x15900] =	vst v63  }
0x1e2: {  	_ =	swait.ge [sflag:s10], $0x2000  }
0x1e3: {  	[sflag:s10] =	ssyncset.done $0x0  }
0x1e4: {  	[sflag:s10] =	ssyncadd.s32 $0xFFFFE000  }
0x1e5: {  	_ =	swait.ge [sflag:s10], $0x2000  }
0x1e6: {  	[sflag:s10] =	ssyncset.done $0x0  }
0x1e7: {  	[sflag:s10] =	ssyncadd.s32 $0xFFFFE000  }
0x1e8: {  	_ =	swait.ge [sflag:s10], $0x2000  }
0x1e9: {  	[sflag:s10] =	ssyncset.done $0x0  }
0x1ea: {  	[sflag:s10] =	ssyncadd.s32 $0xFFFFE000  }
0x1eb: {  	_ =	swait.ge [sflag:s10], $0x2000  }
0x1ec: {  	[sflag:s10] =	ssyncset.done $0x0  }
0x1ed: {  	[sflag:s10] =	ssyncadd.s32 $0xFFFFE000  }
0x1ee: {  	_ =	swait.ge [sflag:s10], $0x2000  }
0x1ef: {  	[sflag:s10] =	ssyncset.done $0x0  }
0x1f0: {  	s19 =	rddreg [dreg:$0x9];
	[sflag:s10] =	ssyncadd.s32 $0xFFFFE000  }
0x1f1: {  	[hbm4b:s19+s2] =	stream.linear.scatter [tilespmem:s5], [sflag:$0x3], $0xA000, $0x38;
	[tilespmem:$0x15900] =	vst v63  }
0x1f2: {  	_ =	swait.ge [sflag:s6], $0xA000  }
0x1f3: {  	s0 =	sld [smem:$0x7F5]  }
0x1f4: {  	[sflag:s6] =	ssyncset.done $0x0  }
0x1f5: {  	s19 =	sld [smem:$0x7F6];
	[sflag:s6] =	ssyncadd.s32 $0xFFFF6000  }
0x1f6: {  	[tilespmem:s5], [sflag:$0x1] =	stream.indirect.gather [hbm4b:s3+s7], $0x40, s0, s7, $0xb8;
	[tilespmem:$0x15900] =	vst v63  }
0x1f7: {  	s0 =	sld [smem:$0x7F7]  }
0x1f8: {  	[tilespmem:s15], [sflag:$0x1] =	stream.indirect.gather [hbm4b:s3+s7], $0x40, s19, s7, $0xb8;
	[tilespmem:$0x15900] =	vst v63  }
0x1f9: {  	s19 =	sld [smem:$0x7F8]  }
0x1fa: {  	[tilespmem:s16], [sflag:$0x1] =	stream.indirect.gather [hbm4b:s3+s7], $0x40, s0, s7, $0xb8;
	[tilespmem:$0x15900] =	vst v63  }
0x1fb: {  	s0 =	sld [smem:$0x7F9]  }
0x1fc: {  	[tilespmem:s17], [sflag:$0x1] =	stream.indirect.gather [hbm4b:s3+s7], $0x40, s19, s7, $0xb8;
	[tilespmem:$0x15900] =	vst v63  }
0x1fd: {  	_ = 	snop  }
0x1fe: {  	[tilespmem:s18], [sflag:$0x1] =	stream.indirect.gather [hbm4b:s3+s7], $0x40, s0, s7, $0xb8;
	[tilespmem:$0x15900] =	vst v63  }
0x1ff: {  	_ =	swait.ge [sflag:s9], $0x2000  }
0x200: {  	[sflag:s9] =	ssyncset.done $0x0  }
0x201: {  	[sflag:s9] =	ssyncadd.s32 $0xFFFFE000  }
0x202: {  	_ =	swait.ge [sflag:s9], $0x2000  }
0x203: {  	[sflag:s9] =	ssyncset.done $0x0  }
0x204: {  	[sflag:s9] =	ssyncadd.s32 $0xFFFFE000  }
0x205: {  	_ =	swait.ge [sflag:s9], $0x2000  }
0x206: {  	[sflag:s9] =	ssyncset.done $0x0  }
0x207: {  	[sflag:s9] =	ssyncadd.s32 $0xFFFFE000  }
0x208: {  	_ =	swait.ge [sflag:s9], $0x2000  }
0x209: {  	[sflag:s9] =	ssyncset.done $0x0  }
0x20a: {  	[sflag:s9] =	ssyncadd.s32 $0xFFFFE000  }
0x20b: {  	_ =	swait.ge [sflag:s9], $0x2000  }
0x20c: {  	[sflag:s9] =	ssyncset.done $0x0  }
0x20d: {  	s19 =	rddreg [dreg:$0xa];
	[sflag:s9] =	ssyncadd.s32 $0xFFFFE000  }
0x20e: {  	[hbm4b:s19+s2] =	stream.linear.scatter [tilespmem:s4], [sflag:$0x4], $0xA000, $0x38;
	[tilespmem:$0x15900] =	vst v63  }
0x20f: {  	_ =	swait.ge [sflag:s8], $0xA000  }
0x210: {  	s0 =	sld [smem:$0x7FA]  }
0x211: {  	[sflag:s8] =	ssyncset.done $0x0  }
0x212: {  	s19 =	sld [smem:$0x7FB];
	[sflag:s8] =	ssyncadd.s32 $0xFFFF6000  }
0x213: {  	[tilespmem:s4], [sflag:$0x2] =	stream.indirect.gather [hbm4b:s3+s7], $0x40, s0, s7, $0xb8;
	[tilespmem:$0x15900] =	vst v63  }
0x214: {  	s0 =	sld [smem:$0x7FC]  }
0x215: {  	[tilespmem:s11], [sflag:$0x2] =	stream.indirect.gather [hbm4b:s3+s7], $0x40, s19, s7, $0xb8;
	[tilespmem:$0x15900] =	vst v63  }
0x216: {  	s19 =	sld [smem:$0x7FD]  }
0x217: {  	[tilespmem:s12], [sflag:$0x2] =	stream.indirect.gather [hbm4b:s3+s7], $0x40, s0, s7, $0xb8;
	[tilespmem:$0x15900] =	vst v63  }
0x218: {  	_ = 	snop  }
0x219: {  	[tilespmem:s13], [sflag:$0x2] =	stream.indirect.gather [hbm4b:s3+s7], $0x40, s19, s7, $0xb8;
	[tilespmem:$0x15900] =	vst v63  }
0x21a: {  	_ = 	snop  }
0x21b: {  	[tilespmem:s14], [sflag:$0x2] =	stream.indirect.gather [hbm4b:s3+s7], $0x40, s25, s7, $0xb8;
	[tilespmem:$0x15900] =	vst v63  }
0x21c: {  	_ =	swait.ge [sflag:s10], $0x2000  }
0x21d: {  	[sflag:s10] =	ssyncset.done $0x0  }
0x21e: {  	[sflag:s10] =	ssyncadd.s32 $0xFFFFE000  }
0x21f: {  	_ =	swait.ge [sflag:s10], $0x2000  }
0x220: {  	[sflag:s10] =	ssyncset.done $0x0  }
0x221: {  	[sflag:s10] =	ssyncadd.s32 $0xFFFFE000  }
0x222: {  	_ =	swait.ge [sflag:s10], $0x2000  }
0x223: {  	[sflag:s10] =	ssyncset.done $0x0  }
0x224: {  	[sflag:s10] =	ssyncadd.s32 $0xFFFFE000  }
0x225: {  	_ =	swait.ge [sflag:s10], $0x2000  }
0x226: {  	[sflag:s10] =	ssyncset.done $0x0  }
0x227: {  	[sflag:s10] =	ssyncadd.s32 $0xFFFFE000  }
0x228: {  	_ =	swait.ge [sflag:s10], $0x2000  }
0x229: {  	[sflag:s10] =	ssyncset.done $0x0  }
0x22a: {  	s19 =	rddreg [dreg:$0xb];
	[sflag:s10] =	ssyncadd.s32 $0xFFFFE000  }
0x22b: {  	[hbm4b:s19+s2] =	stream.linear.scatter [tilespmem:s5], [sflag:$0x3], $0xA000, $0x38;
	[tilespmem:$0x15900] =	vst v63  }
0x22c: {  	_ =	swait.ge [sflag:s6], $0xA000  }
0x22d: {  	[sflag:s6] =	ssyncset.done $0x0  }
0x22e: {  	s19 =	simm.s32 $0x1400;
	[sflag:s6] =	ssyncadd.s32 $0xFFFF6000  }
0x22f: {  	[tilespmem:s5], [sflag:$0x1] =	stream.indirect.gather [hbm4b:s3+s7], $0x40, s19, s7, $0xb8;
	[tilespmem:$0x15900] =	vst v63  }
0x230: {  	_ = 	snop  }
0x231: {  	[tilespmem:s15], [sflag:$0x1] =	stream.indirect.gather [hbm4b:s3+s7], $0x40, s26, s7, $0xb8;
	[tilespmem:$0x15900] =	vst v63  }
0x232: {  	_ = 	snop  }
0x233: {  	[tilespmem:s16], [sflag:$0x1] =	stream.indirect.gather [hbm4b:s3+s7], $0x40, s28, s7, $0xb8;
	[tilespmem:$0x15900] =	vst v63  }
0x234: {  	_ = 	snop  }
0x235: {  	[tilespmem:s17], [sflag:$0x1] =	stream.indirect.gather [hbm4b:s3+s7], $0x40, s29, s7, $0xb8;
	[tilespmem:$0x15900] =	vst v63  }
0x236: {  	_ = 	snop  }
0x237: {  	[tilespmem:s18], [sflag:$0x1] =	stream.indirect.gather [hbm4b:s3+s7], $0x40, s30, s7, $0xb8;
	[tilespmem:$0x15900] =	vst v63  }
0x238: {  	_ =	swait.ge [sflag:s9], $0x2000  }
0x239: {  	[sflag:s9] =	ssyncset.done $0x0  }
0x23a: {  	[sflag:s9] =	ssyncadd.s32 $0xFFFFE000  }
0x23b: {  	_ =	swait.ge [sflag:s9], $0x2000  }
0x23c: {  	[sflag:s9] =	ssyncset.done $0x0  }
0x23d: {  	[sflag:s9] =	ssyncadd.s32 $0xFFFFE000  }
0x23e: {  	_ =	swait.ge [sflag:s9], $0x2000  }
0x23f: {  	[sflag:s9] =	ssyncset.done $0x0  }
0x240: {  	[sflag:s9] =	ssyncadd.s32 $0xFFFFE000  }
0x241: {  	_ =	swait.ge [sflag:s9], $0x2000  }
0x242: {  	[sflag:s9] =	ssyncset.done $0x0  }
0x243: {  	[sflag:s9] =	ssyncadd.s32 $0xFFFFE000  }
0x244: {  	_ =	swait.ge [sflag:s9], $0x2000  }
0x245: {  	[sflag:s9] =	ssyncset.done $0x0  }
0x246: {  	s19 =	rddreg [dreg:$0xc];
	[sflag:s9] =	ssyncadd.s32 $0xFFFFE000  }
0x247: {  	[hbm4b:s19+s2] =	stream.linear.scatter [tilespmem:s4], [sflag:$0x4], $0xA000, $0x38;
	[tilespmem:$0x15900] =	vst v63  }
0x248: {  	_ =	swait.ge [sflag:s8], $0xA000  }
0x249: {  	[sflag:s8] =	ssyncset.done $0x0  }
0x24a: {  	[sflag:s8] =	ssyncadd.s32 $0xFFFF6000  }
0x24b: {  	[tilespmem:s4], [sflag:$0x2] =	stream.indirect.gather [hbm4b:s3+s7], $0x40, s20, s7, $0xb8;
	[tilespmem:$0x15900] =	vst v63  }
0x24c: {  	_ = 	snop  }
0x24d: {  	[tilespmem:s11], [sflag:$0x2] =	stream.indirect.gather [hbm4b:s3+s7], $0x40, s21, s7, $0xb8;
	[tilespmem:$0x15900] =	vst v63  }
0x24e: {  	_ = 	snop  }
0x24f: {  	[tilespmem:s12], [sflag:$0x2] =	stream.indirect.gather [hbm4b:s3+s7], $0x40, s22, s7, $0xb8;
	[tilespmem:$0x15900] =	vst v63  }
0x250: {  	_ = 	snop  }
0x251: {  	[tilespmem:s13], [sflag:$0x2] =	stream.indirect.gather [hbm4b:s3+s7], $0x40, s23, s7, $0xb8;
	[tilespmem:$0x15900] =	vst v63  }
0x252: {  	_ = 	snop  }
0x253: {  	[tilespmem:s14], [sflag:$0x2] =	stream.indirect.gather [hbm4b:s3+s7], $0x40, s24, s7, $0xb8;
	[tilespmem:$0x15900] =	vst v63  }
0x254: {  	_ =	swait.ge [sflag:s10], $0x2000  }
0x255: {  	[sflag:s10] =	ssyncset.done $0x0  }
0x256: {  	[sflag:s10] =	ssyncadd.s32 $0xFFFFE000  }
0x257: {  	_ =	swait.ge [sflag:s10], $0x2000  }
0x258: {  	[sflag:s10] =	ssyncset.done $0x0  }
0x259: {  	[sflag:s10] =	ssyncadd.s32 $0xFFFFE000  }
0x25a: {  	_ =	swait.ge [sflag:s10], $0x2000  }
0x25b: {  	[sflag:s10] =	ssyncset.done $0x0  }
0x25c: {  	[sflag:s10] =	ssyncadd.s32 $0xFFFFE000  }
0x25d: {  	_ =	swait.ge [sflag:s10], $0x2000  }
0x25e: {  	[sflag:s10] =	ssyncset.done $0x0  }
0x25f: {  	[sflag:s10] =	ssyncadd.s32 $0xFFFFE000  }
0x260: {  	_ =	swait.ge [sflag:s10], $0x2000  }
0x261: {  	[sflag:s10] =	ssyncset.done $0x0  }
0x262: {  	s19 =	rddreg [dreg:$0xd];
	[sflag:s10] =	ssyncadd.s32 $0xFFFFE000  }
0x263: {  	[hbm4b:s19+s2] =	stream.linear.scatter [tilespmem:s5], [sflag:$0x3], $0xA000, $0x38;
	[tilespmem:$0x15900] =	vst v63  }
0x264: {  	_ =	swait.ge [sflag:s9], $0x2000  }
0x265: {  	[sflag:s9] =	ssyncset.done $0x0  }
0x266: {  	[sflag:s9] =	ssyncadd.s32 $0xFFFFE000  }
0x267: {  	_ =	swait.ge [sflag:s9], $0x2000  }
0x268: {  	[sflag:s9] =	ssyncset.done $0x0  }
0x269: {  	[sflag:s9] =	ssyncadd.s32 $0xFFFFE000  }
0x26a: {  	_ =	swait.ge [sflag:s9], $0x2000  }
0x26b: {  	[sflag:s9] =	ssyncset.done $0x0  }
0x26c: {  	[sflag:s9] =	ssyncadd.s32 $0xFFFFE000  }
0x26d: {  	_ =	swait.ge [sflag:s9], $0x2000  }
0x26e: {  	[sflag:s9] =	ssyncset.done $0x0  }
0x26f: {  	[sflag:s9] =	ssyncadd.s32 $0xFFFFE000  }
0x270: {  	_ =	swait.ge [sflag:s9], $0x2000  }
0x271: {  	[sflag:s9] =	ssyncset.done $0x0  }
0x272: {  	p1 =	sne.s32 s1, $0x1;
	s19 =	rddreg [dreg:$0xe];
	[sflag:s9] =	ssyncadd.s32 $0xFFFFE000  }
0x273: {  	[hbm4b:s19+s2] =	stream.linear.scatter [tilespmem:s4], [sflag:$0x4], $0xA000, $0x38;
	[tilespmem:$0x15900] =	vst v63  }
.Ltmp2:
0x274: {  	_ =	swait.ge [sflag:s6], $0xA000;
	(pc) =	sbr.rel @p1 .LBB2_4-.Ltmp2, $4  }
0x275: {  	[sflag:s6] =	ssyncset.done $0x0  }
0x276: {  	[sflag:s6] =	ssyncadd.s32 $0xFFFF6000  }
0x277: {  	_ =	swait.ge [sflag:s8], $0xA000  }
0x278: {  	s1 =	sadd.s32 $0xFFFFFFFF, s1;
	s0 =	rddreg [dreg:$0x4];
	[sflag:s8] =	ssyncset.done $0x0  }
0x279: {  	s24 =	simm.s32 $0x1380;
	s30 =	simm.s32 $0x1600  }
0x27a: {  	s29 =	simm.s32 $0x1580;
	s28 =	simm.s32 $0x1500;
	s26 =	simm.s32 $0x1480  }
0x27b: {  	s25 =	simm.s32 $0x1400;
	s23 =	simm.s32 $0x1800;
	s22 =	simm.s32 $0x1780  }
0x27c: {  	s21 =	simm.s32 $0x1700;
	s20 =	simm.s32 $0x1680;
	s19 =	stileid.u32  }
.LBB2_6:
0x27d: {  	[sflag:s8] =	ssyncadd.s32 @p0 $0xFFFF6000  }
0x27e: {  	[tilespmem:s2], [sflag:$0x5] =	stream.linear.gather [hbm4b:s0+s2], $0x1900, $0x38;
	[tilespmem:$0x15900] =	vst v63  }
0x27f: {  	_ =	swait.ge [sflag:s31], $0x1900  }
0x280: {  	[sflag:s31] =	ssyncset.done $0x0  }
0x281: {  	[sflag:s31] =	ssyncadd.s32 $0xFFFFE700  }
0x282: {  	[tilespmem:s5], [sflag:$0x1] =	stream.indirect.gather [hbm4b:s3+s7], $0x40, s2, s7, $0xb8;
	[tilespmem:$0x15900] =	vst v63  }
0x283: {  	_ = 	snop  }
0x284: {  	[tilespmem:s15], [sflag:$0x1] =	stream.indirect.gather [hbm4b:s3+s7], $0x40, s7, s7, $0xb8;
	[tilespmem:$0x15900] =	vst v63  }
0x285: {  	s31 =	rddreg [dreg:$0xf]  }
0x286: {  	[tilespmem:s16], [sflag:$0x1] =	stream.indirect.gather [hbm4b:s3+s7], $0x40, s31, s7, $0xb8;
	[tilespmem:$0x15900] =	vst v63  }
0x287: {  	s1 =	rddreg [dreg:$0x10]  }
0x288: {  	[tilespmem:s17], [sflag:$0x1] =	stream.indirect.gather [hbm4b:s3+s7], $0x40, s1, s7, $0xb8;
	[tilespmem:$0x15900] =	vst v63  }
0x289: {  	s0 =	rddreg [dreg:$0x11]  }
0x28a: {  	[tilespmem:s18], [sflag:$0x1] =	stream.indirect.gather [hbm4b:s3+s7], $0x40, s0, s7, $0xb8;
	[tilespmem:$0x15900] =	vst v63  }
0x28b: {  	s31 =	rddreg [dreg:$0x12]  }
0x28c: {  	[tilespmem:s4], [sflag:$0x2] =	stream.indirect.gather [hbm4b:s3+s7], $0x40, s31, s7, $0xb8;
	[tilespmem:$0x15900] =	vst v63  }
0x28d: {  	s0 =	rddreg [dreg:$0x13]  }
0x28e: {  	[tilespmem:s11], [sflag:$0x2] =	stream.indirect.gather [hbm4b:s3+s7], $0x40, s0, s7, $0xb8;
	[tilespmem:$0x15900] =	vst v63  }
0x28f: {  	s31 =	rddreg [dreg:$0x14]  }
0x290: {  	[tilespmem:s12], [sflag:$0x2] =	stream.indirect.gather [hbm4b:s3+s7], $0x40, s31, s7, $0xb8;
	[tilespmem:$0x15900] =	vst v63  }
0x291: {  	s0 =	rddreg [dreg:$0x15]  }
0x292: {  	[tilespmem:s13], [sflag:$0x2] =	stream.indirect.gather [hbm4b:s3+s7], $0x40, s0, s7, $0xb8;
	[tilespmem:$0x15900] =	vst v63  }
0x293: {  	s31 =	rddreg [dreg:$0x16]  }
0x294: {  	[tilespmem:s14], [sflag:$0x2] =	stream.indirect.gather [hbm4b:s3+s7], $0x40, s31, s7, $0xb8;
	[tilespmem:$0x15900] =	vst v63  }
0x295: {  	_ =	swait.ge [sflag:s10], $0x2000  }
0x296: {  	[sflag:s10] =	ssyncset.done $0x0  }
0x297: {  	[sflag:s10] =	ssyncadd.s32 $0xFFFFE000  }
0x298: {  	_ =	swait.ge [sflag:s10], $0x2000  }
0x299: {  	[sflag:s10] =	ssyncset.done $0x0  }
0x29a: {  	[sflag:s10] =	ssyncadd.s32 $0xFFFFE000  }
0x29b: {  	_ =	swait.ge [sflag:s10], $0x2000  }
0x29c: {  	[sflag:s10] =	ssyncset.done $0x0  }
0x29d: {  	[sflag:s10] =	ssyncadd.s32 $0xFFFFE000  }
0x29e: {  	_ =	swait.ge [sflag:s10], $0x2000  }
0x29f: {  	[sflag:s10] =	ssyncset.done $0x0  }
0x2a0: {  	[sflag:s10] =	ssyncadd.s32 $0xFFFFE000  }
0x2a1: {  	_ =	swait.ge [sflag:s10], $0x2000  }
0x2a2: {  	[sflag:s10] =	ssyncset.done $0x0  }
0x2a3: {  	s1 =	rddreg [dreg:$0x5];
	[sflag:s10] =	ssyncadd.s32 $0xFFFFE000  }
0x2a4: {  	[hbm4b:s1+s2] =	stream.linear.scatter [tilespmem:s5], [sflag:$0x3], $0xA000, $0x38;
	[tilespmem:$0x15900] =	vst v63  }
0x2a5: {  	_ =	swait.ge [sflag:s6], $0xA000  }
0x2a6: {  	[sflag:s6] =	ssyncset.done $0x0  }
0x2a7: {  	s31 =	rddreg [dreg:$0x17];
	[sflag:s6] =	ssyncadd.s32 $0xFFFF6000  }
0x2a8: {  	[tilespmem:s5], [sflag:$0x1] =	stream.indirect.gather [hbm4b:s3+s7], $0x40, s31, s7, $0xb8;
	[tilespmem:$0x15900] =	vst v63  }
0x2a9: {  	s1 =	rddreg [dreg:$0x18]  }
0x2aa: {  	[tilespmem:s15], [sflag:$0x1] =	stream.indirect.gather [hbm4b:s3+s7], $0x40, s1, s7, $0xb8;
	[tilespmem:$0x15900] =	vst v63  }
0x2ab: {  	s31 =	rddreg [dreg:$0x19]  }
0x2ac: {  	[tilespmem:s16], [sflag:$0x1] =	stream.indirect.gather [hbm4b:s3+s7], $0x40, s31, s7, $0xb8;
	[tilespmem:$0x15900] =	vst v63  }
0x2ad: {  	s1 =	rddreg [dreg:$0x1a]  }
0x2ae: {  	[tilespmem:s17], [sflag:$0x1] =	stream.indirect.gather [hbm4b:s3+s7], $0x40, s1, s7, $0xb8;
	[tilespmem:$0x15900] =	vst v63  }
0x2af: {  	s31 =	rddreg [dreg:$0x1b]  }
0x2b0: {  	[tilespmem:s18], [sflag:$0x1] =	stream.indirect.gather [hbm4b:s3+s7], $0x40, s31, s7, $0xb8;
	[tilespmem:$0x15900] =	vst v63  }
0x2b1: {  	_ =	swait.ge [sflag:s9], $0x2000  }
0x2b2: {  	[sflag:s9] =	ssyncset.done $0x0  }
0x2b3: {  	[sflag:s9] =	ssyncadd.s32 $0xFFFFE000  }
0x2b4: {  	_ =	swait.ge [sflag:s9], $0x2000  }
0x2b5: {  	[sflag:s9] =	ssyncset.done $0x0  }
0x2b6: {  	[sflag:s9] =	ssyncadd.s32 $0xFFFFE000  }
0x2b7: {  	_ =	swait.ge [sflag:s9], $0x2000  }
0x2b8: {  	[sflag:s9] =	ssyncset.done $0x0  }
0x2b9: {  	[sflag:s9] =	ssyncadd.s32 $0xFFFFE000  }
0x2ba: {  	_ =	swait.ge [sflag:s9], $0x2000  }
0x2bb: {  	[sflag:s9] =	ssyncset.done $0x0  }
0x2bc: {  	[sflag:s9] =	ssyncadd.s32 $0xFFFFE000  }
0x2bd: {  	_ =	swait.ge [sflag:s9], $0x2000  }
0x2be: {  	[sflag:s9] =	ssyncset.done $0x0  }
0x2bf: {  	s1 =	rddreg [dreg:$0x6];
	[sflag:s9] =	ssyncadd.s32 $0xFFFFE000  }
0x2c0: {  	[hbm4b:s1+s2] =	stream.linear.scatter [tilespmem:s4], [sflag:$0x4], $0xA000, $0x38;
	[tilespmem:$0x15900] =	vst v63  }
0x2c1: {  	_ =	swait.ge [sflag:s8], $0xA000  }
0x2c2: {  	s31 =	rddreg [dreg:$0x1c];
	[sflag:s8] =	ssyncset.done $0x0  }
0x2c3: {  	s1 =	rddreg [dreg:$0x1d];
	[sflag:s8] =	ssyncadd.s32 $0xFFFF6000  }
0x2c4: {  	[tilespmem:s4], [sflag:$0x2] =	stream.indirect.gather [hbm4b:s3+s7], $0x40, s31, s7, $0xb8;
	[tilespmem:$0x15900] =	vst v63  }
0x2c5: {  	s31 =	rddreg [dreg:$0x1e]  }
0x2c6: {  	[tilespmem:s11], [sflag:$0x2] =	stream.indirect.gather [hbm4b:s3+s7], $0x40, s1, s7, $0xb8;
	[tilespmem:$0x15900] =	vst v63  }
0x2c7: {  	s1 =	rddreg [dreg:$0x1f]  }
0x2c8: {  	[tilespmem:s12], [sflag:$0x2] =	stream.indirect.gather [hbm4b:s3+s7], $0x40, s31, s7, $0xb8;
	[tilespmem:$0x15900] =	vst v63  }
0x2c9: {  	s31 =	sld [smem:$0x7EA]  }
0x2ca: {  	[tilespmem:s13], [sflag:$0x2] =	stream.indirect.gather [hbm4b:s3+s7], $0x40, s1, s7, $0xb8;
	[tilespmem:$0x15900] =	vst v63  }
0x2cb: {  	_ = 	snop  }
0x2cc: {  	[tilespmem:s14], [sflag:$0x2] =	stream.indirect.gather [hbm4b:s3+s7], $0x40, s31, s7, $0xb8;
	[tilespmem:$0x15900] =	vst v63  }
0x2cd: {  	_ =	swait.ge [sflag:s10], $0x2000  }
0x2ce: {  	[sflag:s10] =	ssyncset.done $0x0  }
0x2cf: {  	[sflag:s10] =	ssyncadd.s32 $0xFFFFE000  }
0x2d0: {  	_ =	swait.ge [sflag:s10], $0x2000  }
0x2d1: {  	[sflag:s10] =	ssyncset.done $0x0  }
0x2d2: {  	[sflag:s10] =	ssyncadd.s32 $0xFFFFE000  }
0x2d3: {  	_ =	swait.ge [sflag:s10], $0x2000  }
0x2d4: {  	[sflag:s10] =	ssyncset.done $0x0  }
0x2d5: {  	[sflag:s10] =	ssyncadd.s32 $0xFFFFE000  }
0x2d6: {  	_ =	swait.ge [sflag:s10], $0x2000  }
0x2d7: {  	[sflag:s10] =	ssyncset.done $0x0  }
0x2d8: {  	[sflag:s10] =	ssyncadd.s32 $0xFFFFE000  }
0x2d9: {  	_ =	swait.ge [sflag:s10], $0x2000  }
0x2da: {  	[sflag:s10] =	ssyncset.done $0x0  }
0x2db: {  	s1 =	rddreg [dreg:$0x7];
	[sflag:s10] =	ssyncadd.s32 $0xFFFFE000  }
0x2dc: {  	[hbm4b:s1+s2] =	stream.linear.scatter [tilespmem:s5], [sflag:$0x3], $0xA000, $0x38;
	[tilespmem:$0x15900] =	vst v63  }
0x2dd: {  	_ =	swait.ge [sflag:s6], $0xA000  }
0x2de: {  	s31 =	sld [smem:$0x7EB]  }
0x2df: {  	[sflag:s6] =	ssyncset.done $0x0  }
0x2e0: {  	s1 =	sld [smem:$0x7EC];
	[sflag:s6] =	ssyncadd.s32 $0xFFFF6000  }
0x2e1: {  	[tilespmem:s5], [sflag:$0x1] =	stream.indirect.gather [hbm4b:s3+s7], $0x40, s31, s7, $0xb8;
	[tilespmem:$0x15900] =	vst v63  }
0x2e2: {  	s31 =	sld [smem:$0x7ED]  }
0x2e3: {  	[tilespmem:s15], [sflag:$0x1] =	stream.indirect.gather [hbm4b:s3+s7], $0x40, s1, s7, $0xb8;
	[tilespmem:$0x15900] =	vst v63  }
0x2e4: {  	s1 =	sld [smem:$0x7EE]  }
0x2e5: {  	[tilespmem:s16], [sflag:$0x1] =	stream.indirect.gather [hbm4b:s3+s7], $0x40, s31, s7, $0xb8;
	[tilespmem:$0x15900] =	vst v63  }
0x2e6: {  	s31 =	sld [smem:$0x7EF]  }
0x2e7: {  	[tilespmem:s17], [sflag:$0x1] =	stream.indirect.gather [hbm4b:s3+s7], $0x40, s1, s7, $0xb8;
	[tilespmem:$0x15900] =	vst v63  }
0x2e8: {  	_ = 	snop  }
0x2e9: {  	[tilespmem:s18], [sflag:$0x1] =	stream.indirect.gather [hbm4b:s3+s7], $0x40, s31, s7, $0xb8;
	[tilespmem:$0x15900] =	vst v63  }
0x2ea: {  	_ =	swait.ge [sflag:s9], $0x2000  }
0x2eb: {  	[sflag:s9] =	ssyncset.done $0x0  }
0x2ec: {  	[sflag:s9] =	ssyncadd.s32 $0xFFFFE000  }
0x2ed: {  	_ =	swait.ge [sflag:s9], $0x2000  }
0x2ee: {  	[sflag:s9] =	ssyncset.done $0x0  }
0x2ef: {  	[sflag:s9] =	ssyncadd.s32 $0xFFFFE000  }
0x2f0: {  	_ =	swait.ge [sflag:s9], $0x2000  }
0x2f1: {  	[sflag:s9] =	ssyncset.done $0x0  }
0x2f2: {  	[sflag:s9] =	ssyncadd.s32 $0xFFFFE000  }
0x2f3: {  	_ =	swait.ge [sflag:s9], $0x2000  }
0x2f4: {  	[sflag:s9] =	ssyncset.done $0x0  }
0x2f5: {  	[sflag:s9] =	ssyncadd.s32 $0xFFFFE000  }
0x2f6: {  	_ =	swait.ge [sflag:s9], $0x2000  }
0x2f7: {  	[sflag:s9] =	ssyncset.done $0x0  }
0x2f8: {  	s1 =	rddreg [dreg:$0x8];
	[sflag:s9] =	ssyncadd.s32 $0xFFFFE000  }
0x2f9: {  	[hbm4b:s1+s2] =	stream.linear.scatter [tilespmem:s4], [sflag:$0x4], $0xA000, $0x38;
	[tilespmem:$0x15900] =	vst v63  }
0x2fa: {  	_ =	swait.ge [sflag:s8], $0xA000  }
0x2fb: {  	s31 =	sld [smem:$0x7F0]  }
0x2fc: {  	[sflag:s8] =	ssyncset.done $0x0  }
0x2fd: {  	s1 =	sld [smem:$0x7F1];
	[sflag:s8] =	ssyncadd.s32 $0xFFFF6000  }
0x2fe: {  	[tilespmem:s4], [sflag:$0x2] =	stream.indirect.gather [hbm4b:s3+s7], $0x40, s31, s7, $0xb8;
	[tilespmem:$0x15900] =	vst v63  }
0x2ff: {  	s31 =	sld [smem:$0x7F2]  }
0x300: {  	[tilespmem:s11], [sflag:$0x2] =	stream.indirect.gather [hbm4b:s3+s7], $0x40, s1, s7, $0xb8;
	[tilespmem:$0x15900] =	vst v63  }
0x301: {  	s1 =	sld [smem:$0x7F3]  }
0x302: {  	[tilespmem:s12], [sflag:$0x2] =	stream.indirect.gather [hbm4b:s3+s7], $0x40, s31, s7, $0xb8;
	[tilespmem:$0x15900] =	vst v63  }
0x303: {  	s31 =	sld [smem:$0x7F4]  }
0x304: {  	[tilespmem:s13], [sflag:$0x2] =	stream.indirect.gather [hbm4b:s3+s7], $0x40, s1, s7, $0xb8;
	[tilespmem:$0x15900] =	vst v63  }
0x305: {  	_ = 	snop  }
0x306: {  	[tilespmem:s14], [sflag:$0x2] =	stream.indirect.gather [hbm4b:s3+s7], $0x40, s31, s7, $0xb8;
	[tilespmem:$0x15900] =	vst v63  }
0x307: {  	_ =	swait.ge [sflag:s10], $0x2000  }
0x308: {  	[sflag:s10] =	ssyncset.done $0x0  }
0x309: {  	[sflag:s10] =	ssyncadd.s32 $0xFFFFE000  }
0x30a: {  	_ =	swait.ge [sflag:s10], $0x2000  }
0x30b: {  	[sflag:s10] =	ssyncset.done $0x0  }
0x30c: {  	[sflag:s10] =	ssyncadd.s32 $0xFFFFE000  }
0x30d: {  	_ =	swait.ge [sflag:s10], $0x2000  }
0x30e: {  	[sflag:s10] =	ssyncset.done $0x0  }
0x30f: {  	[sflag:s10] =	ssyncadd.s32 $0xFFFFE000  }
0x310: {  	_ =	swait.ge [sflag:s10], $0x2000  }
0x311: {  	[sflag:s10] =	ssyncset.done $0x0  }
0x312: {  	[sflag:s10] =	ssyncadd.s32 $0xFFFFE000  }
0x313: {  	_ =	swait.ge [sflag:s10], $0x2000  }
0x314: {  	[sflag:s10] =	ssyncset.done $0x0  }
0x315: {  	s1 =	rddreg [dreg:$0x9];
	[sflag:s10] =	ssyncadd.s32 $0xFFFFE000  }
0x316: {  	[hbm4b:s1+s2] =	stream.linear.scatter [tilespmem:s5], [sflag:$0x3], $0xA000, $0x38;
	[tilespmem:$0x15900] =	vst v63  }
0x317: {  	_ =	swait.ge [sflag:s6], $0xA000  }
0x318: {  	s31 =	sld [smem:$0x7F5]  }
0x319: {  	[sflag:s6] =	ssyncset.done $0x0  }
0x31a: {  	s1 =	sld [smem:$0x7F6];
	[sflag:s6] =	ssyncadd.s32 $0xFFFF6000  }
0x31b: {  	[tilespmem:s5], [sflag:$0x1] =	stream.indirect.gather [hbm4b:s3+s7], $0x40, s31, s7, $0xb8;
	[tilespmem:$0x15900] =	vst v63  }
0x31c: {  	s31 =	sld [smem:$0x7F7]  }
0x31d: {  	[tilespmem:s15], [sflag:$0x1] =	stream.indirect.gather [hbm4b:s3+s7], $0x40, s1, s7, $0xb8;
	[tilespmem:$0x15900] =	vst v63  }
0x31e: {  	s1 =	sld [smem:$0x7F8]  }
0x31f: {  	[tilespmem:s16], [sflag:$0x1] =	stream.indirect.gather [hbm4b:s3+s7], $0x40, s31, s7, $0xb8;
	[tilespmem:$0x15900] =	vst v63  }
0x320: {  	s31 =	sld [smem:$0x7F9]  }
0x321: {  	[tilespmem:s17], [sflag:$0x1] =	stream.indirect.gather [hbm4b:s3+s7], $0x40, s1, s7, $0xb8;
	[tilespmem:$0x15900] =	vst v63  }
0x322: {  	_ = 	snop  }
0x323: {  	[tilespmem:s18], [sflag:$0x1] =	stream.indirect.gather [hbm4b:s3+s7], $0x40, s31, s7, $0xb8;
	[tilespmem:$0x15900] =	vst v63  }
0x324: {  	_ =	swait.ge [sflag:s9], $0x2000  }
0x325: {  	[sflag:s9] =	ssyncset.done $0x0  }
0x326: {  	[sflag:s9] =	ssyncadd.s32 $0xFFFFE000  }
0x327: {  	_ =	swait.ge [sflag:s9], $0x2000  }
0x328: {  	[sflag:s9] =	ssyncset.done $0x0  }
0x329: {  	[sflag:s9] =	ssyncadd.s32 $0xFFFFE000  }
0x32a: {  	_ =	swait.ge [sflag:s9], $0x2000  }
0x32b: {  	[sflag:s9] =	ssyncset.done $0x0  }
0x32c: {  	[sflag:s9] =	ssyncadd.s32 $0xFFFFE000  }
0x32d: {  	_ =	swait.ge [sflag:s9], $0x2000  }
0x32e: {  	[sflag:s9] =	ssyncset.done $0x0  }
0x32f: {  	[sflag:s9] =	ssyncadd.s32 $0xFFFFE000  }
0x330: {  	_ =	swait.ge [sflag:s9], $0x2000  }
0x331: {  	[sflag:s9] =	ssyncset.done $0x0  }
0x332: {  	s31 =	rddreg [dreg:$0xa];
	[sflag:s9] =	ssyncadd.s32 $0xFFFFE000  }
0x333: {  	[hbm4b:s31+s2] =	stream.linear.scatter [tilespmem:s4], [sflag:$0x4], $0xA000, $0x38;
	[tilespmem:$0x15900] =	vst v63  }
0x334: {  	_ =	swait.ge [sflag:s8], $0xA000  }
0x335: {  	s1 =	sld [smem:$0x7FA]  }
0x336: {  	[sflag:s8] =	ssyncset.done $0x0  }
0x337: {  	s31 =	sld [smem:$0x7FB];
	[sflag:s8] =	ssyncadd.s32 $0xFFFF6000  }
0x338: {  	[tilespmem:s4], [sflag:$0x2] =	stream.indirect.gather [hbm4b:s3+s7], $0x40, s1, s7, $0xb8;
	[tilespmem:$0x15900] =	vst v63  }
0x339: {  	s0 =	sld [smem:$0x7FC]  }
0x33a: {  	[tilespmem:s11], [sflag:$0x2] =	stream.indirect.gather [hbm4b:s3+s7], $0x40, s31, s7, $0xb8;
	[tilespmem:$0x15900] =	vst v63  }
0x33b: {  	s31 =	sld [smem:$0x7FD]  }
0x33c: {  	[tilespmem:s12], [sflag:$0x2] =	stream.indirect.gather [hbm4b:s3+s7], $0x40, s0, s7, $0xb8;
	[tilespmem:$0x15900] =	vst v63  }
0x33d: {  	_ = 	snop  }
0x33e: {  	[tilespmem:s13], [sflag:$0x2] =	stream.indirect.gather [hbm4b:s3+s7], $0x40, s31, s7, $0xb8;
	[tilespmem:$0x15900] =	vst v63  }
0x33f: {  	_ = 	snop  }
0x340: {  	[tilespmem:s14], [sflag:$0x2] =	stream.indirect.gather [hbm4b:s3+s7], $0x40, s24, s7, $0xb8;
	[tilespmem:$0x15900] =	vst v63  }
0x341: {  	_ =	swait.ge [sflag:s10], $0x2000  }
0x342: {  	[sflag:s10] =	ssyncset.done $0x0  }
0x343: {  	[sflag:s10] =	ssyncadd.s32 $0xFFFFE000  }
0x344: {  	_ =	swait.ge [sflag:s10], $0x2000  }
0x345: {  	[sflag:s10] =	ssyncset.done $0x0  }
0x346: {  	[sflag:s10] =	ssyncadd.s32 $0xFFFFE000  }
0x347: {  	_ =	swait.ge [sflag:s10], $0x2000  }
0x348: {  	[sflag:s10] =	ssyncset.done $0x0  }
0x349: {  	[sflag:s10] =	ssyncadd.s32 $0xFFFFE000  }
0x34a: {  	_ =	swait.ge [sflag:s10], $0x2000  }
0x34b: {  	[sflag:s10] =	ssyncset.done $0x0  }
0x34c: {  	[sflag:s10] =	ssyncadd.s32 $0xFFFFE000  }
0x34d: {  	_ =	swait.ge [sflag:s10], $0x2000  }
0x34e: {  	[sflag:s10] =	ssyncset.done $0x0  }
0x34f: {  	s24 =	rddreg [dreg:$0xb];
	[sflag:s10] =	ssyncadd.s32 $0xFFFFE000  }
0x350: {  	[hbm4b:s24+s2] =	stream.linear.scatter [tilespmem:s5], [sflag:$0x3], $0xA000, $0x38;
	[tilespmem:$0x15900] =	vst v63  }
0x351: {  	_ =	swait.ge [sflag:s6], $0xA000  }
0x352: {  	[sflag:s6] =	ssyncset.done $0x0  }
0x353: {  	[sflag:s6] =	ssyncadd.s32 $0xFFFF6000  }
0x354: {  	[tilespmem:s5], [sflag:$0x1] =	stream.indirect.gather [hbm4b:s3+s7], $0x40, s25, s7, $0xb8;
	[tilespmem:$0x15900] =	vst v63  }
0x355: {  	_ = 	snop  }
0x356: {  	[tilespmem:s15], [sflag:$0x1] =	stream.indirect.gather [hbm4b:s3+s7], $0x40, s26, s7, $0xb8;
	[tilespmem:$0x15900] =	vst v63  }
0x357: {  	_ = 	snop  }
0x358: {  	[tilespmem:s16], [sflag:$0x1] =	stream.indirect.gather [hbm4b:s3+s7], $0x40, s28, s7, $0xb8;
	[tilespmem:$0x15900] =	vst v63  }
0x359: {  	_ = 	snop  }
0x35a: {  	[tilespmem:s17], [sflag:$0x1] =	stream.indirect.gather [hbm4b:s3+s7], $0x40, s29, s7, $0xb8;
	[tilespmem:$0x15900] =	vst v63  }
0x35b: {  	_ = 	snop  }
0x35c: {  	[tilespmem:s18], [sflag:$0x1] =	stream.indirect.gather [hbm4b:s3+s7], $0x40, s30, s7, $0xb8;
	[tilespmem:$0x15900] =	vst v63  }
0x35d: {  	_ =	swait.ge [sflag:s9], $0x2000  }
0x35e: {  	[sflag:s9] =	ssyncset.done $0x0  }
0x35f: {  	[sflag:s9] =	ssyncadd.s32 $0xFFFFE000  }
0x360: {  	_ =	swait.ge [sflag:s9], $0x2000  }
0x361: {  	[sflag:s9] =	ssyncset.done $0x0  }
0x362: {  	[sflag:s9] =	ssyncadd.s32 $0xFFFFE000  }
0x363: {  	_ =	swait.ge [sflag:s9], $0x2000  }
0x364: {  	[sflag:s9] =	ssyncset.done $0x0  }
0x365: {  	[sflag:s9] =	ssyncadd.s32 $0xFFFFE000  }
0x366: {  	_ =	swait.ge [sflag:s9], $0x2000  }
0x367: {  	[sflag:s9] =	ssyncset.done $0x0  }
0x368: {  	[sflag:s9] =	ssyncadd.s32 $0xFFFFE000  }
0x369: {  	_ =	swait.ge [sflag:s9], $0x2000  }
0x36a: {  	[sflag:s9] =	ssyncset.done $0x0  }
0x36b: {  	s28 =	rddreg [dreg:$0xc];
	[sflag:s9] =	ssyncadd.s32 $0xFFFFE000  }
0x36c: {  	[hbm4b:s28+s2] =	stream.linear.scatter [tilespmem:s4], [sflag:$0x4], $0xA000, $0x38;
	[tilespmem:$0x15900] =	vst v63  }
0x36d: {  	_ =	swait.ge [sflag:s8], $0xA000  }
0x36e: {  	[sflag:s8] =	ssyncset.done $0x0  }
0x36f: {  	[sflag:s8] =	ssyncadd.s32 $0xFFFF6000  }
0x370: {  	[tilespmem:s4], [sflag:$0x2] =	stream.indirect.gather [hbm4b:s3+s7], $0x40, s20, s7, $0xb8;
	[tilespmem:$0x15900] =	vst v63  }
0x371: {  	_ = 	snop  }
0x372: {  	[tilespmem:s11], [sflag:$0x2] =	stream.indirect.gather [hbm4b:s3+s7], $0x40, s21, s7, $0xb8;
	[tilespmem:$0x15900] =	vst v63  }
0x373: {  	_ = 	snop  }
0x374: {  	[tilespmem:s12], [sflag:$0x2] =	stream.indirect.gather [hbm4b:s3+s7], $0x40, s22, s7, $0xb8;
	[tilespmem:$0x15900] =	vst v63  }
0x375: {  	_ = 	snop  }
0x376: {  	[tilespmem:s13], [sflag:$0x2] =	stream.indirect.gather [hbm4b:s3+s7], $0x40, s23, s7, $0xb8;
	[tilespmem:$0x15900] =	vst v63  }
0x377: {  	s29 =	simm.s32 $0x1880  }
0x378: {  	[tilespmem:s14], [sflag:$0x2] =	stream.indirect.gather [hbm4b:s3+s7], $0x40, s29, s7, $0xb8;
	[tilespmem:$0x15900] =	vst v63  }
0x379: {  	_ =	swait.ge [sflag:s10], $0x2000  }
0x37a: {  	[sflag:s10] =	ssyncset.done $0x0  }
0x37b: {  	[sflag:s10] =	ssyncadd.s32 $0xFFFFE000  }
0x37c: {  	_ =	swait.ge [sflag:s10], $0x2000  }
0x37d: {  	[sflag:s10] =	ssyncset.done $0x0  }
0x37e: {  	[sflag:s10] =	ssyncadd.s32 $0xFFFFE000  }
0x37f: {  	_ =	swait.ge [sflag:s10], $0x2000  }
0x380: {  	[sflag:s10] =	ssyncset.done $0x0  }
0x381: {  	[sflag:s10] =	ssyncadd.s32 $0xFFFFE000  }
0x382: {  	_ =	swait.ge [sflag:s10], $0x2000  }
0x383: {  	[sflag:s10] =	ssyncset.done $0x0  }
0x384: {  	[sflag:s10] =	ssyncadd.s32 $0xFFFFE000  }
0x385: {  	_ =	swait.ge [sflag:s10], $0x2000  }
0x386: {  	[sflag:s10] =	ssyncset.done $0x0  }
0x387: {  	s30 =	rddreg [dreg:$0xd];
	[sflag:s10] =	ssyncadd.s32 $0xFFFFE000  }
0x388: {  	[hbm4b:s30+s2] =	stream.linear.scatter [tilespmem:s5], [sflag:$0x3], $0xA000, $0x38;
	[tilespmem:$0x15900] =	vst v63  }
0x389: {  	_ =	swait.ge [sflag:s9], $0x2000  }
0x38a: {  	[sflag:s9] =	ssyncset.done $0x0  }
0x38b: {  	[sflag:s9] =	ssyncadd.s32 $0xFFFFE000  }
0x38c: {  	_ =	swait.ge [sflag:s9], $0x2000  }
0x38d: {  	[sflag:s9] =	ssyncset.done $0x0  }
0x38e: {  	[sflag:s9] =	ssyncadd.s32 $0xFFFFE000  }
0x38f: {  	_ =	swait.ge [sflag:s9], $0x2000  }
0x390: {  	[sflag:s9] =	ssyncset.done $0x0  }
0x391: {  	[sflag:s9] =	ssyncadd.s32 $0xFFFFE000  }
0x392: {  	_ =	swait.ge [sflag:s9], $0x2000  }
0x393: {  	[sflag:s9] =	ssyncset.done $0x0  }
0x394: {  	[sflag:s9] =	ssyncadd.s32 $0xFFFFE000  }
0x395: {  	_ =	swait.ge [sflag:s9], $0x2000  }
0x396: {  	[sflag:s9] =	ssyncset.done $0x0  }
0x397: {  	s31 =	rddreg [dreg:$0xe];
	[sflag:s9] =	ssyncadd.s32 $0xFFFFE000  }
0x398: {  	[hbm4b:s31+s2] =	stream.linear.scatter [tilespmem:s4], [sflag:$0x4], $0xA000, $0x38;
	[tilespmem:$0x15900] =	vst v63  }
0x399: {  	_ =	swait.ge [sflag:s6], $0xA000  }
0x39a: {  	[sflag:s6] =	ssyncset.done $0x0  }
0x39b: {  	[sflag:s6] =	ssyncadd.s32 $0xFFFF6000  }
0x39c: {  	_ =	swait.ge [sflag:s8], $0xA000  }
0x39d: {  	[sflag:s8] =	ssyncset.done $0x0  }
0x39e: {  	[sflag:s8] =	ssyncadd.s32 $0xFFFF6000  }
0x39f: {  	_ =	sfence.sel $0x180000  }
0x3a0: {  	[bflag:$0x0] =	sbarrier.arrive $0xFFFF  }
0x3a1: {  	_ =	strace $0x90000047  }
0x3a2: {  	[bflag:$0x2] =	sbarrier.arrive $0xFFFF  }
0x3a3: {  	p0 =	sne.s32 s19, $0x0;
	s0 =	rddreg [dreg:$0x3]  }
0x3a4: {  	s0 =	sadd.s32 @!p0 $0x100000, s0  }
0x3a5: {  	[sflag:s0] =	ssyncadd.tile.s32 @!p0 $0x1;
	_ =	shalt  }
.LBB2_1:
.Ltmp3:
0x3a6: {  	(pc) =	sbr.rel .LBB2_6-.Ltmp3, $4  }
0x3a7: {  	s24 =	simm.s32 $0x1380  }
0x3a8: {  	s30 =	simm.s32 $0x1600;
	s29 =	simm.s32 $0x1580;
	s28 =	simm.s32 $0x1500  }
0x3a9: {  	s26 =	simm.s32 $0x1480;
	s25 =	simm.s32 $0x1400;
	s23 =	simm.s32 $0x1800  }
0x3aa: {  	s22 =	simm.s32 $0x1780;
	s21 =	simm.s32 $0x1700;
	s20 =	simm.s32 $0x1680  }
.LBB2_3:
.Ltmp4:
0x3ab: {  	(pc) =	sbr.rel .LBB2_6-.Ltmp4, $4  }
0x3ac: {  	s24 =	simm.s32 $0x1380;
	s30 =	simm.s32 $0x1600  }
0x3ad: {  	s29 =	simm.s32 $0x1580;
	s28 =	simm.s32 $0x1500;
	s26 =	simm.s32 $0x1480  }
0x3ae: {  	s25 =	simm.s32 $0x1400;
	s23 =	simm.s32 $0x1800;
	s22 =	simm.s32 $0x1780  }
0x3af: {  	s21 =	simm.s32 $0x1700;
	s20 =	simm.s32 $0x1680;
	s19 =	stileid.u32  }
.Lfunc_end2:
_tile_overlayer_lowered:
.L_overlay_start_2:
0x3b0: {  	(tag) =	ssettag $0x2  }
0x3b1: {  	s0 =	rddreg [dreg:$0x0];
	s2 =	stileid.u32  }
0x3b2: {  	s1 =	rddreg [dreg:$0x1];
	p0 =	sne.s32 s2, $0x0  }
0x3b3: {  	s3 =	rddreg [dreg:$0x2];
	[bflag:$0x3] =	sbarrier.arrive $0xFFFF;
	s2 =	simm.s32 @!p0 $0x1C05  }
0x3b4: {  	[timem:s3], [sflag:s2] =	dma.local @!p0 [hbm:s0], s1  }
0x3b5: {  	s0 =	simm.s32 @!p0 $0x5  }
0x3b6: {  	_ =	swait.ge @!p0 [sflag:s0], s1  }
0x3b7: {  	s1 =	ssub.s32 @!p0 $0x0, s1;
	[sflag:s0] =	ssyncset.done @!p0 $0x0  }
0x3b8: {  	[sflag:s0] =	ssyncadd.s32 @!p0 s1  }
0x3b9: {  	[bflag:$0x3] =	sbarrier.arrive $0xFFFF  }
0x3ba: {  	_ =	shalt  }

// kernel: sparse-core-data-format-call.cloned.1.call-start
scs
called_computation_lowered:
.L_overlay_start_0:
0x0: {  	s2 =	sld [smem:$0x3FD9]  }
0x1: {  	s3 =	sld [smem:$0x3FFE];
	_ =	sdelay $0x1  }
0x2: {  	s1 =	srdreg.scid  }
0x3: {  	s0 =	sand.u32 $0x1, s1  }
0x4: {  	s18 =	sshll.u32 s0, $0xA;
	s2 =	sadd.s32 s3, s2  }
0x5: {  	s2 =	sadd.s32 s2, s18  }
0x6: {  	[smem:$0x3FC6] =	sst s2  }
0x7: {  	_ = 	snop  }
0x8: {  	s2 =	sld [smem:$0x3FD0];
	(tm) =	ssettm $0x1  }
0x9: {  	s19 =	sld [smem:$0x3FFB];
	_ =	sdelay $0x3  }
0xa: {  	_ =	strace s19  }
0xb: {  	s3 =	sld [smem:$0x3FFC];
	_ =	sdelay $0x3  }
0xc: {  	_ =	strace s3  }
0xd: {  	s3 =	sld [smem:$0x3FFD];
	_ =	sdelay $0x3  }
0xe: {  	_ =	strace s3  }
0xf: {  	_ =	strace $0x8FFFFFFF  }
0x10: {  	s20 =	sld [smem:$0x3FDB];
	_ =	sdelay $0x1  }
0x11: {  	s4 =	simm.s32 $_scs_section_size  }
0x12: {  	s5 =	simm.s32 $_size__tile_overlayer_lowered;
	s6 =	simm.s32 $_tile_overlayer_lowered  }
0x13: {  	s23 =	simm.s32 $0x1BFF;
	s22 =	sshll.u32 s6, $0x1;
	s3 =	sadd.s32 s4, s20  }
0x14: {  	s7 =	simm.s32 $0x0;
	s21 =	sshll.u32 s5, $0x1;
	s5 =	sadd.s32 s22, s3  }
0x15: {  	[timem:s7], [sflag:s23] =	dma.local [hbm:s5], s21  }
0x16: {  	_ =	swait.ge [sflag:s23], s21  }
0x17: {  	s4 =	ssub.s32 $0x0, s21;
	[sflag:s23] =	ssyncset.done $0x0  }
0x18: {  	[sflag:s23] =	ssyncadd.s32 s4;
	_ =	sdelay $0x1  }
0x19: {  	s24 =	simm.s32 $0x1B8B  }
0x1a: {  	_ =	swait.ge [sflag:s24], $0x1  }
0x1b: {  	[sflag:s24] =	ssyncset.done $0x0  }
0x1c: {  	s26 =	simm.s32 $0x1B8E;
	s25 =	sld [smem:$0x3FFE];
	[sflag:s24] =	ssyncadd.s32 $0xFFFFFFFF  }
0x1d: {  	s27 =	simm.s32 $execute0_lowered;
	[smem:$0x3FD2] =	sst s26  }
0x1e: {  	s5 =	sshll.u32 s27, $0x1;
	_ =	strace $0x80000049;
	[dreg:$0x1] =	wrdreg $0xFFFFFFFF  }
0x1f: {  	s28 =	simm.s32 $_size_execute0_lowered;
	s3 =	sadd.s32 s3, s5;
	[dreg:$0x0] =	wrdreg $0x0  }
0x20: {  	s5 =	sshll.u32 s28, $0x1;
	[dreg:$0x2] =	wrdreg s3  }
0x21: {  	[dreg:$0x3] =	wrdreg s5  }
0x22: {  	[dreg:$0x4] =	wrdreg $0xC0  }
0x23: {  	_ =	task [dreg:s7], $0x5FFFF  }
0x24: {  	[dreg:$0x1] =	wrdreg $0xFFFFFFFF  }
0x25: {  	[dreg:$0x0] =	wrdreg $0x60  }
0x26: {  	[dreg:$0x2] =	wrdreg s25  }
0x27: {  	[dreg:$0x3] =	wrdreg s2  }
0x28: {  	[dreg:$0x4] =	wrdreg $0x9  }
0x29: {  	_ =	task.clear_ibuf [dreg:s7], $0x5FFFF;
	_ =	strace $0x90000049  }
0x2a: {  	s29 =	simm.s32 $0x9;
	_ =	strace $0x8000004B  }
0x2b: {  	_ =	swait.ge [sflag:s29], $0x1  }
0x2c: {  	[sflag:s29] =	ssyncadd.s32 $0xFFFFFFFF  }
0x2d: {  	_ =	strace $0x9000004B  }
0x2e: {  	_ =	sfence  }
0x2f: {  	s30 =	sld [smem:$0x0];
	_ =	sdelay $0x2  }
0x30: {  	s31 =	sshll.u32 s1, $0xD;
	s1 =	sshrl.u32 s1, $0x2  }
0x31: {  	s3 =	sand.u32 $0x4000, s31;
	s1 =	sadd.s32 s1, s30  }
0x32: {  	s0 =	sor.u32 s3, s0;
	s1 =	sshll.u32 s1, $0x11  }
0x33: {  	s0 =	sor.u32 s1, s0  }
0x34: {  	s0 =	sadd.s32 $0x8F2B, s0  }
0x35: {  	[sflag:s0] =	ssyncadd.remote.s32 $0x1  }
0x36: {  	_ =	sfence.sel $0xFFFF  }
0x37: {  	[dreg:$0x0] =	wrdreg $0xFFFFFFFF;
	(pc) =	sbr.abs _section_cstart, $3  }
0x38: {  	[dreg:$0x1] =	wrdreg $0xFFFFFFFF  }
0x39: {  	_ =	task.clear_ibuf [dreg:s7], $0x2FFFF;
	_ =	strace $0x9FFFFFFF  }
0x3a: {  	(tm) =	ssettm $0x7FFFFFFF  }
0x3b: {  	_ =	shalt  }
tec
execute0_lowered:
.L_overlay_start_1:
0x0: {  	(tag) =	ssettag $0x1  }
0x1: {  	s0 =	srdreg.scid  }
0x2: {  	s1 =	sshll.u32 s0, $0x4  }
0x3: {  	s4 =	rddreg [dreg:$0x0];
	s0 =	stileid.u32;
	s1 =	sand.u32 $0x10, s1  }
0x4: {  	s2 =	rddreg [dreg:$0x1];
	s7 =	simm.s32 $0x1;
	s1 =	sor.u32 s0, s1  }
0x5: {  	s8 =	simm.s32 $0x2;
	s11 =	simm.s32 $0x0;
	s3 =	sshll.u32 s1, $0x7  }
0x6: {  	s10 =	simm.s32 $0x0;
	s4 =	sadd.s32 $0x800, s4;
	s6 =	ssub.s32 $0x32000, s3  }
.Ltmp0:
0x7: {  	s1 =	rddreg [dreg:$0x2];
	s5 =	sand.u32 $0xF80, s6;
	(pc) =	sbr.rel .LBB1_1-.Ltmp0, $4  }
0x8: {  	_ =	strace $0x8000004A;
	s9 =	smov.u32 s3;
	p0 =	sne.s32 s5, $0x0  }
0x9: {  	s6 =	sshrl.u32 s6, $0xC;
	s5 =	simm.s32 $0x1;
	s7 =	simm.s32 @!p0 $0x0  }
0xa: {  	[sflag:s5] =	ssyncpa.u1 $0x0;
	p0 =	por $0x0, $0x0;
	s6 =	sadd.s32 s7, s6  }
0xb: {  	[sflag:s8] =	ssyncpa.u1 $0x0;
	s8 =	simm.s32 $0x190000;
	s7 =	sadd.s32 $0x1, s6  }
.LBB1_4:
0xc: {  	s14 =	sshll.u32 s11, $0x3  }
0xd: {  	s30 =	sand.u32 $0x7F, s11;
	s15 =	sand.u32 $0xFFFFFC00, s14  }
0xe: {  	s11 =	sor.u32 s30, s15  }
0xf: {  	s15 =	smulhi.u32 $0x51EB851F, s11  }
0x10: {  	s14 =	smulhi.u32 $0x51EB851F, s14  }
0x11: {  	s15 =	sshrl.u32 s15, $0x10  }
0x12: {  	s14 =	sshrl.u32 s14, $0x10;
	s15 =	smul.u32 $0x32000, s15  }
0x13: {  	s14 =	sand.u32 $0x3F, s14  }
0x14: {  	s14 =	smul.u32 $0x6400, s14;
	s11 =	ssub.s32 s11, s15  }
0x15: {  	[tilespmem:s13+$0x810 ss:$0x81] =	vst.msk $0xffff, v2;
	s15 =	sand.u32 $0x7, s11  }
0x16: {  	[tilespmem:s13+$0x1020 ss:$0x81] =	vst.msk $0xffff, v0;
	s14 =	sadd.s32 s2, s14;
	s11 =	sshrl.u32 s11, $0x3;
	s15 =	sshll.u32 s15, $0x12  }
0x17: {  	[tilespmem:s13+$0x0 ss:$0x81] =	vst.msk $0xffff, v1;
	s11 =	sadd.s32 s11, s14;
	s31 =	sor.u32 $0x400, s15  }
0x18: {  	[hbm4b:s11+s31] =	stream.strided.scatter [tilespmem:s12], [sflag:$0x2], $0x2000, s8, s31, $0x20;
	[tilespmem:$0x8080] =	vst v63  }
.LBB1_5:
0x19: {  	s13 =	sadd.s32 $0x1000, s9  }
0x1a: {  	p2 =	sgt.s32 s13, $0x31FFF  }
0x1b: {  	s13 =	smov.u32 @p2 s3;
	p2 =	sne.s32 s10, s7  }
.Ltmp1:
0x1c: {  	p1 =	slt.u32 s10, $0x2;
	(pc) =	sbr.rel @!p2 .LBB1_6-.Ltmp1, $4  }
0x1d: {  	s12 =	simm.s32 @!p1 $0x2  }
0x1e: {  	s14 =	sadd.s32 $0x1, s10;
	_ =	swait.ge @!p1 [sflag:s12], $0x2000  }
0x1f: {  	s11 =	smov.u32 s9;
	p0 =	por !p0, !p0;
	[sflag:s12] =	ssyncset.done @!p1 $0x0  }
0x20: {  	s10 =	smov.u32 s14;
	s9 =	smov.u32 s13;
	[sflag:s12] =	ssyncadd.s32 @!p1 $0xFFFFE000  }
.LBB1_1:
0x21: {  	p1 =	sge.u32 s10, s6  }
0x22: {  	s12 =	sand.u32 @!p1 $0x1FFFFFF, s9  }
0x23: {  	s13 =	smulhi.u32 @!p1 $0x147AE15, s12;
	_ =	sdelay $0x1  }
0x24: {  	s13 =	sshrl.u32 @!p1 s13, $0xA  }
0x25: {  	s13 =	smul.u32 @!p1 $0x32000, s13;
	_ =	sdelay $0x1  }
0x26: {  	s31 =	sadd.s32 $0xFFFFFFFF, s10;
	s14 =	sxor.u32 @!p1 $0xFFFFFFFF, s10;
	s12 =	ssub.s32 @!p1 s12, s13  }
0x27: {  	s15 =	simm.s32 @!p1 $0x80;
	s14 =	sshll.u32 @!p1 s14, $0xD;
	s12 =	sshll.u32 @!p1 s12, $0x4  }
0x28: {  	s13 =	sand.u32 @!p1 $0x2000, s14;
	s14 =	simm.s32 @!p1 $0x40;
	s12 =	sadd.s32 @!p1 s4, s12  }
0x29: {  	[tilespmem:s13], [sflag:$0x1] =	stream.strided.gather @!p1 [hbm4b:s12+s14], $0x2000, s15, s14, $0x38;
	[tilespmem:$0x8080] =	vst v63  }
0x2a: {  	p1 =	sge.u32 s31, s6  }
.Ltmp2:
0x2b: {  	_ = 	snop;
	(pc) =	sbr.rel @p1 .LBB1_5-.Ltmp2, $1  }
0x2c: {  	_ =	sdelay $0x3  }
0x2d: {  	s12 =	simm.s32 $0x1  }
0x2e: {  	_ =	swait.ge [sflag:s5], $0x2000;
	s12 =	simm.s32 @!p0 $0x0  }
0x2f: {  	[sflag:s5] =	ssyncset.done $0x0;
	s13 =	sshll.u32 s12, $0xD  }
0x30: {  	[sflag:s5] =	ssyncadd.s32 $0xFFFFE000;
	s16 =	sor.u32 $0x20, s13  }
0x31: {  	s12 =	smul.u32 $0x8100, s12;
	v3 =	vld [tilespmem:s16+$0x10]  }
0x32: {  	s30 =	sand.u32 $0x1, s10;
	v2 =	vld [tilespmem:s16+$0xFFFFFFF0]  }
0x33: {  	s13 =	smul.u32 $0x8100, s30;
	s12 =	sshrl.u32 s12, $0x2;
	v0 =	vld [tilespmem:s16+$0x0]  }
0x34: {  	v1 =	vld [tilespmem:s16+$0xFFFFFFE0];
	s14 =	sor.u32 $0x4000, s12  }
0x35: {  	s31 =	sshrl.u32 s13, $0x2;
	s13 =	sadd.s32 $0x0, s14  }
0x36: {  	s15 =	simm.s32 $0x4;
	s16 =	sadd.s32 $0x40, s16;
	s12 =	sor.u32 $0x4000, s31;
	[tilespmem:s13+$0x1830 ss:$0x81] =	vst.msk $0xffff, v3  }
.LBB1_3:
0x37: {  	v3 =	vld [tilespmem:s16+$0x10];
	p1 =	sne.s32 s15, $0x1FC;
	[tilespmem:s13+$0x810 ss:$0x81] =	vst.msk $0xffff, v2;
	s17 =	smov.u32 s15;
	s15 =	sadd.s32 $0x4, s15  }
.Ltmp3:
0x38: {  	v2 =	vld [tilespmem:s16+$0xFFFFFFF0];
	[tilespmem:s13+$0x1020 ss:$0x81] =	vst.msk $0xffff, v0;
	(pc) =	sbr.rel @p1 .LBB1_3-.Ltmp3, $4  }
0x39: {  	v0 =	vld [tilespmem:s16+$0x0];
	[tilespmem:s13+$0x0 ss:$0x81] =	vst.msk $0xffff, v1  }
0x3a: {  	s13 =	sshra.s32 s17, $0x2;
	v1 =	vld [tilespmem:s16+$0xFFFFFFE0]  }
0x3b: {  	s13 =	sadd.s32 s13, s14  }
0x3c: {  	s16 =	sadd.s32 $0x40, s16;
	[tilespmem:s13+$0x1830 ss:$0x81] =	vst.msk $0xffff, v3  }
.Ltmp4:
0x3d: {  	_ = 	snop;
	(pc) =	sbr.rel .LBB1_4-.Ltmp4, $1  }
0x3e: {  	_ =	sdelay $0x3  }
.LBB1_6:
0x3f: {  	_ =	sfence.sel $0x180000  }
0x40: {  	s2 =	simm.s32 $0x1;
	[bflag:$0x0] =	sbarrier.arrive $0xFFFF  }
0x41: {  	s31 =	simm.s32 $0x2;
	[sflag:s2] =	ssyncpa.u1 $0x1  }
0x42: {  	[sflag:s31] =	ssyncpa.u1 $0x1  }
0x43: {  	p0 =	sne.s32 s0, $0x0;
	_ =	strace $0x9000004A  }
0x44: {  	s0 =	sadd.s32 @!p0 $0x100000, s1;
	[bflag:$0x2] =	sbarrier.arrive $0xFFFF  }
0x45: {  	[sflag:s0] =	ssyncadd.tile.s32 @!p0 $0x1;
	_ =	shalt  }
.Lfunc_end1:
_tile_overlayer_lowered:
.L_overlay_start_2:
0x46: {  	(tag) =	ssettag $0x2  }
0x47: {  	s0 =	rddreg [dreg:$0x0];
	s2 =	stileid.u32  }
0x48: {  	s1 =	rddreg [dreg:$0x1];
	p0 =	sne.s32 s2, $0x0  }
0x49: {  	s3 =	rddreg [dreg:$0x2];
	[bflag:$0x3] =	sbarrier.arrive $0xFFFF;
	s2 =	simm.s32 @!p0 $0x1C01  }
0x4a: {  	[timem:s3], [sflag:s2] =	dma.local @!p0 [hbm:s0], s1  }
0x4b: {  	s0 =	simm.s32 @!p0 $0x1  }
0x4c: {  	_ =	swait.ge @!p0 [sflag:s0], s1  }
0x4d: {  	s1 =	ssub.s32 @!p0 $0x0, s1;
	[sflag:s0] =	ssyncset.done @!p0 $0x0  }
0x4e: {  	[sflag:s0] =	ssyncadd.s32 @!p0 s1  }
0x4f: {  	[bflag:$0x3] =	sbarrier.arrive $0xFFFF  }
0x50: {  	_ =	shalt  }

</sc_bundles>
